<compile_context>
chip_gen: v7x
topology: tpu7x:2x2x1
jax: 0.10.2.dev20260603
libtpu: 0.0.44.dev20260713+nightly
codegen_flags: <defaults>
</compile_context>

<pallas_src>
import functools

import jax
import jax.numpy as jnp
from jax import lax
from jax.experimental import pallas as pl
from jax.experimental.pallas import tpu as pltpu
from jax.experimental.pallas import tpu_sc as plsc

NC = 2
NS = 16
NW = NC * NS
L = 16


def _phase_a(nodes, src, dst, features):
    B = nodes.shape[0]
    E = src.shape[0]
    N, D = features.shape
    E_PER = E // NW
    B_PER = B // NW
    SLOTS = B + 8 * NS
    K = 128
    NCH = (E_PER + K - 1) // K
    CAP = NCH * K + K
    RPT = SLOTS // NS
    NPAD = ((N + 127) // 128) * 128

    mesh = plsc.VectorSubcoreMesh(core_axis_name="c", subcore_axis_name="s")

    @functools.partial(
        pl.kernel,
        out_type=[
            jax.ShapeDtypeStruct((SLOTS, D), jnp.float32),
            jax.ShapeDtypeStruct((SLOTS, D), jnp.float32),
            jax.ShapeDtypeStruct((SLOTS,), jnp.float32),
            jax.ShapeDtypeStruct((SLOTS,), jnp.float32),
            jax.ShapeDtypeStruct((B,), jnp.int32),
            jax.ShapeDtypeStruct((B, D), jnp.float32),
        ],
        mesh=mesh,
        compiler_params=pltpu.CompilerParams(needs_layout_passes=False,
                                             use_tc_tiling_on_sc=False),
        scratch_types=[
            pltpu.VMEM((NPAD,), jnp.int32),
            pltpu.VMEM((B,), jnp.int32),
            pltpu.VMEM((E_PER,), jnp.int32),
            pltpu.VMEM((E_PER,), jnp.int32),
            pltpu.VMEM((CAP,), jnp.int32),
            pltpu.VMEM((CAP,), jnp.int32),
            pltpu.VMEM((3, K, D), jnp.float32),
            pltpu.VMEM((K, L), jnp.float32),
            pltpu.VMEM((B_PER,), jnp.int32),
            pltpu.VMEM((B_PER, D), jnp.float32),
            pltpu.VMEM((RPT, D), jnp.float32),
            pltpu.VMEM((RPT, L), jnp.float32),
            pltpu.VMEM((RPT + L, L), jnp.float32),
            pltpu.VMEM((((RPT + L - 1) // L) * L,), jnp.float32),
            pltpu.VMEM_SHARED((SLOTS, D), jnp.float32),
            pltpu.VMEM_SHARED((SLOTS, L), jnp.float32),
            pltpu.SemaphoreType.DMA,
            pltpu.SemaphoreType.DMA,
            pltpu.SemaphoreType.DMA,
            pltpu.SemaphoreType.DMA,
        ],
    )
    def k(nodes_h, src_h, dst_h, feat_h, acc0_h, acc1_h, cnt0_h, cnt1_h, g_h,
          self_h, tbl, nod, srcv, dstv, lsrc, lslot, gbuf, ones, gch, sbuf,
          zr, zc, cbandv, cband1, acc, cnt, sem, sg0, sg1, sg2):
        c = lax.axis_index("c")
        s = lax.axis_index("s")
        wid = s * NC + c

        pltpu.sync_copy(nodes_h, nod)

        neg1 = jnp.full((L,), -1, jnp.int32)
        def init_t(i, _):
            tbl[pl.ds(i * L, L)] = neg1
            return 0
        lax.fori_loop(0, NPAD // L, init_t, 0, unroll=8)
        iota = lax.iota(jnp.int32, L)
        def fill_t(i, _):
            plsc.store_scatter(tbl, [nod[pl.ds(i * L, L)]], iota + i * L)
            return 0
        lax.fori_loop(0, B // L, fill_t, 0, unroll=8)

        eb = wid * E_PER
        pltpu.sync_copy(src_h.at[pl.ds(eb, E_PER)], srcv)
        pltpu.sync_copy(dst_h.at[pl.ds(eb, E_PER)], dstv)

        def filt(j, m):
            d = dstv[pl.ds(j * L, L)]
            sl = plsc.load_gather(tbl, [d])
            msk = sl >= 0
            cum = plsc.cumsum(msk.astype(jnp.int32))
            pos = m + cum - 1
            plsc.store_scatter(lsrc, [pos], srcv[pl.ds(j * L, L)], mask=msk)
            plsc.store_scatter(lslot, [pos], sl, mask=msk)
            return m + jnp.max(cum)
        m = lax.fori_loop(0, E_PER // L, filt, jnp.int32(0), unroll=8)

        zero_i = jnp.zeros((L,), jnp.int32)
        dummy = jnp.full((L,), B, jnp.int32)
        for p in range(K // L):
            pidx = m + iota + p * L
            plsc.store_scatter(lsrc, [pidx], zero_i)
            plsc.store_scatter(lslot, [pidx], dummy)

        nch = (m + (K - 1)) // K
        sgs = [sg0, sg1, sg2]
        NB = 3
        def issue(o, b):
            pltpu.async_copy(feat_h.at[lsrc.at[pl.ds(o, K)]],
                             gbuf.at[b], sgs[b])

        def drain(o, b):
            pltpu.make_async_copy(feat_h.at[lsrc.at[pl.ds(o, K)]],
                                  gbuf.at[b], sgs[b]).wait()

        for b in range(NB):
            @pl.when(b < nch)
            def _(b=b):
                issue(b * K, b)

        bb = wid * B_PER
        def fill_g(i, _):
            gch[pl.ds(i * L, L)] = plsc.load_gather(tbl, [nod[pl.ds(bb + i * L, L)]])
            return 0
        lax.fori_loop(0, B_PER // L, fill_g, 0)
        pltpu.sync_copy(gch, g_h.at[pl.ds(bb, B_PER)])
        pltpu.async_copy(feat_h.at[nod.at[pl.ds(bb, B_PER)]], sbuf, sem).wait()
        pltpu.sync_copy(sbuf, self_h.at[pl.ds(bb, B_PER)])

        zero = jnp.zeros((L,), jnp.float32)
        one = jnp.ones((L,), jnp.float32)
        def zfill(i, _):
            for q in range(D // L):
                zr[i, pl.ds(q * L, L)] = zero
            zc[i] = zero
            return 0
        lax.fori_loop(0, RPT, zfill, 0, unroll=4)
        def ofill(i, _):
            ones[i] = one
            return 0
        lax.fori_loop(0, K, ofill, 0, unroll=8)
        r0 = s * RPT
        pltpu.sync_copy(zr, acc.at[pl.ds(r0, RPT)])
        pltpu.sync_copy(zc, cnt.at[pl.ds(r0, RPT)])
        plsc.subcore_barrier()

        def ring(tt, _):
            for b in range(NB):
                t = tt * NB + b
                @pl.when(t < nch)
                def _(b=b, t=t):
                    o = pl.multiple_of(t * K, K)
                    drain(o, b)
                    idx = lslot.at[pl.ds(o, K)]
                    pltpu.sync_copy(gbuf.at[b], acc.at[idx], add=True)
                    pltpu.sync_copy(ones, cnt.at[idx], add=True)
                    tn = t + NB
                    @pl.when(tn < nch)
                    def _():
                        issue(pl.multiple_of(tn * K, K), b)
            return 0
        lax.fori_loop(0, (nch + NB - 1) // NB, ring, 0)
        plsc.subcore_barrier()

        pltpu.sync_copy(cnt.at[pl.ds(r0, RPT)], cbandv.at[pl.ds(0, RPT)])
        zidx = jnp.zeros((L,), jnp.int32)
        for t in range((RPT + L - 1) // L):
            rows = iota + t * L
            cband1[pl.ds(t * L, L)] = plsc.load_gather(cbandv, [rows, zidx])

        @pl.when(c == 0)
        def _():
            pltpu.sync_copy(acc.at[pl.ds(r0, RPT)], acc0_h.at[pl.ds(r0, RPT)])
            pltpu.sync_copy(cband1.at[pl.ds(0, RPT)], cnt0_h.at[pl.ds(r0, RPT)])
        @pl.when(c == 1)
        def _():
            pltpu.sync_copy(acc.at[pl.ds(r0, RPT)], acc1_h.at[pl.ds(r0, RPT)])
            pltpu.sync_copy(cband1.at[pl.ds(0, RPT)], cnt1_h.at[pl.ds(r0, RPT)])

    return k(nodes, src, dst, features)


def _phase_c(selfb, g, acc0, acc1, cnt0, cnt1, W_enc, weight):
    B, D = selfb.shape
    SLOTS = acc0.shape[0]

    def body(sref, gref, a0, a1, c0, c1, we, wc, ob):
        gv = gref[...]
        onehot = (gv[:, None] ==
                  lax.broadcasted_iota(jnp.int32, (B, SLOTS), 1)
                  ).astype(jnp.float32)
        macc = jnp.concatenate(
            [a0[...] + a1[...], (c0[...] + c1[...])[:, None]], axis=1)
        p = lax.dot_general(onehot, macc, (((1,), (0,)), ((), ())),
                            preferred_element_type=jnp.float32)
        neigh = p[:, :D] / jnp.maximum(p[:, D:D + 1], 1.0)
        w1 = we[:, :D]
        w2 = we[:, D:]
        e = lax.dot_general(sref[...], w1, (((1,), (1,)), ((), ())),
                            preferred_element_type=jnp.float32)
        e = e + lax.dot_general(neigh, w2, (((1,), (1,)), ((), ())),
                                preferred_element_type=jnp.float32)
        e = jnp.maximum(e, 0.0)
        ob[...] = lax.dot_general(e, wc[...], (((1,), (1,)), ((), ())),
                                  preferred_element_type=jnp.float32)

    return pl.pallas_call(
        body,
        out_shape=jax.ShapeDtypeStruct((B, weight.shape[0]), jnp.float32),
    )(selfb, g, acc0, acc1, cnt0, cnt1, W_enc, weight)


def kernel(nodes, edge_index, features, W_enc, weight):
    src = edge_index[0]
    dst = edge_index[1]
    acc0, acc1, cnt0, cnt1, g, selfb = _phase_a(nodes, src, dst, features)
    return _phase_c(selfb, g, acc0, acc1, cnt0, cnt1, W_enc, weight)

# --- scband reference (transcript-rebuilt; emitter-appended) ---
"""Pipeline reference for scband-supervised-graph-sage-1348619731284 (READ-ONLY COPY).

The authoritative reference and input builder live on the scoring server;
editing this copy changes nothing except your own understanding.
"""

import jax, jax.numpy as jnp
import numpy as np

N_NODES = 10000
D_FEAT = 128
N_EDGES = 320000
EMBED_DIM = 128
NUM_CLASSES = 40
BATCH = 1024


def setup_inputs(seed: int = 0) -> dict:
    key = jax.random.key(seed)
    k1, k2, k3, k4, k5 = jax.random.split(key, 5)
    features = jax.random.normal(k1, (N_NODES, D_FEAT), dtype=jnp.float32)
    edge_index = jax.random.randint(k2, (2, N_EDGES), 0, N_NODES, dtype=jnp.int32)
    nodes = jax.random.randint(k3, (BATCH,), 0, N_NODES, dtype=jnp.int32)
    # Encoder weight: maps concat(self_feats, neigh_feats) [2*D_FEAT] -> EMBED_DIM
    W_enc = jax.random.normal(k4, (EMBED_DIM, 2 * D_FEAT), dtype=jnp.float32) * 0.05
    # Classifier weight (self.weight in the torch module): [NUM_CLASSES, EMBED_DIM]
    weight = jax.random.normal(k5, (NUM_CLASSES, EMBED_DIM), dtype=jnp.float32) * 0.05
    return {"nodes": nodes, "edge_index": edge_index, "features": features, "W_enc": W_enc, "weight": weight}


def reference(nodes, edge_index, features, W_enc, weight):
    # --- Encoder (GraphSAGE mean aggregator) ---
    src = edge_index[0]
    dst = edge_index[1]
    msgs = jnp.take(features, src, axis=0)  # gather [E, d_feat]
    neigh_sum = jax.ops.segment_sum(msgs, dst, num_segments=N_NODES)  # scatter-add
    deg = jax.ops.segment_sum(jnp.ones((N_EDGES,), dtype=features.dtype), dst, num_segments=N_NODES)
    neigh_mean = neigh_sum / jnp.maximum(deg, 1.0)[:, None]
    self_feats = jnp.take(features, nodes, axis=0)       # [B, d_feat]
    neigh_feats = jnp.take(neigh_mean, nodes, axis=0)    # [B, d_feat]
    combined = jnp.concatenate([self_feats, neigh_feats], axis=1)  # [B, 2*d_feat]
    embeds = jax.nn.relu(W_enc @ combined.T)             # [embed_dim, B]  (enc(nodes))
    # --- SupervisedGraphSage.forward ---
    scores = weight @ embeds                             # [num_classes, B]
    return scores.T                                      # [B, num_classes]

if __name__ == "__main__":
    import jax
    _d = setup_inputs()
    print(jax.jit(kernel)(*tuple(_d.values())))

</pallas_src>

<mosaic_0001>
#map = affine_map<(d0, d1) -> (0)>
#map1 = affine_map<(d0, d1) -> (0, 0)>
module attributes {stable_mosaic.version = 14 : i64} {
  func.func @k(%arg0: i32, %arg1: i32, %arg2: memref<1024xi32, #tpu.memory_space<hbm>>, %arg3: memref<320000xi32, #tpu.memory_space<hbm>>, %arg4: memref<320000xi32, #tpu.memory_space<hbm>>, %arg5: memref<10000x128xf32, #tpu.memory_space<hbm>>, %arg6: memref<1152x128xf32, #tpu.memory_space<hbm>>, %arg7: memref<1152x128xf32, #tpu.memory_space<hbm>>, %arg8: memref<1152xf32, #tpu.memory_space<hbm>>, %arg9: memref<1152xf32, #tpu.memory_space<hbm>>, %arg10: memref<1024xi32, #tpu.memory_space<hbm>>, %arg11: memref<1024x128xf32, #tpu.memory_space<hbm>>, %arg12: memref<10112xi32, #tpu.memory_space<vmem>>, %arg13: memref<1024xi32, #tpu.memory_space<vmem>>, %arg14: memref<10000xi32, #tpu.memory_space<vmem>>, %arg15: memref<10000xi32, #tpu.memory_space<vmem>>, %arg16: memref<10240xi32, #tpu.memory_space<vmem>>, %arg17: memref<10240xi32, #tpu.memory_space<vmem>>, %arg18: memref<3x128x128xf32, #tpu.memory_space<vmem>>, %arg19: memref<128x16xf32, #tpu.memory_space<vmem>>, %arg20: memref<32xi32, #tpu.memory_space<vmem>>, %arg21: memref<32x128xf32, #tpu.memory_space<vmem>>, %arg22: memref<72x128xf32, #tpu.memory_space<vmem>>, %arg23: memref<72x16xf32, #tpu.memory_space<vmem>>, %arg24: memref<88x16xf32, #tpu.memory_space<vmem>>, %arg25: memref<80xf32, #tpu.memory_space<vmem>>, %arg26: memref<1152x128xf32, #tpu.memory_space<vmem_shared>>, %arg27: memref<1152x16xf32, #tpu.memory_space<vmem_shared>>, %arg28: memref<!tpu.dma_semaphore, #tpu.memory_space<semaphore_mem>>, %arg29: memref<!tpu.dma_semaphore, #tpu.memory_space<semaphore_mem>>, %arg30: memref<!tpu.dma_semaphore, #tpu.memory_space<semaphore_mem>>, %arg31: memref<!tpu.dma_semaphore, #tpu.memory_space<semaphore_mem>>) attributes {dimension_semantics = [#tpu.dimension_semantics<core_parallel>, #tpu.dimension_semantics<subcore_parallel>], iteration_bounds = array<i64: 2, 16>, scalar_prefetch = 0 : i64, scratch_operands = 20 : i64, tpu.core_type = #tpu.core_type<sc_vector_subcore>, window_params = [{transform_indices = #map}, {transform_indices = #map}, {transform_indices = #map}, {transform_indices = #map1}, {transform_indices = #map1}, {transform_indices = #map1}, {transform_indices = #map}, {transform_indices = #map}, {transform_indices = #map}, {transform_indices = #map1}]} {
    %mul3A = arith.constant 2 : i32
    %mul3A_0 = arith.muli %arg1, %mul3A : i32
    %add3A = arith.addi %mul3A_0, %arg0 : i32
    "tpu.region"() ({
      %run_scoped3A = tpu.sem_alloc : memref<!tpu.dma_semaphore, #tpu.memory_space<semaphore_mem>>
      tpu.enqueue_dma source(%arg2 : memref<1024xi32, #tpu.memory_space<hbm>>) target(%arg13 : memref<1024xi32, #tpu.memory_space<vmem>>) target_semaphore(%run_scoped3A : memref<!tpu.dma_semaphore, #tpu.memory_space<semaphore_mem>>)
      tpu.wait_dma2 semaphore(%run_scoped3A : memref<!tpu.dma_semaphore, #tpu.memory_space<semaphore_mem>>) src(%arg2 : memref<1024xi32, #tpu.memory_space<hbm>>) dst(%arg13 : memref<1024xi32, #tpu.memory_space<vmem>>)
      tpu.yield
    }) : () -> ()
    %broadcast_in_dim3A = arith.constant -1 : i32
    %broadcast_in_dim3A_1 = vector.broadcast %broadcast_in_dim3A : i32 to vector<16xi32>
    %scan3A = arith.constant 0 : i32
    %scan3A_2 = arith.constant 0 : i32
    %scan3A_3 = arith.constant 632 : i32
    %scan3A_4 = arith.addi %scan3A_2, %scan3A_3 : i32
    %scan3A_5 = arith.constant 8 : i32
    %scan3A_6 = scf.for %scan3A_240 = %scan3A_2 to %scan3A_4 step %scan3A_5 iter_args(%scan3A_241 = %scan3A) -> (i32)  : i32 {
      %mul3A_242 = arith.constant 16 : i32
      %mul3A_243 = arith.muli %scan3A_240, %mul3A_242 : i32
      %swap3A_244 = arith.index_cast %mul3A_243 : i32 to index
      %swap3A_245 = tpu.vector_load %arg12[%swap3A_244] {strides = array<i32>} : memref<10112xi32, #tpu.memory_space<vmem>>, vector<16xi32>,
      tpu.vector_store %arg12[%swap3A_244], %broadcast_in_dim3A_1 {strides = array<i32>} : memref<10112xi32, #tpu.memory_space<vmem>>, vector<16xi32>,
      %scan3A_246 = arith.constant 0 : i32
      %scan3A_247 = arith.constant 1 : i32
      %scan3A_248 = arith.addi %scan3A_240, %scan3A_247 : i32
      %mul3A_249 = arith.constant 16 : i32
      %mul3A_250 = arith.muli %scan3A_248, %mul3A_249 : i32
      %swap3A_251 = arith.index_cast %mul3A_250 : i32 to index
      %swap3A_252 = tpu.vector_load %arg12[%swap3A_251] {strides = array<i32>} : memref<10112xi32, #tpu.memory_space<vmem>>, vector<16xi32>,
      tpu.vector_store %arg12[%swap3A_251], %broadcast_in_dim3A_1 {strides = array<i32>} : memref<10112xi32, #tpu.memory_space<vmem>>, vector<16xi32>,
      %scan3A_253 = arith.constant 0 : i32
      %scan3A_254 = arith.constant 2 : i32
      %scan3A_255 = arith.addi %scan3A_240, %scan3A_254 : i32
      %mul3A_256 = arith.constant 16 : i32
      %mul3A_257 = arith.muli %scan3A_255, %mul3A_256 : i32
      %swap3A_258 = arith.index_cast %mul3A_257 : i32 to index
      %swap3A_259 = tpu.vector_load %arg12[%swap3A_258] {strides = array<i32>} : memref<10112xi32, #tpu.memory_space<vmem>>, vector<16xi32>,
      tpu.vector_store %arg12[%swap3A_258], %broadcast_in_dim3A_1 {strides = array<i32>} : memref<10112xi32, #tpu.memory_space<vmem>>, vector<16xi32>,
      %scan3A_260 = arith.constant 0 : i32
      %scan3A_261 = arith.constant 3 : i32
      %scan3A_262 = arith.addi %scan3A_240, %scan3A_261 : i32
      %mul3A_263 = arith.constant 16 : i32
      %mul3A_264 = arith.muli %scan3A_262, %mul3A_263 : i32
      %swap3A_265 = arith.index_cast %mul3A_264 : i32 to index
      %swap3A_266 = tpu.vector_load %arg12[%swap3A_265] {strides = array<i32>} : memref<10112xi32, #tpu.memory_space<vmem>>, vector<16xi32>,
      tpu.vector_store %arg12[%swap3A_265], %broadcast_in_dim3A_1 {strides = array<i32>} : memref<10112xi32, #tpu.memory_space<vmem>>, vector<16xi32>,
      %scan3A_267 = arith.constant 0 : i32
      %scan3A_268 = arith.constant 4 : i32
      %scan3A_269 = arith.addi %scan3A_240, %scan3A_268 : i32
      %mul3A_270 = arith.constant 16 : i32
      %mul3A_271 = arith.muli %scan3A_269, %mul3A_270 : i32
      %swap3A_272 = arith.index_cast %mul3A_271 : i32 to index
      %swap3A_273 = tpu.vector_load %arg12[%swap3A_272] {strides = array<i32>} : memref<10112xi32, #tpu.memory_space<vmem>>, vector<16xi32>,
      tpu.vector_store %arg12[%swap3A_272], %broadcast_in_dim3A_1 {strides = array<i32>} : memref<10112xi32, #tpu.memory_space<vmem>>, vector<16xi32>,
      %scan3A_274 = arith.constant 0 : i32
      %scan3A_275 = arith.constant 5 : i32
      %scan3A_276 = arith.addi %scan3A_240, %scan3A_275 : i32
      %mul3A_277 = arith.constant 16 : i32
      %mul3A_278 = arith.muli %scan3A_276, %mul3A_277 : i32
      %swap3A_279 = arith.index_cast %mul3A_278 : i32 to index
      %swap3A_280 = tpu.vector_load %arg12[%swap3A_279] {strides = array<i32>} : memref<10112xi32, #tpu.memory_space<vmem>>, vector<16xi32>,
      tpu.vector_store %arg12[%swap3A_279], %broadcast_in_dim3A_1 {strides = array<i32>} : memref<10112xi32, #tpu.memory_space<vmem>>, vector<16xi32>,
      %scan3A_281 = arith.constant 0 : i32
      %scan3A_282 = arith.constant 6 : i32
      %scan3A_283 = arith.addi %scan3A_240, %scan3A_282 : i32
      %mul3A_284 = arith.constant 16 : i32
      %mul3A_285 = arith.muli %scan3A_283, %mul3A_284 : i32
      %swap3A_286 = arith.index_cast %mul3A_285 : i32 to index
      %swap3A_287 = tpu.vector_load %arg12[%swap3A_286] {strides = array<i32>} : memref<10112xi32, #tpu.memory_space<vmem>>, vector<16xi32>,
      tpu.vector_store %arg12[%swap3A_286], %broadcast_in_dim3A_1 {strides = array<i32>} : memref<10112xi32, #tpu.memory_space<vmem>>, vector<16xi32>,
      %scan3A_288 = arith.constant 0 : i32
      %scan3A_289 = arith.constant 7 : i32
      %scan3A_290 = arith.addi %scan3A_240, %scan3A_289 : i32
      %mul3A_291 = arith.constant 16 : i32
      %mul3A_292 = arith.muli %scan3A_290, %mul3A_291 : i32
      %swap3A_293 = arith.index_cast %mul3A_292 : i32 to index
      %swap3A_294 = tpu.vector_load %arg12[%swap3A_293] {strides = array<i32>} : memref<10112xi32, #tpu.memory_space<vmem>>, vector<16xi32>,
      tpu.vector_store %arg12[%swap3A_293], %broadcast_in_dim3A_1 {strides = array<i32>} : memref<10112xi32, #tpu.memory_space<vmem>>, vector<16xi32>,
      %scan3A_295 = arith.constant 0 : i32
      scf.yield %scan3A_295 : i32
    }
    %scan3A_7 = arith.constant 632 : i32
    %iota3A = tpu.iota {dimensions = array<i32: 0>} : vector<16xi32>
    %scan3A_8 = arith.constant 0 : i32
    %scan3A_9 = arith.constant 0 : i32
    %scan3A_10 = arith.constant 64 : i32
    %scan3A_11 = arith.addi %scan3A_9, %scan3A_10 : i32
    %scan3A_12 = arith.constant 8 : i32
    %scan3A_13 = scf.for %scan3A_240 = %scan3A_9 to %scan3A_11 step %scan3A_12 iter_args(%scan3A_241 = %scan3A_8) -> (i32)  : i32 {
      %mul3A_242 = arith.constant 16 : i32
      %mul3A_243 = arith.muli %scan3A_240, %mul3A_242 : i32
      %get3A_244 = arith.index_cast %mul3A_243 : i32 to index
      %get3A_245 = tpu.vector_load %arg13[%get3A_244] {strides = array<i32>} : memref<1024xi32, #tpu.memory_space<vmem>>, vector<16xi32>,
      %mul3A_246 = arith.constant 16 : i32
      %mul3A_247 = arith.muli %scan3A_240, %mul3A_246 : i32
      %add3A_248 = vector.broadcast %mul3A_247 : i32 to vector<16xi32>
      %add3A_249 = arith.addi %iota3A, %add3A_248 : vector<16xi32>
      tpu.vector_store_idx %arg12[%get3A_245], %add3A_249 : memref<10112xi32, #tpu.memory_space<vmem>>[vector<16xi32>], vector<16xi32>,
      %scan3A_250 = arith.constant 0 : i32
      %scan3A_251 = arith.constant 1 : i32
      %scan3A_252 = arith.addi %scan3A_240, %scan3A_251 : i32
      %mul3A_253 = arith.constant 16 : i32
      %mul3A_254 = arith.muli %scan3A_252, %mul3A_253 : i32
      %get3A_255 = arith.index_cast %mul3A_254 : i32 to index
      %get3A_256 = tpu.vector_load %arg13[%get3A_255] {strides = array<i32>} : memref<1024xi32, #tpu.memory_space<vmem>>, vector<16xi32>,
      %mul3A_257 = arith.constant 16 : i32
      %mul3A_258 = arith.muli %scan3A_252, %mul3A_257 : i32
      %add3A_259 = vector.broadcast %mul3A_258 : i32 to vector<16xi32>
      %add3A_260 = arith.addi %iota3A, %add3A_259 : vector<16xi32>
      tpu.vector_store_idx %arg12[%get3A_256], %add3A_260 : memref<10112xi32, #tpu.memory_space<vmem>>[vector<16xi32>], vector<16xi32>,
      %scan3A_261 = arith.constant 0 : i32
      %scan3A_262 = arith.constant 2 : i32
      %scan3A_263 = arith.addi %scan3A_240, %scan3A_262 : i32
      %mul3A_264 = arith.constant 16 : i32
      %mul3A_265 = arith.muli %scan3A_263, %mul3A_264 : i32
      %get3A_266 = arith.index_cast %mul3A_265 : i32 to index
      %get3A_267 = tpu.vector_load %arg13[%get3A_266] {strides = array<i32>} : memref<1024xi32, #tpu.memory_space<vmem>>, vector<16xi32>,
      %mul3A_268 = arith.constant 16 : i32
      %mul3A_269 = arith.muli %scan3A_263, %mul3A_268 : i32
      %add3A_270 = vector.broadcast %mul3A_269 : i32 to vector<16xi32>
      %add3A_271 = arith.addi %iota3A, %add3A_270 : vector<16xi32>
      tpu.vector_store_idx %arg12[%get3A_267], %add3A_271 : memref<10112xi32, #tpu.memory_space<vmem>>[vector<16xi32>], vector<16xi32>,
      %scan3A_272 = arith.constant 0 : i32
      %scan3A_273 = arith.constant 3 : i32
      %scan3A_274 = arith.addi %scan3A_240, %scan3A_273 : i32
      %mul3A_275 = arith.constant 16 : i32
      %mul3A_276 = arith.muli %scan3A_274, %mul3A_275 : i32
      %get3A_277 = arith.index_cast %mul3A_276 : i32 to index
      %get3A_278 = tpu.vector_load %arg13[%get3A_277] {strides = array<i32>} : memref<1024xi32, #tpu.memory_space<vmem>>, vector<16xi32>,
      %mul3A_279 = arith.constant 16 : i32
      %mul3A_280 = arith.muli %scan3A_274, %mul3A_279 : i32
      %add3A_281 = vector.broadcast %mul3A_280 : i32 to vector<16xi32>
      %add3A_282 = arith.addi %iota3A, %add3A_281 : vector<16xi32>
      tpu.vector_store_idx %arg12[%get3A_278], %add3A_282 : memref<10112xi32, #tpu.memory_space<vmem>>[vector<16xi32>], vector<16xi32>,
      %scan3A_283 = arith.constant 0 : i32
      %scan3A_284 = arith.constant 4 : i32
      %scan3A_285 = arith.addi %scan3A_240, %scan3A_284 : i32
      %mul3A_286 = arith.constant 16 : i32
      %mul3A_287 = arith.muli %scan3A_285, %mul3A_286 : i32
      %get3A_288 = arith.index_cast %mul3A_287 : i32 to index
      %get3A_289 = tpu.vector_load %arg13[%get3A_288] {strides = array<i32>} : memref<1024xi32, #tpu.memory_space<vmem>>, vector<16xi32>,
      %mul3A_290 = arith.constant 16 : i32
      %mul3A_291 = arith.muli %scan3A_285, %mul3A_290 : i32
      %add3A_292 = vector.broadcast %mul3A_291 : i32 to vector<16xi32>
      %add3A_293 = arith.addi %iota3A, %add3A_292 : vector<16xi32>
      tpu.vector_store_idx %arg12[%get3A_289], %add3A_293 : memref<10112xi32, #tpu.memory_space<vmem>>[vector<16xi32>], vector<16xi32>,
      %scan3A_294 = arith.constant 0 : i32
      %scan3A_295 = arith.constant 5 : i32
      %scan3A_296 = arith.addi %scan3A_240, %scan3A_295 : i32
      %mul3A_297 = arith.constant 16 : i32
      %mul3A_298 = arith.muli %scan3A_296, %mul3A_297 : i32
      %get3A_299 = arith.index_cast %mul3A_298 : i32 to index
      %get3A_300 = tpu.vector_load %arg13[%get3A_299] {strides = array<i32>} : memref<1024xi32, #tpu.memory_space<vmem>>, vector<16xi32>,
      %mul3A_301 = arith.constant 16 : i32
      %mul3A_302 = arith.muli %scan3A_296, %mul3A_301 : i32
      %add3A_303 = vector.broadcast %mul3A_302 : i32 to vector<16xi32>
      %add3A_304 = arith.addi %iota3A, %add3A_303 : vector<16xi32>
      tpu.vector_store_idx %arg12[%get3A_300], %add3A_304 : memref<10112xi32, #tpu.memory_space<vmem>>[vector<16xi32>], vector<16xi32>,
      %scan3A_305 = arith.constant 0 : i32
      %scan3A_306 = arith.constant 6 : i32
      %scan3A_307 = arith.addi %scan3A_240, %scan3A_306 : i32
      %mul3A_308 = arith.constant 16 : i32
      %mul3A_309 = arith.muli %scan3A_307, %mul3A_308 : i32
      %get3A_310 = arith.index_cast %mul3A_309 : i32 to index
      %get3A_311 = tpu.vector_load %arg13[%get3A_310] {strides = array<i32>} : memref<1024xi32, #tpu.memory_space<vmem>>, vector<16xi32>,
      %mul3A_312 = arith.constant 16 : i32
      %mul3A_313 = arith.muli %scan3A_307, %mul3A_312 : i32
      %add3A_314 = vector.broadcast %mul3A_313 : i32 to vector<16xi32>
      %add3A_315 = arith.addi %iota3A, %add3A_314 : vector<16xi32>
      tpu.vector_store_idx %arg12[%get3A_311], %add3A_315 : memref<10112xi32, #tpu.memory_space<vmem>>[vector<16xi32>], vector<16xi32>,
      %scan3A_316 = arith.constant 0 : i32
      %scan3A_317 = arith.constant 7 : i32
      %scan3A_318 = arith.addi %scan3A_240, %scan3A_317 : i32
      %mul3A_319 = arith.constant 16 : i32
      %mul3A_320 = arith.muli %scan3A_318, %mul3A_319 : i32
      %get3A_321 = arith.index_cast %mul3A_320 : i32 to index
      %get3A_322 = tpu.vector_load %arg13[%get3A_321] {strides = array<i32>} : memref<1024xi32, #tpu.memory_space<vmem>>, vector<16xi32>,
      %mul3A_323 = arith.constant 16 : i32
      %mul3A_324 = arith.muli %scan3A_318, %mul3A_323 : i32
      %add3A_325 = vector.broadcast %mul3A_324 : i32 to vector<16xi32>
      %add3A_326 = arith.addi %iota3A, %add3A_325 : vector<16xi32>
      tpu.vector_store_idx %arg12[%get3A_322], %add3A_326 : memref<10112xi32, #tpu.memory_space<vmem>>[vector<16xi32>], vector<16xi32>,
      %scan3A_327 = arith.constant 0 : i32
      scf.yield %scan3A_327 : i32
    }
    %scan3A_14 = arith.constant 64 : i32
    %mul3A_15 = arith.constant 10000 : i32
    %mul3A_16 = arith.muli %add3A, %mul3A_15 : i32
    "tpu.region"() ({
      %run_scoped3A = tpu.sem_alloc : memref<!tpu.dma_semaphore, #tpu.memory_space<semaphore_mem>>
      %dma_start3A_240 = tpu.memref_slice %arg3[%mul3A_16] : memref<320000xi32, #tpu.memory_space<hbm>> -> memref<10000xi32, #tpu.memory_space<hbm>>
      %dma_start3A_241 = tpu.memref_slice %arg3[%mul3A_16] : memref<320000xi32, #tpu.memory_space<hbm>> -> memref<10000xi32, #tpu.memory_space<hbm>>
      tpu.enqueue_dma source(%dma_start3A_241 : memref<10000xi32, #tpu.memory_space<hbm>>) target(%arg14 : memref<10000xi32, #tpu.memory_space<vmem>>) target_semaphore(%run_scoped3A : memref<!tpu.dma_semaphore, #tpu.memory_space<semaphore_mem>>)
      %dma_wait3A_242 = tpu.memref_slice %arg3[%mul3A_16] : memref<320000xi32, #tpu.memory_space<hbm>> -> memref<10000xi32, #tpu.memory_space<hbm>>
      %dma_wait3A_243 = tpu.memref_slice %arg3[%mul3A_16] : memref<320000xi32, #tpu.memory_space<hbm>> -> memref<10000xi32, #tpu.memory_space<hbm>>
      tpu.wait_dma2 semaphore(%run_scoped3A : memref<!tpu.dma_semaphore, #tpu.memory_space<semaphore_mem>>) src(%dma_wait3A_243 : memref<10000xi32, #tpu.memory_space<hbm>>) dst(%arg14 : memref<10000xi32, #tpu.memory_space<vmem>>)
      tpu.yield
    }) : () -> ()
    "tpu.region"() ({
      %run_scoped3A = tpu.sem_alloc : memref<!tpu.dma_semaphore, #tpu.memory_space<semaphore_mem>>
      %dma_start3A_240 = tpu.memref_slice %arg4[%mul3A_16] : memref<320000xi32, #tpu.memory_space<hbm>> -> memref<10000xi32, #tpu.memory_space<hbm>>
      %dma_start3A_241 = tpu.memref_slice %arg4[%mul3A_16] : memref<320000xi32, #tpu.memory_space<hbm>> -> memref<10000xi32, #tpu.memory_space<hbm>>
      tpu.enqueue_dma source(%dma_start3A_241 : memref<10000xi32, #tpu.memory_space<hbm>>) target(%arg15 : memref<10000xi32, #tpu.memory_space<vmem>>) target_semaphore(%run_scoped3A : memref<!tpu.dma_semaphore, #tpu.memory_space<semaphore_mem>>)
      %dma_wait3A_242 = tpu.memref_slice %arg4[%mul3A_16] : memref<320000xi32, #tpu.memory_space<hbm>> -> memref<10000xi32, #tpu.memory_space<hbm>>
      %dma_wait3A_243 = tpu.memref_slice %arg4[%mul3A_16] : memref<320000xi32, #tpu.memory_space<hbm>> -> memref<10000xi32, #tpu.memory_space<hbm>>
      tpu.wait_dma2 semaphore(%run_scoped3A : memref<!tpu.dma_semaphore, #tpu.memory_space<semaphore_mem>>) src(%dma_wait3A_243 : memref<10000xi32, #tpu.memory_space<hbm>>) dst(%arg15 : memref<10000xi32, #tpu.memory_space<vmem>>)
      tpu.yield
    }) : () -> ()
    %scan3A_17 = arith.constant 0 : i32
    %scan3A_18 = arith.constant 0 : i32
    %scan3A_19 = arith.constant 624 : i32
    %scan3A_20 = arith.addi %scan3A_18, %scan3A_19 : i32
    %scan3A_21 = arith.constant 8 : i32
    %scan3A_22 = scf.for %scan3A_240 = %scan3A_18 to %scan3A_20 step %scan3A_21 iter_args(%scan3A_241 = %scan3A_17) -> (i32)  : i32 {
      %mul3A_242 = arith.constant 16 : i32
      %mul3A_243 = arith.muli %scan3A_240, %mul3A_242 : i32
      %get3A_244 = arith.index_cast %mul3A_243 : i32 to index
      %get3A_245 = tpu.vector_load %arg15[%get3A_244] {strides = array<i32>} : memref<10000xi32, #tpu.memory_space<vmem>>, vector<16xi32>,
      %gather3A_246 = tpu.vector_load_idx %arg12[%get3A_245] : memref<10112xi32, #tpu.memory_space<vmem>>[vector<16xi32>], vector<16xi32>,
      %ge3A_247 = arith.constant 0 : i32
      %ge3A_248 = vector.broadcast %ge3A_247 : i32 to vector<16xi32>
      %ge3A_249 = arith.cmpi sge, %gather3A_246, %ge3A_248 : vector<16xi32>
      %convert_element_type3A_250 = arith.extui %ge3A_249 : vector<16xi1> to vector<16xi32>
      %broadcast_in_dim3A_251 = arith.constant true
      %broadcast_in_dim3A_252 = vector.broadcast %broadcast_in_dim3A_251 : i1 to vector<16xi1>
      %masked_cumsum3A_253 = tpu.scan <sum>, %convert_element_type3A_250 masked %broadcast_in_dim3A_252 : vector<16xi32>, vector<16xi1> -> vector<16xi32>
      %add3A_254 = vector.broadcast %scan3A_241 : i32 to vector<16xi32>
      %add3A_255 = arith.addi %add3A_254, %masked_cumsum3A_253 : vector<16xi32>
      %sub3A_256 = arith.constant 1 : i32
      %sub3A_257 = vector.broadcast %sub3A_256 : i32 to vector<16xi32>
      %sub3A_258 = arith.subi %add3A_255, %sub3A_257 : vector<16xi32>
      %mul3A_259 = arith.constant 16 : i32
      %mul3A_260 = arith.muli %scan3A_240, %mul3A_259 : i32
      %get3A_261 = arith.index_cast %mul3A_260 : i32 to index
      %get3A_262 = tpu.vector_load %arg14[%get3A_261] {strides = array<i32>} : memref<10000xi32, #tpu.memory_space<vmem>>, vector<16xi32>,
      tpu.vector_store_idx %arg16[%sub3A_258], %get3A_262 masked %ge3A_249 : memref<10240xi32, #tpu.memory_space<vmem>>[vector<16xi32>], vector<16xi32>, vector<16xi1>
      tpu.vector_store_idx %arg17[%sub3A_258], %gather3A_246 masked %ge3A_249 : memref<10240xi32, #tpu.memory_space<vmem>>[vector<16xi32>], vector<16xi32>, vector<16xi1>
      %reduce_max3A_263 = arith.constant true
      %reduce_max3A_264 = vector.broadcast %reduce_max3A_263 : i1 to vector<16xi1>
      %reduce_max3A_265 = arith.constant -2147483648 : i32
      %reduce_max3A_266 = vector.broadcast %reduce_max3A_265 : i32 to vector<16xi32>
      %reduce_max3A_267 = arith.xori %masked_cumsum3A_253, %reduce_max3A_266 : vector<16xi32>
      %reduce_max3A_268 = tpu.scan <max>, %reduce_max3A_267 masked %reduce_max3A_264 : vector<16xi32>, vector<16xi1> -> vector<16xi32>
      %reduce_max3A_269 = arith.xori %reduce_max3A_268, %reduce_max3A_266 : vector<16xi32>
      %reduce_max3A_270 = vector.extract %reduce_max3A_269[15] : i32 from vector<16xi32>
      %add3A_271 = arith.addi %scan3A_241, %reduce_max3A_270 : i32
      %scan3A_272 = arith.constant 1 : i32
      %scan3A_273 = arith.addi %scan3A_240, %scan3A_272 : i32
      %mul3A_274 = arith.constant 16 : i32
      %mul3A_275 = arith.muli %scan3A_273, %mul3A_274 : i32
      %get3A_276 = arith.index_cast %mul3A_275 : i32 to index
      %get3A_277 = tpu.vector_load %arg15[%get3A_276] {strides = array<i32>} : memref<10000xi32, #tpu.memory_space<vmem>>, vector<16xi32>,
      %gather3A_278 = tpu.vector_load_idx %arg12[%get3A_277] : memref<10112xi32, #tpu.memory_space<vmem>>[vector<16xi32>], vector<16xi32>,
      %ge3A_279 = arith.constant 0 : i32
      %ge3A_280 = vector.broadcast %ge3A_279 : i32 to vector<16xi32>
      %ge3A_281 = arith.cmpi sge, %gather3A_278, %ge3A_280 : vector<16xi32>
      %convert_element_type3A_282 = arith.extui %ge3A_281 : vector<16xi1> to vector<16xi32>
      %broadcast_in_dim3A_283 = arith.constant true
      %broadcast_in_dim3A_284 = vector.broadcast %broadcast_in_dim3A_283 : i1 to vector<16xi1>
      %masked_cumsum3A_285 = tpu.scan <sum>, %convert_element_type3A_282 masked %broadcast_in_dim3A_284 : vector<16xi32>, vector<16xi1> -> vector<16xi32>
      %add3A_286 = vector.broadcast %add3A_271 : i32 to vector<16xi32>
      %add3A_287 = arith.addi %add3A_286, %masked_cumsum3A_285 : vector<16xi32>
      %sub3A_288 = arith.constant 1 : i32
      %sub3A_289 = vector.broadcast %sub3A_288 : i32 to vector<16xi32>
      %sub3A_290 = arith.subi %add3A_287, %sub3A_289 : vector<16xi32>
      %mul3A_291 = arith.constant 16 : i32
      %mul3A_292 = arith.muli %scan3A_273, %mul3A_291 : i32
      %get3A_293 = arith.index_cast %mul3A_292 : i32 to index
      %get3A_294 = tpu.vector_load %arg14[%get3A_293] {strides = array<i32>} : memref<10000xi32, #tpu.memory_space<vmem>>, vector<16xi32>,
      tpu.vector_store_idx %arg16[%sub3A_290], %get3A_294 masked %ge3A_281 : memref<10240xi32, #tpu.memory_space<vmem>>[vector<16xi32>], vector<16xi32>, vector<16xi1>
      tpu.vector_store_idx %arg17[%sub3A_290], %gather3A_278 masked %ge3A_281 : memref<10240xi32, #tpu.memory_space<vmem>>[vector<16xi32>], vector<16xi32>, vector<16xi1>
      %reduce_max3A_295 = arith.constant true
      %reduce_max3A_296 = vector.broadcast %reduce_max3A_295 : i1 to vector<16xi1>
      %reduce_max3A_297 = arith.constant -2147483648 : i32
      %reduce_max3A_298 = vector.broadcast %reduce_max3A_297 : i32 to vector<16xi32>
      %reduce_max3A_299 = arith.xori %masked_cumsum3A_285, %reduce_max3A_298 : vector<16xi32>
      %reduce_max3A_300 = tpu.scan <max>, %reduce_max3A_299 masked %reduce_max3A_296 : vector<16xi32>, vector<16xi1> -> vector<16xi32>
      %reduce_max3A_301 = arith.xori %reduce_max3A_300, %reduce_max3A_298 : vector<16xi32>
      %reduce_max3A_302 = vector.extract %reduce_max3A_301[15] : i32 from vector<16xi32>
      %add3A_303 = arith.addi %add3A_271, %reduce_max3A_302 : i32
      %scan3A_304 = arith.constant 2 : i32
      %scan3A_305 = arith.addi %scan3A_240, %scan3A_304 : i32
      %mul3A_306 = arith.constant 16 : i32
      %mul3A_307 = arith.muli %scan3A_305, %mul3A_306 : i32
      %get3A_308 = arith.index_cast %mul3A_307 : i32 to index
      %get3A_309 = tpu.vector_load %arg15[%get3A_308] {strides = array<i32>} : memref<10000xi32, #tpu.memory_space<vmem>>, vector<16xi32>,
      %gather3A_310 = tpu.vector_load_idx %arg12[%get3A_309] : memref<10112xi32, #tpu.memory_space<vmem>>[vector<16xi32>], vector<16xi32>,
      %ge3A_311 = arith.constant 0 : i32
      %ge3A_312 = vector.broadcast %ge3A_311 : i32 to vector<16xi32>
      %ge3A_313 = arith.cmpi sge, %gather3A_310, %ge3A_312 : vector<16xi32>
      %convert_element_type3A_314 = arith.extui %ge3A_313 : vector<16xi1> to vector<16xi32>
      %broadcast_in_dim3A_315 = arith.constant true
      %broadcast_in_dim3A_316 = vector.broadcast %broadcast_in_dim3A_315 : i1 to vector<16xi1>
      %masked_cumsum3A_317 = tpu.scan <sum>, %convert_element_type3A_314 masked %broadcast_in_dim3A_316 : vector<16xi32>, vector<16xi1> -> vector<16xi32>
      %add3A_318 = vector.broadcast %add3A_303 : i32 to vector<16xi32>
      %add3A_319 = arith.addi %add3A_318, %masked_cumsum3A_317 : vector<16xi32>
      %sub3A_320 = arith.constant 1 : i32
      %sub3A_321 = vector.broadcast %sub3A_320 : i32 to vector<16xi32>
      %sub3A_322 = arith.subi %add3A_319, %sub3A_321 : vector<16xi32>
      %mul3A_323 = arith.constant 16 : i32
      %mul3A_324 = arith.muli %scan3A_305, %mul3A_323 : i32
      %get3A_325 = arith.index_cast %mul3A_324 : i32 to index
      %get3A_326 = tpu.vector_load %arg14[%get3A_325] {strides = array<i32>} : memref<10000xi32, #tpu.memory_space<vmem>>, vector<16xi32>,
      tpu.vector_store_idx %arg16[%sub3A_322], %get3A_326 masked %ge3A_313 : memref<10240xi32, #tpu.memory_space<vmem>>[vector<16xi32>], vector<16xi32>, vector<16xi1>
      tpu.vector_store_idx %arg17[%sub3A_322], %gather3A_310 masked %ge3A_313 : memref<10240xi32, #tpu.memory_space<vmem>>[vector<16xi32>], vector<16xi32>, vector<16xi1>
      %reduce_max3A_327 = arith.constant true
      %reduce_max3A_328 = vector.broadcast %reduce_max3A_327 : i1 to vector<16xi1>
      %reduce_max3A_329 = arith.constant -2147483648 : i32
      %reduce_max3A_330 = vector.broadcast %reduce_max3A_329 : i32 to vector<16xi32>
      %reduce_max3A_331 = arith.xori %masked_cumsum3A_317, %reduce_max3A_330 : vector<16xi32>
      %reduce_max3A_332 = tpu.scan <max>, %reduce_max3A_331 masked %reduce_max3A_328 : vector<16xi32>, vector<16xi1> -> vector<16xi32>
      %reduce_max3A_333 = arith.xori %reduce_max3A_332, %reduce_max3A_330 : vector<16xi32>
      %reduce_max3A_334 = vector.extract %reduce_max3A_333[15] : i32 from vector<16xi32>
      %add3A_335 = arith.addi %add3A_303, %reduce_max3A_334 : i32
      %scan3A_336 = arith.constant 3 : i32
      %scan3A_337 = arith.addi %scan3A_240, %scan3A_336 : i32
      %mul3A_338 = arith.constant 16 : i32
      %mul3A_339 = arith.muli %scan3A_337, %mul3A_338 : i32
      %get3A_340 = arith.index_cast %mul3A_339 : i32 to index
      %get3A_341 = tpu.vector_load %arg15[%get3A_340] {strides = array<i32>} : memref<10000xi32, #tpu.memory_space<vmem>>, vector<16xi32>,
      %gather3A_342 = tpu.vector_load_idx %arg12[%get3A_341] : memref<10112xi32, #tpu.memory_space<vmem>>[vector<16xi32>], vector<16xi32>,
      %ge3A_343 = arith.constant 0 : i32
      %ge3A_344 = vector.broadcast %ge3A_343 : i32 to vector<16xi32>
      %ge3A_345 = arith.cmpi sge, %gather3A_342, %ge3A_344 : vector<16xi32>
      %convert_element_type3A_346 = arith.extui %ge3A_345 : vector<16xi1> to vector<16xi32>
      %broadcast_in_dim3A_347 = arith.constant true
      %broadcast_in_dim3A_348 = vector.broadcast %broadcast_in_dim3A_347 : i1 to vector<16xi1>
      %masked_cumsum3A_349 = tpu.scan <sum>, %convert_element_type3A_346 masked %broadcast_in_dim3A_348 : vector<16xi32>, vector<16xi1> -> vector<16xi32>
      %add3A_350 = vector.broadcast %add3A_335 : i32 to vector<16xi32>
      %add3A_351 = arith.addi %add3A_350, %masked_cumsum3A_349 : vector<16xi32>
      %sub3A_352 = arith.constant 1 : i32
      %sub3A_353 = vector.broadcast %sub3A_352 : i32 to vector<16xi32>
      %sub3A_354 = arith.subi %add3A_351, %sub3A_353 : vector<16xi32>
      %mul3A_355 = arith.constant 16 : i32
      %mul3A_356 = arith.muli %scan3A_337, %mul3A_355 : i32
      %get3A_357 = arith.index_cast %mul3A_356 : i32 to index
      %get3A_358 = tpu.vector_load %arg14[%get3A_357] {strides = array<i32>} : memref<10000xi32, #tpu.memory_space<vmem>>, vector<16xi32>,
      tpu.vector_store_idx %arg16[%sub3A_354], %get3A_358 masked %ge3A_345 : memref<10240xi32, #tpu.memory_space<vmem>>[vector<16xi32>], vector<16xi32>, vector<16xi1>
      tpu.vector_store_idx %arg17[%sub3A_354], %gather3A_342 masked %ge3A_345 : memref<10240xi32, #tpu.memory_space<vmem>>[vector<16xi32>], vector<16xi32>, vector<16xi1>
      %reduce_max3A_359 = arith.constant true
      %reduce_max3A_360 = vector.broadcast %reduce_max3A_359 : i1 to vector<16xi1>
      %reduce_max3A_361 = arith.constant -2147483648 : i32
      %reduce_max3A_362 = vector.broadcast %reduce_max3A_361 : i32 to vector<16xi32>
      %reduce_max3A_363 = arith.xori %masked_cumsum3A_349, %reduce_max3A_362 : vector<16xi32>
      %reduce_max3A_364 = tpu.scan <max>, %reduce_max3A_363 masked %reduce_max3A_360 : vector<16xi32>, vector<16xi1> -> vector<16xi32>
      %reduce_max3A_365 = arith.xori %reduce_max3A_364, %reduce_max3A_362 : vector<16xi32>
      %reduce_max3A_366 = vector.extract %reduce_max3A_365[15] : i32 from vector<16xi32>
      %add3A_367 = arith.addi %add3A_335, %reduce_max3A_366 : i32
      %scan3A_368 = arith.constant 4 : i32
      %scan3A_369 = arith.addi %scan3A_240, %scan3A_368 : i32
      %mul3A_370 = arith.constant 16 : i32
      %mul3A_371 = arith.muli %scan3A_369, %mul3A_370 : i32
      %get3A_372 = arith.index_cast %mul3A_371 : i32 to index
      %get3A_373 = tpu.vector_load %arg15[%get3A_372] {strides = array<i32>} : memref<10000xi32, #tpu.memory_space<vmem>>, vector<16xi32>,
      %gather3A_374 = tpu.vector_load_idx %arg12[%get3A_373] : memref<10112xi32, #tpu.memory_space<vmem>>[vector<16xi32>], vector<16xi32>,
      %ge3A_375 = arith.constant 0 : i32
      %ge3A_376 = vector.broadcast %ge3A_375 : i32 to vector<16xi32>
      %ge3A_377 = arith.cmpi sge, %gather3A_374, %ge3A_376 : vector<16xi32>
      %convert_element_type3A_378 = arith.extui %ge3A_377 : vector<16xi1> to vector<16xi32>
      %broadcast_in_dim3A_379 = arith.constant true
      %broadcast_in_dim3A_380 = vector.broadcast %broadcast_in_dim3A_379 : i1 to vector<16xi1>
      %masked_cumsum3A_381 = tpu.scan <sum>, %convert_element_type3A_378 masked %broadcast_in_dim3A_380 : vector<16xi32>, vector<16xi1> -> vector<16xi32>
      %add3A_382 = vector.broadcast %add3A_367 : i32 to vector<16xi32>
      %add3A_383 = arith.addi %add3A_382, %masked_cumsum3A_381 : vector<16xi32>
      %sub3A_384 = arith.constant 1 : i32
      %sub3A_385 = vector.broadcast %sub3A_384 : i32 to vector<16xi32>
      %sub3A_386 = arith.subi %add3A_383, %sub3A_385 : vector<16xi32>
      %mul3A_387 = arith.constant 16 : i32
      %mul3A_388 = arith.muli %scan3A_369, %mul3A_387 : i32
      %get3A_389 = arith.index_cast %mul3A_388 : i32 to index
      %get3A_390 = tpu.vector_load %arg14[%get3A_389] {strides = array<i32>} : memref<10000xi32, #tpu.memory_space<vmem>>, vector<16xi32>,
      tpu.vector_store_idx %arg16[%sub3A_386], %get3A_390 masked %ge3A_377 : memref<10240xi32, #tpu.memory_space<vmem>>[vector<16xi32>], vector<16xi32>, vector<16xi1>
      tpu.vector_store_idx %arg17[%sub3A_386], %gather3A_374 masked %ge3A_377 : memref<10240xi32, #tpu.memory_space<vmem>>[vector<16xi32>], vector<16xi32>, vector<16xi1>
      %reduce_max3A_391 = arith.constant true
      %reduce_max3A_392 = vector.broadcast %reduce_max3A_391 : i1 to vector<16xi1>
      %reduce_max3A_393 = arith.constant -2147483648 : i32
      %reduce_max3A_394 = vector.broadcast %reduce_max3A_393 : i32 to vector<16xi32>
      %reduce_max3A_395 = arith.xori %masked_cumsum3A_381, %reduce_max3A_394 : vector<16xi32>
      %reduce_max3A_396 = tpu.scan <max>, %reduce_max3A_395 masked %reduce_max3A_392 : vector<16xi32>, vector<16xi1> -> vector<16xi32>
      %reduce_max3A_397 = arith.xori %reduce_max3A_396, %reduce_max3A_394 : vector<16xi32>
      %reduce_max3A_398 = vector.extract %reduce_max3A_397[15] : i32 from vector<16xi32>
      %add3A_399 = arith.addi %add3A_367, %reduce_max3A_398 : i32
      %scan3A_400 = arith.constant 5 : i32
      %scan3A_401 = arith.addi %scan3A_240, %scan3A_400 : i32
      %mul3A_402 = arith.constant 16 : i32
      %mul3A_403 = arith.muli %scan3A_401, %mul3A_402 : i32
      %get3A_404 = arith.index_cast %mul3A_403 : i32 to index
      %get3A_405 = tpu.vector_load %arg15[%get3A_404] {strides = array<i32>} : memref<10000xi32, #tpu.memory_space<vmem>>, vector<16xi32>,
      %gather3A_406 = tpu.vector_load_idx %arg12[%get3A_405] : memref<10112xi32, #tpu.memory_space<vmem>>[vector<16xi32>], vector<16xi32>,
      %ge3A_407 = arith.constant 0 : i32
      %ge3A_408 = vector.broadcast %ge3A_407 : i32 to vector<16xi32>
      %ge3A_409 = arith.cmpi sge, %gather3A_406, %ge3A_408 : vector<16xi32>
      %convert_element_type3A_410 = arith.extui %ge3A_409 : vector<16xi1> to vector<16xi32>
      %broadcast_in_dim3A_411 = arith.constant true
      %broadcast_in_dim3A_412 = vector.broadcast %broadcast_in_dim3A_411 : i1 to vector<16xi1>
      %masked_cumsum3A_413 = tpu.scan <sum>, %convert_element_type3A_410 masked %broadcast_in_dim3A_412 : vector<16xi32>, vector<16xi1> -> vector<16xi32>
      %add3A_414 = vector.broadcast %add3A_399 : i32 to vector<16xi32>
      %add3A_415 = arith.addi %add3A_414, %masked_cumsum3A_413 : vector<16xi32>
      %sub3A_416 = arith.constant 1 : i32
      %sub3A_417 = vector.broadcast %sub3A_416 : i32 to vector<16xi32>
      %sub3A_418 = arith.subi %add3A_415, %sub3A_417 : vector<16xi32>
      %mul3A_419 = arith.constant 16 : i32
      %mul3A_420 = arith.muli %scan3A_401, %mul3A_419 : i32
      %get3A_421 = arith.index_cast %mul3A_420 : i32 to index
      %get3A_422 = tpu.vector_load %arg14[%get3A_421] {strides = array<i32>} : memref<10000xi32, #tpu.memory_space<vmem>>, vector<16xi32>,
      tpu.vector_store_idx %arg16[%sub3A_418], %get3A_422 masked %ge3A_409 : memref<10240xi32, #tpu.memory_space<vmem>>[vector<16xi32>], vector<16xi32>, vector<16xi1>
      tpu.vector_store_idx %arg17[%sub3A_418], %gather3A_406 masked %ge3A_409 : memref<10240xi32, #tpu.memory_space<vmem>>[vector<16xi32>], vector<16xi32>, vector<16xi1>
      %reduce_max3A_423 = arith.constant true
      %reduce_max3A_424 = vector.broadcast %reduce_max3A_423 : i1 to vector<16xi1>
      %reduce_max3A_425 = arith.constant -2147483648 : i32
      %reduce_max3A_426 = vector.broadcast %reduce_max3A_425 : i32 to vector<16xi32>
      %reduce_max3A_427 = arith.xori %masked_cumsum3A_413, %reduce_max3A_426 : vector<16xi32>
      %reduce_max3A_428 = tpu.scan <max>, %reduce_max3A_427 masked %reduce_max3A_424 : vector<16xi32>, vector<16xi1> -> vector<16xi32>
      %reduce_max3A_429 = arith.xori %reduce_max3A_428, %reduce_max3A_426 : vector<16xi32>
      %reduce_max3A_430 = vector.extract %reduce_max3A_429[15] : i32 from vector<16xi32>
      %add3A_431 = arith.addi %add3A_399, %reduce_max3A_430 : i32
      %scan3A_432 = arith.constant 6 : i32
      %scan3A_433 = arith.addi %scan3A_240, %scan3A_432 : i32
      %mul3A_434 = arith.constant 16 : i32
      %mul3A_435 = arith.muli %scan3A_433, %mul3A_434 : i32
      %get3A_436 = arith.index_cast %mul3A_435 : i32 to index
      %get3A_437 = tpu.vector_load %arg15[%get3A_436] {strides = array<i32>} : memref<10000xi32, #tpu.memory_space<vmem>>, vector<16xi32>,
      %gather3A_438 = tpu.vector_load_idx %arg12[%get3A_437] : memref<10112xi32, #tpu.memory_space<vmem>>[vector<16xi32>], vector<16xi32>,
      %ge3A_439 = arith.constant 0 : i32
      %ge3A_440 = vector.broadcast %ge3A_439 : i32 to vector<16xi32>
      %ge3A_441 = arith.cmpi sge, %gather3A_438, %ge3A_440 : vector<16xi32>
      %convert_element_type3A_442 = arith.extui %ge3A_441 : vector<16xi1> to vector<16xi32>
      %broadcast_in_dim3A_443 = arith.constant true
      %broadcast_in_dim3A_444 = vector.broadcast %broadcast_in_dim3A_443 : i1 to vector<16xi1>
      %masked_cumsum3A_445 = tpu.scan <sum>, %convert_element_type3A_442 masked %broadcast_in_dim3A_444 : vector<16xi32>, vector<16xi1> -> vector<16xi32>
      %add3A_446 = vector.broadcast %add3A_431 : i32 to vector<16xi32>
      %add3A_447 = arith.addi %add3A_446, %masked_cumsum3A_445 : vector<16xi32>
      %sub3A_448 = arith.constant 1 : i32
      %sub3A_449 = vector.broadcast %sub3A_448 : i32 to vector<16xi32>
      %sub3A_450 = arith.subi %add3A_447, %sub3A_449 : vector<16xi32>
      %mul3A_451 = arith.constant 16 : i32
      %mul3A_452 = arith.muli %scan3A_433, %mul3A_451 : i32
      %get3A_453 = arith.index_cast %mul3A_452 : i32 to index
      %get3A_454 = tpu.vector_load %arg14[%get3A_453] {strides = array<i32>} : memref<10000xi32, #tpu.memory_space<vmem>>, vector<16xi32>,
      tpu.vector_store_idx %arg16[%sub3A_450], %get3A_454 masked %ge3A_441 : memref<10240xi32, #tpu.memory_space<vmem>>[vector<16xi32>], vector<16xi32>, vector<16xi1>
      tpu.vector_store_idx %arg17[%sub3A_450], %gather3A_438 masked %ge3A_441 : memref<10240xi32, #tpu.memory_space<vmem>>[vector<16xi32>], vector<16xi32>, vector<16xi1>
      %reduce_max3A_455 = arith.constant true
      %reduce_max3A_456 = vector.broadcast %reduce_max3A_455 : i1 to vector<16xi1>
      %reduce_max3A_457 = arith.constant -2147483648 : i32
      %reduce_max3A_458 = vector.broadcast %reduce_max3A_457 : i32 to vector<16xi32>
      %reduce_max3A_459 = arith.xori %masked_cumsum3A_445, %reduce_max3A_458 : vector<16xi32>
      %reduce_max3A_460 = tpu.scan <max>, %reduce_max3A_459 masked %reduce_max3A_456 : vector<16xi32>, vector<16xi1> -> vector<16xi32>
      %reduce_max3A_461 = arith.xori %reduce_max3A_460, %reduce_max3A_458 : vector<16xi32>
      %reduce_max3A_462 = vector.extract %reduce_max3A_461[15] : i32 from vector<16xi32>
      %add3A_463 = arith.addi %add3A_431, %reduce_max3A_462 : i32
      %scan3A_464 = arith.constant 7 : i32
      %scan3A_465 = arith.addi %scan3A_240, %scan3A_464 : i32
      %mul3A_466 = arith.constant 16 : i32
      %mul3A_467 = arith.muli %scan3A_465, %mul3A_466 : i32
      %get3A_468 = arith.index_cast %mul3A_467 : i32 to index
      %get3A_469 = tpu.vector_load %arg15[%get3A_468] {strides = array<i32>} : memref<10000xi32, #tpu.memory_space<vmem>>, vector<16xi32>,
      %gather3A_470 = tpu.vector_load_idx %arg12[%get3A_469] : memref<10112xi32, #tpu.memory_space<vmem>>[vector<16xi32>], vector<16xi32>,
      %ge3A_471 = arith.constant 0 : i32
      %ge3A_472 = vector.broadcast %ge3A_471 : i32 to vector<16xi32>
      %ge3A_473 = arith.cmpi sge, %gather3A_470, %ge3A_472 : vector<16xi32>
      %convert_element_type3A_474 = arith.extui %ge3A_473 : vector<16xi1> to vector<16xi32>
      %broadcast_in_dim3A_475 = arith.constant true
      %broadcast_in_dim3A_476 = vector.broadcast %broadcast_in_dim3A_475 : i1 to vector<16xi1>
      %masked_cumsum3A_477 = tpu.scan <sum>, %convert_element_type3A_474 masked %broadcast_in_dim3A_476 : vector<16xi32>, vector<16xi1> -> vector<16xi32>
      %add3A_478 = vector.broadcast %add3A_463 : i32 to vector<16xi32>
      %add3A_479 = arith.addi %add3A_478, %masked_cumsum3A_477 : vector<16xi32>
      %sub3A_480 = arith.constant 1 : i32
      %sub3A_481 = vector.broadcast %sub3A_480 : i32 to vector<16xi32>
      %sub3A_482 = arith.subi %add3A_479, %sub3A_481 : vector<16xi32>
      %mul3A_483 = arith.constant 16 : i32
      %mul3A_484 = arith.muli %scan3A_465, %mul3A_483 : i32
      %get3A_485 = arith.index_cast %mul3A_484 : i32 to index
      %get3A_486 = tpu.vector_load %arg14[%get3A_485] {strides = array<i32>} : memref<10000xi32, #tpu.memory_space<vmem>>, vector<16xi32>,
      tpu.vector_store_idx %arg16[%sub3A_482], %get3A_486 masked %ge3A_473 : memref<10240xi32, #tpu.memory_space<vmem>>[vector<16xi32>], vector<16xi32>, vector<16xi1>
      tpu.vector_store_idx %arg17[%sub3A_482], %gather3A_470 masked %ge3A_473 : memref<10240xi32, #tpu.memory_space<vmem>>[vector<16xi32>], vector<16xi32>, vector<16xi1>
      %reduce_max3A_487 = arith.constant true
      %reduce_max3A_488 = vector.broadcast %reduce_max3A_487 : i1 to vector<16xi1>
      %reduce_max3A_489 = arith.constant -2147483648 : i32
      %reduce_max3A_490 = vector.broadcast %reduce_max3A_489 : i32 to vector<16xi32>
      %reduce_max3A_491 = arith.xori %masked_cumsum3A_477, %reduce_max3A_490 : vector<16xi32>
      %reduce_max3A_492 = tpu.scan <max>, %reduce_max3A_491 masked %reduce_max3A_488 : vector<16xi32>, vector<16xi1> -> vector<16xi32>
      %reduce_max3A_493 = arith.xori %reduce_max3A_492, %reduce_max3A_490 : vector<16xi32>
      %reduce_max3A_494 = vector.extract %reduce_max3A_493[15] : i32 from vector<16xi32>
      %add3A_495 = arith.addi %add3A_463, %reduce_max3A_494 : i32
      scf.yield %add3A_495 : i32
    }
    %scan3A_23 = arith.constant 624 : i32
    %scan3A_24 = arith.addi %scan3A_18, %scan3A_23 : i32
    %mul3A_25 = arith.constant 16 : i32
    %mul3A_26 = arith.muli %scan3A_24, %mul3A_25 : i32
    %get3A = arith.index_cast %mul3A_26 : i32 to index
    %get3A_27 = tpu.vector_load %arg15[%get3A] {strides = array<i32>} : memref<10000xi32, #tpu.memory_space<vmem>>, vector<16xi32>,
    %gather3A = tpu.vector_load_idx %arg12[%get3A_27] : memref<10112xi32, #tpu.memory_space<vmem>>[vector<16xi32>], vector<16xi32>,
    %ge3A = arith.constant 0 : i32
    %ge3A_28 = vector.broadcast %ge3A : i32 to vector<16xi32>
    %ge3A_29 = arith.cmpi sge, %gather3A, %ge3A_28 : vector<16xi32>
    %convert_element_type3A = arith.extui %ge3A_29 : vector<16xi1> to vector<16xi32>
    %broadcast_in_dim3A_30 = arith.constant true
    %broadcast_in_dim3A_31 = vector.broadcast %broadcast_in_dim3A_30 : i1 to vector<16xi1>
    %masked_cumsum3A = tpu.scan <sum>, %convert_element_type3A masked %broadcast_in_dim3A_31 : vector<16xi32>, vector<16xi1> -> vector<16xi32>
    %add3A_32 = vector.broadcast %scan3A_22 : i32 to vector<16xi32>
    %add3A_33 = arith.addi %add3A_32, %masked_cumsum3A : vector<16xi32>
    %sub3A = arith.constant 1 : i32
    %sub3A_34 = vector.broadcast %sub3A : i32 to vector<16xi32>
    %sub3A_35 = arith.subi %add3A_33, %sub3A_34 : vector<16xi32>
    %mul3A_36 = arith.constant 16 : i32
    %mul3A_37 = arith.muli %scan3A_24, %mul3A_36 : i32
    %get3A_38 = arith.index_cast %mul3A_37 : i32 to index
    %get3A_39 = tpu.vector_load %arg14[%get3A_38] {strides = array<i32>} : memref<10000xi32, #tpu.memory_space<vmem>>, vector<16xi32>,
    tpu.vector_store_idx %arg16[%sub3A_35], %get3A_39 masked %ge3A_29 : memref<10240xi32, #tpu.memory_space<vmem>>[vector<16xi32>], vector<16xi32>, vector<16xi1>
    tpu.vector_store_idx %arg17[%sub3A_35], %gather3A masked %ge3A_29 : memref<10240xi32, #tpu.memory_space<vmem>>[vector<16xi32>], vector<16xi32>, vector<16xi1>
    %reduce_max3A = arith.constant true
    %reduce_max3A_40 = vector.broadcast %reduce_max3A : i1 to vector<16xi1>
    %reduce_max3A_41 = arith.constant -2147483648 : i32
    %reduce_max3A_42 = vector.broadcast %reduce_max3A_41 : i32 to vector<16xi32>
    %reduce_max3A_43 = arith.xori %masked_cumsum3A, %reduce_max3A_42 : vector<16xi32>
    %reduce_max3A_44 = tpu.scan <max>, %reduce_max3A_43 masked %reduce_max3A_40 : vector<16xi32>, vector<16xi1> -> vector<16xi32>
    %reduce_max3A_45 = arith.xori %reduce_max3A_44, %reduce_max3A_42 : vector<16xi32>
    %reduce_max3A_46 = vector.extract %reduce_max3A_45[15] : i32 from vector<16xi32>
    %add3A_47 = arith.addi %scan3A_22, %reduce_max3A_46 : i32
    %scan3A_48 = arith.constant 625 : i32
    %broadcast_in_dim3A_49 = arith.constant 0 : i32
    %broadcast_in_dim3A_50 = vector.broadcast %broadcast_in_dim3A_49 : i32 to vector<16xi32>
    %broadcast_in_dim3A_51 = arith.constant 1024 : i32
    %broadcast_in_dim3A_52 = vector.broadcast %broadcast_in_dim3A_51 : i32 to vector<16xi32>
    %add3A_53 = vector.broadcast %add3A_47 : i32 to vector<16xi32>
    %add3A_54 = arith.addi %add3A_53, %iota3A : vector<16xi32>
    %add3A_55 = arith.constant 0 : i32
    %add3A_56 = vector.broadcast %add3A_55 : i32 to vector<16xi32>
    %add3A_57 = arith.addi %add3A_54, %add3A_56 : vector<16xi32>
    tpu.vector_store_idx %arg16[%add3A_57], %broadcast_in_dim3A_50 : memref<10240xi32, #tpu.memory_space<vmem>>[vector<16xi32>], vector<16xi32>,
    tpu.vector_store_idx %arg17[%add3A_57], %broadcast_in_dim3A_52 : memref<10240xi32, #tpu.memory_space<vmem>>[vector<16xi32>], vector<16xi32>,
    %add3A_58 = vector.broadcast %add3A_47 : i32 to vector<16xi32>
    %add3A_59 = arith.addi %add3A_58, %iota3A : vector<16xi32>
    %add3A_60 = arith.constant 16 : i32
    %add3A_61 = vector.broadcast %add3A_60 : i32 to vector<16xi32>
    %add3A_62 = arith.addi %add3A_59, %add3A_61 : vector<16xi32>
    tpu.vector_store_idx %arg16[%add3A_62], %broadcast_in_dim3A_50 : memref<10240xi32, #tpu.memory_space<vmem>>[vector<16xi32>], vector<16xi32>,
    tpu.vector_store_idx %arg17[%add3A_62], %broadcast_in_dim3A_52 : memref<10240xi32, #tpu.memory_space<vmem>>[vector<16xi32>], vector<16xi32>,
    %add3A_63 = vector.broadcast %add3A_47 : i32 to vector<16xi32>
    %add3A_64 = arith.addi %add3A_63, %iota3A : vector<16xi32>
    %add3A_65 = arith.constant 32 : i32
    %add3A_66 = vector.broadcast %add3A_65 : i32 to vector<16xi32>
    %add3A_67 = arith.addi %add3A_64, %add3A_66 : vector<16xi32>
    tpu.vector_store_idx %arg16[%add3A_67], %broadcast_in_dim3A_50 : memref<10240xi32, #tpu.memory_space<vmem>>[vector<16xi32>], vector<16xi32>,
    tpu.vector_store_idx %arg17[%add3A_67], %broadcast_in_dim3A_52 : memref<10240xi32, #tpu.memory_space<vmem>>[vector<16xi32>], vector<16xi32>,
    %add3A_68 = vector.broadcast %add3A_47 : i32 to vector<16xi32>
    %add3A_69 = arith.addi %add3A_68, %iota3A : vector<16xi32>
    %add3A_70 = arith.constant 48 : i32
    %add3A_71 = vector.broadcast %add3A_70 : i32 to vector<16xi32>
    %add3A_72 = arith.addi %add3A_69, %add3A_71 : vector<16xi32>
    tpu.vector_store_idx %arg16[%add3A_72], %broadcast_in_dim3A_50 : memref<10240xi32, #tpu.memory_space<vmem>>[vector<16xi32>], vector<16xi32>,
    tpu.vector_store_idx %arg17[%add3A_72], %broadcast_in_dim3A_52 : memref<10240xi32, #tpu.memory_space<vmem>>[vector<16xi32>], vector<16xi32>,
    %add3A_73 = vector.broadcast %add3A_47 : i32 to vector<16xi32>
    %add3A_74 = arith.addi %add3A_73, %iota3A : vector<16xi32>
    %add3A_75 = arith.constant 64 : i32
    %add3A_76 = vector.broadcast %add3A_75 : i32 to vector<16xi32>
    %add3A_77 = arith.addi %add3A_74, %add3A_76 : vector<16xi32>
    tpu.vector_store_idx %arg16[%add3A_77], %broadcast_in_dim3A_50 : memref<10240xi32, #tpu.memory_space<vmem>>[vector<16xi32>], vector<16xi32>,
    tpu.vector_store_idx %arg17[%add3A_77], %broadcast_in_dim3A_52 : memref<10240xi32, #tpu.memory_space<vmem>>[vector<16xi32>], vector<16xi32>,
    %add3A_78 = vector.broadcast %add3A_47 : i32 to vector<16xi32>
    %add3A_79 = arith.addi %add3A_78, %iota3A : vector<16xi32>
    %add3A_80 = arith.constant 80 : i32
    %add3A_81 = vector.broadcast %add3A_80 : i32 to vector<16xi32>
    %add3A_82 = arith.addi %add3A_79, %add3A_81 : vector<16xi32>
    tpu.vector_store_idx %arg16[%add3A_82], %broadcast_in_dim3A_50 : memref<10240xi32, #tpu.memory_space<vmem>>[vector<16xi32>], vector<16xi32>,
    tpu.vector_store_idx %arg17[%add3A_82], %broadcast_in_dim3A_52 : memref<10240xi32, #tpu.memory_space<vmem>>[vector<16xi32>], vector<16xi32>,
    %add3A_83 = vector.broadcast %add3A_47 : i32 to vector<16xi32>
    %add3A_84 = arith.addi %add3A_83, %iota3A : vector<16xi32>
    %add3A_85 = arith.constant 96 : i32
    %add3A_86 = vector.broadcast %add3A_85 : i32 to vector<16xi32>
    %add3A_87 = arith.addi %add3A_84, %add3A_86 : vector<16xi32>
    tpu.vector_store_idx %arg16[%add3A_87], %broadcast_in_dim3A_50 : memref<10240xi32, #tpu.memory_space<vmem>>[vector<16xi32>], vector<16xi32>,
    tpu.vector_store_idx %arg17[%add3A_87], %broadcast_in_dim3A_52 : memref<10240xi32, #tpu.memory_space<vmem>>[vector<16xi32>], vector<16xi32>,
    %add3A_88 = vector.broadcast %add3A_47 : i32 to vector<16xi32>
    %add3A_89 = arith.addi %add3A_88, %iota3A : vector<16xi32>
    %add3A_90 = arith.constant 112 : i32
    %add3A_91 = vector.broadcast %add3A_90 : i32 to vector<16xi32>
    %add3A_92 = arith.addi %add3A_89, %add3A_91 : vector<16xi32>
    tpu.vector_store_idx %arg16[%add3A_92], %broadcast_in_dim3A_50 : memref<10240xi32, #tpu.memory_space<vmem>>[vector<16xi32>], vector<16xi32>,
    tpu.vector_store_idx %arg17[%add3A_92], %broadcast_in_dim3A_52 : memref<10240xi32, #tpu.memory_space<vmem>>[vector<16xi32>], vector<16xi32>,
    %add3A_93 = arith.constant 127 : i32
    %add3A_94 = arith.addi %add3A_47, %add3A_93 : i32
    %jit3A = arith.constant 128 : i32
    %div3A = arith.divsi %add3A_94, %jit3A : i32
    %sign3A = arith.constant 0 : i32
    %sign3A_95 = arith.cmpi sgt, %add3A_94, %sign3A : i32
    %sign3A_96 = arith.extui %sign3A_95 : i1 to i32
    %sign3A_97 = arith.constant 0 : i32
    %sign3A_98 = arith.cmpi slt, %add3A_94, %sign3A_97 : i32
    %sign3A_99 = arith.extui %sign3A_98 : i1 to i32
    %sign3A_100 = arith.subi %sign3A_96, %sign3A_99 : i32
    %sign3A_101 = arith.constant 0 : i32
    %sign3A_102 = arith.cmpi sgt, %jit3A, %sign3A_101 : i32
    %sign3A_103 = arith.extui %sign3A_102 : i1 to i32
    %sign3A_104 = arith.constant 0 : i32
    %sign3A_105 = arith.cmpi slt, %jit3A, %sign3A_104 : i32
    %sign3A_106 = arith.extui %sign3A_105 : i1 to i32
    %sign3A_107 = arith.subi %sign3A_103, %sign3A_106 : i32
    %ne3A = arith.cmpi ne, %sign3A_100, %sign3A_107 : i32
    %rem3A = arith.remsi %add3A_94, %jit3A : i32
    %ne3A_108 = arith.constant 0 : i32
    %ne3A_109 = arith.cmpi ne, %rem3A, %ne3A_108 : i32
    %and3A = arith.andi %ne3A, %ne3A_109 : i1
    %sub3A_110 = arith.constant 1 : i32
    %sub3A_111 = arith.subi %div3A, %sub3A_110 : i32
    %select_n3A = arith.select %and3A, %sub3A_111, %div3A : i32
    %gt3A = arith.constant 0 : i32
    %gt3A_112 = arith.cmpi sgt, %select_n3A, %gt3A : i32
    %convert_element_type3A_113 = arith.extui %gt3A_112 : i1 to i32
    %cond3A = arith.constant 0 : i32
    %cond3A_114 = arith.cmpi ne, %convert_element_type3A_113, %cond3A : i32
    scf.if %cond3A_114 {
      %dma_start3A_240 = arith.constant 0 : i32
      %dma_start3A_241 = arith.constant 0 : i32
      %dma_start3A_242 = arith.constant 0 : i32
      %dma_start3A_243 = tpu.memref_slice %arg18[%dma_start3A_240, %dma_start3A_241, %dma_start3A_242] : memref<3x128x128xf32, #tpu.memory_space<vmem>> -> memref<1x128x128xf32, #tpu.memory_space<vmem>>
      %dma_start3A_244 = tpu.memref_squeeze %dma_start3A_243 : memref<1x128x128xf32, #tpu.memory_space<vmem>> -> memref<128x128xf32, #tpu.memory_space<vmem>>
      %dma_start3A_245 = arith.constant 0 : i32
      %dma_start3A_246 = tpu.memref_slice %arg16[%dma_start3A_245] : memref<10240xi32, #tpu.memory_space<vmem>> -> memref<128xi32, #tpu.memory_space<vmem>>
      %dma_start3A_247 = arith.constant 0 : i32
      %dma_start3A_248 = arith.constant 0 : i32
      %dma_start3A_249 = tpu.memref_slice %arg5[%dma_start3A_247, %dma_start3A_248] : memref<10000x128xf32, #tpu.memory_space<hbm>> -> memref<10000x128xf32, #tpu.memory_space<hbm>>
      tpu.enqueue_indirect_dma source(%dma_start3A_249 : memref<10000x128xf32, #tpu.memory_space<hbm>>) target(%dma_start3A_244 : memref<128x128xf32, #tpu.memory_space<vmem>>) offsets(%dma_start3A_246 : memref<128xi32, #tpu.memory_space<vmem>>) semaphore(%arg29 : memref<!tpu.dma_semaphore, #tpu.memory_space<semaphore_mem>>)
    } else {
    }
    %gt3A_115 = arith.constant 1 : i32
    %gt3A_116 = arith.cmpi sgt, %select_n3A, %gt3A_115 : i32
    %convert_element_type3A_117 = arith.extui %gt3A_116 : i1 to i32
    %cond3A_118 = arith.constant 0 : i32
    %cond3A_119 = arith.cmpi ne, %convert_element_type3A_117, %cond3A_118 : i32
    scf.if %cond3A_119 {
      %dma_start3A_240 = arith.constant 1 : i32
      %dma_start3A_241 = arith.constant 0 : i32
      %dma_start3A_242 = arith.constant 0 : i32
      %dma_start3A_243 = tpu.memref_slice %arg18[%dma_start3A_240, %dma_start3A_241, %dma_start3A_242] : memref<3x128x128xf32, #tpu.memory_space<vmem>> -> memref<1x128x128xf32, #tpu.memory_space<vmem>>
      %dma_start3A_244 = tpu.memref_squeeze %dma_start3A_243 : memref<1x128x128xf32, #tpu.memory_space<vmem>> -> memref<128x128xf32, #tpu.memory_space<vmem>>
      %dma_start3A_245 = arith.constant 128 : i32
      %dma_start3A_246 = tpu.memref_slice %arg16[%dma_start3A_245] : memref<10240xi32, #tpu.memory_space<vmem>> -> memref<128xi32, #tpu.memory_space<vmem>>
      %dma_start3A_247 = arith.constant 0 : i32
      %dma_start3A_248 = arith.constant 0 : i32
      %dma_start3A_249 = tpu.memref_slice %arg5[%dma_start3A_247, %dma_start3A_248] : memref<10000x128xf32, #tpu.memory_space<hbm>> -> memref<10000x128xf32, #tpu.memory_space<hbm>>
      tpu.enqueue_indirect_dma source(%dma_start3A_249 : memref<10000x128xf32, #tpu.memory_space<hbm>>) target(%dma_start3A_244 : memref<128x128xf32, #tpu.memory_space<vmem>>) offsets(%dma_start3A_246 : memref<128xi32, #tpu.memory_space<vmem>>) semaphore(%arg30 : memref<!tpu.dma_semaphore, #tpu.memory_space<semaphore_mem>>)
    } else {
    }
    %gt3A_120 = arith.constant 2 : i32
    %gt3A_121 = arith.cmpi sgt, %select_n3A, %gt3A_120 : i32
    %convert_element_type3A_122 = arith.extui %gt3A_121 : i1 to i32
    %cond3A_123 = arith.constant 0 : i32
    %cond3A_124 = arith.cmpi ne, %convert_element_type3A_122, %cond3A_123 : i32
    scf.if %cond3A_124 {
      %dma_start3A_240 = arith.constant 2 : i32
      %dma_start3A_241 = arith.constant 0 : i32
      %dma_start3A_242 = arith.constant 0 : i32
      %dma_start3A_243 = tpu.memref_slice %arg18[%dma_start3A_240, %dma_start3A_241, %dma_start3A_242] : memref<3x128x128xf32, #tpu.memory_space<vmem>> -> memref<1x128x128xf32, #tpu.memory_space<vmem>>
      %dma_start3A_244 = tpu.memref_squeeze %dma_start3A_243 : memref<1x128x128xf32, #tpu.memory_space<vmem>> -> memref<128x128xf32, #tpu.memory_space<vmem>>
      %dma_start3A_245 = arith.constant 256 : i32
      %dma_start3A_246 = tpu.memref_slice %arg16[%dma_start3A_245] : memref<10240xi32, #tpu.memory_space<vmem>> -> memref<128xi32, #tpu.memory_space<vmem>>
      %dma_start3A_247 = arith.constant 0 : i32
      %dma_start3A_248 = arith.constant 0 : i32
      %dma_start3A_249 = tpu.memref_slice %arg5[%dma_start3A_247, %dma_start3A_248] : memref<10000x128xf32, #tpu.memory_space<hbm>> -> memref<10000x128xf32, #tpu.memory_space<hbm>>
      tpu.enqueue_indirect_dma source(%dma_start3A_249 : memref<10000x128xf32, #tpu.memory_space<hbm>>) target(%dma_start3A_244 : memref<128x128xf32, #tpu.memory_space<vmem>>) offsets(%dma_start3A_246 : memref<128xi32, #tpu.memory_space<vmem>>) semaphore(%arg31 : memref<!tpu.dma_semaphore, #tpu.memory_space<semaphore_mem>>)
    } else {
    }
    %mul3A_125 = arith.constant 32 : i32
    %mul3A_126 = arith.muli %add3A, %mul3A_125 : i32
    %scan3A_127 = arith.constant 0 : i32
    %scan3A_128 = arith.constant 0 : i32
    %scan3A_129 = arith.constant 2 : i32
    %scan3A_130 = arith.addi %scan3A_128, %scan3A_129 : i32
    %scan3A_131 = arith.constant 1 : i32
    %scan3A_132 = scf.for %scan3A_240 = %scan3A_128 to %scan3A_130 step %scan3A_131 iter_args(%scan3A_241 = %scan3A_127) -> (i32)  : i32 {
      %mul3A_242 = arith.constant 16 : i32
      %mul3A_243 = arith.muli %scan3A_240, %mul3A_242 : i32
      %add3A_244 = arith.addi %mul3A_126, %mul3A_243 : i32
      %get3A_245 = arith.index_cast %add3A_244 : i32 to index
      %get3A_246 = tpu.vector_load %arg13[%get3A_245] {strides = array<i32>} : memref<1024xi32, #tpu.memory_space<vmem>>, vector<16xi32>,
      %gather3A_247 = tpu.vector_load_idx %arg12[%get3A_246] : memref<10112xi32, #tpu.memory_space<vmem>>[vector<16xi32>], vector<16xi32>,
      %mul3A_248 = arith.constant 16 : i32
      %mul3A_249 = arith.muli %scan3A_240, %mul3A_248 : i32
      %swap3A_250 = arith.index_cast %mul3A_249 : i32 to index
      %swap3A_251 = tpu.vector_load %arg20[%swap3A_250] {strides = array<i32>} : memref<32xi32, #tpu.memory_space<vmem>>, vector<16xi32>,
      tpu.vector_store %arg20[%swap3A_250], %gather3A_247 {strides = array<i32>} : memref<32xi32, #tpu.memory_space<vmem>>, vector<16xi32>,
      %scan3A_252 = arith.constant 0 : i32
      scf.yield %scan3A_252 : i32
    }
    %scan3A_133 = arith.constant 2 : i32
    "tpu.region"() ({
      %run_scoped3A = tpu.sem_alloc : memref<!tpu.dma_semaphore, #tpu.memory_space<semaphore_mem>>
      %dma_start3A_240 = tpu.memref_slice %arg10[%mul3A_126] : memref<1024xi32, #tpu.memory_space<hbm>> -> memref<32xi32, #tpu.memory_space<hbm>>
      %dma_start3A_241 = tpu.memref_slice %arg10[%mul3A_126] : memref<1024xi32, #tpu.memory_space<hbm>> -> memref<32xi32, #tpu.memory_space<hbm>>
      tpu.enqueue_dma source(%arg20 : memref<32xi32, #tpu.memory_space<vmem>>) target(%dma_start3A_241 : memref<32xi32, #tpu.memory_space<hbm>>) target_semaphore(%run_scoped3A : memref<!tpu.dma_semaphore, #tpu.memory_space<semaphore_mem>>)
      %dma_wait3A_242 = tpu.memref_slice %arg10[%mul3A_126] : memref<1024xi32, #tpu.memory_space<hbm>> -> memref<32xi32, #tpu.memory_space<hbm>>
      %dma_wait3A_243 = tpu.memref_slice %arg10[%mul3A_126] : memref<1024xi32, #tpu.memory_space<hbm>> -> memref<32xi32, #tpu.memory_space<hbm>>
      tpu.wait_dma2 semaphore(%run_scoped3A : memref<!tpu.dma_semaphore, #tpu.memory_space<semaphore_mem>>) src(%arg20 : memref<32xi32, #tpu.memory_space<vmem>>) dst(%dma_wait3A_243 : memref<32xi32, #tpu.memory_space<hbm>>)
      tpu.yield
    }) : () -> ()
    %dma_start3A = tpu.memref_slice %arg13[%mul3A_126] : memref<1024xi32, #tpu.memory_space<vmem>> -> memref<32xi32, #tpu.memory_space<vmem>>
    %dma_start3A_134 = arith.constant 0 : i32
    %dma_start3A_135 = arith.constant 0 : i32
    %dma_start3A_136 = tpu.memref_slice %arg5[%dma_start3A_134, %dma_start3A_135] : memref<10000x128xf32, #tpu.memory_space<hbm>> -> memref<10000x128xf32, #tpu.memory_space<hbm>>
    tpu.enqueue_indirect_dma source(%dma_start3A_136 : memref<10000x128xf32, #tpu.memory_space<hbm>>) target(%arg21 : memref<32x128xf32, #tpu.memory_space<vmem>>) offsets(%dma_start3A : memref<32xi32, #tpu.memory_space<vmem>>) semaphore(%arg28 : memref<!tpu.dma_semaphore, #tpu.memory_space<semaphore_mem>>)
    %dma_wait3A = tpu.memref_slice %arg13[%mul3A_126] : memref<1024xi32, #tpu.memory_space<vmem>> -> memref<32xi32, #tpu.memory_space<vmem>>
    %dma_wait3A_137 = arith.constant 0 : i32
    %dma_wait3A_138 = arith.constant 0 : i32
    %dma_wait3A_139 = tpu.memref_slice %arg5[%dma_wait3A_137, %dma_wait3A_138] : memref<10000x128xf32, #tpu.memory_space<hbm>> -> memref<10000x128xf32, #tpu.memory_space<hbm>>
    tpu.wait_indirect_dma semaphore(%arg28 : memref<!tpu.dma_semaphore, #tpu.memory_space<semaphore_mem>>) src(%dma_wait3A_139 : memref<10000x128xf32, #tpu.memory_space<hbm>>) dst(%arg21 : memref<32x128xf32, #tpu.memory_space<vmem>>)
    "tpu.region"() ({
      %run_scoped3A = tpu.sem_alloc : memref<!tpu.dma_semaphore, #tpu.memory_space<semaphore_mem>>
      %dma_start3A_240 = arith.constant 0 : i32
      %dma_start3A_241 = tpu.memref_slice %arg11[%mul3A_126, %dma_start3A_240] : memref<1024x128xf32, #tpu.memory_space<hbm>> -> memref<32x128xf32, #tpu.memory_space<hbm>>
      %dma_start3A_242 = arith.constant 0 : i32
      %dma_start3A_243 = tpu.memref_slice %arg11[%mul3A_126, %dma_start3A_242] : memref<1024x128xf32, #tpu.memory_space<hbm>> -> memref<32x128xf32, #tpu.memory_space<hbm>>
      tpu.enqueue_dma source(%arg21 : memref<32x128xf32, #tpu.memory_space<vmem>>) target(%dma_start3A_243 : memref<32x128xf32, #tpu.memory_space<hbm>>) target_semaphore(%run_scoped3A : memref<!tpu.dma_semaphore, #tpu.memory_space<semaphore_mem>>)
      %dma_wait3A_244 = arith.constant 0 : i32
      %dma_wait3A_245 = tpu.memref_slice %arg11[%mul3A_126, %dma_wait3A_244] : memref<1024x128xf32, #tpu.memory_space<hbm>> -> memref<32x128xf32, #tpu.memory_space<hbm>>
      %dma_wait3A_246 = arith.constant 0 : i32
      %dma_wait3A_247 = tpu.memref_slice %arg11[%mul3A_126, %dma_wait3A_246] : memref<1024x128xf32, #tpu.memory_space<hbm>> -> memref<32x128xf32, #tpu.memory_space<hbm>>
      tpu.wait_dma2 semaphore(%run_scoped3A : memref<!tpu.dma_semaphore, #tpu.memory_space<semaphore_mem>>) src(%arg21 : memref<32x128xf32, #tpu.memory_space<vmem>>) dst(%dma_wait3A_247 : memref<32x128xf32, #tpu.memory_space<hbm>>)
      tpu.yield
    }) : () -> ()
    %broadcast_in_dim3A_140 = arith.constant 0.000000e+00 : f32
    %broadcast_in_dim3A_141 = vector.broadcast %broadcast_in_dim3A_140 : f32 to vector<16xf32>
    %broadcast_in_dim3A_142 = arith.constant 1.000000e+00 : f32
    %broadcast_in_dim3A_143 = vector.broadcast %broadcast_in_dim3A_142 : f32 to vector<16xf32>
    %scan3A_144 = arith.constant 0 : i32
    %scan3A_145 = arith.constant 0 : i32
    %scan3A_146 = arith.constant 72 : i32
    %scan3A_147 = arith.addi %scan3A_145, %scan3A_146 : i32
    %scan3A_148 = arith.constant 4 : i32
    %scan3A_149 = scf.for %scan3A_240 = %scan3A_145 to %scan3A_147 step %scan3A_148 iter_args(%scan3A_241 = %scan3A_144) -> (i32)  : i32 {
      %swap3A_242 = arith.index_cast %scan3A_240 : i32 to index
      %swap3A_243 = arith.constant 0 : index
      %swap3A_244 = tpu.vector_load %arg22[%swap3A_242, %swap3A_243] {strides = array<i32>} : memref<72x128xf32, #tpu.memory_space<vmem>>, vector<16xf32>,
      tpu.vector_store %arg22[%swap3A_242, %swap3A_243], %broadcast_in_dim3A_141 {strides = array<i32>} : memref<72x128xf32, #tpu.memory_space<vmem>>, vector<16xf32>,
      %swap3A_245 = arith.index_cast %scan3A_240 : i32 to index
      %swap3A_246 = arith.constant 16 : index
      %swap3A_247 = tpu.vector_load %arg22[%swap3A_245, %swap3A_246] {strides = array<i32>} : memref<72x128xf32, #tpu.memory_space<vmem>>, vector<16xf32>,
      tpu.vector_store %arg22[%swap3A_245, %swap3A_246], %broadcast_in_dim3A_141 {strides = array<i32>} : memref<72x128xf32, #tpu.memory_space<vmem>>, vector<16xf32>,
      %swap3A_248 = arith.index_cast %scan3A_240 : i32 to index
      %swap3A_249 = arith.constant 32 : index
      %swap3A_250 = tpu.vector_load %arg22[%swap3A_248, %swap3A_249] {strides = array<i32>} : memref<72x128xf32, #tpu.memory_space<vmem>>, vector<16xf32>,
      tpu.vector_store %arg22[%swap3A_248, %swap3A_249], %broadcast_in_dim3A_141 {strides = array<i32>} : memref<72x128xf32, #tpu.memory_space<vmem>>, vector<16xf32>,
      %swap3A_251 = arith.index_cast %scan3A_240 : i32 to index
      %swap3A_252 = arith.constant 48 : index
      %swap3A_253 = tpu.vector_load %arg22[%swap3A_251, %swap3A_252] {strides = array<i32>} : memref<72x128xf32, #tpu.memory_space<vmem>>, vector<16xf32>,
      tpu.vector_store %arg22[%swap3A_251, %swap3A_252], %broadcast_in_dim3A_141 {strides = array<i32>} : memref<72x128xf32, #tpu.memory_space<vmem>>, vector<16xf32>,
      %swap3A_254 = arith.index_cast %scan3A_240 : i32 to index
      %swap3A_255 = arith.constant 64 : index
      %swap3A_256 = tpu.vector_load %arg22[%swap3A_254, %swap3A_255] {strides = array<i32>} : memref<72x128xf32, #tpu.memory_space<vmem>>, vector<16xf32>,
      tpu.vector_store %arg22[%swap3A_254, %swap3A_255], %broadcast_in_dim3A_141 {strides = array<i32>} : memref<72x128xf32, #tpu.memory_space<vmem>>, vector<16xf32>,
      %swap3A_257 = arith.index_cast %scan3A_240 : i32 to index
      %swap3A_258 = arith.constant 80 : index
      %swap3A_259 = tpu.vector_load %arg22[%swap3A_257, %swap3A_258] {strides = array<i32>} : memref<72x128xf32, #tpu.memory_space<vmem>>, vector<16xf32>,
      tpu.vector_store %arg22[%swap3A_257, %swap3A_258], %broadcast_in_dim3A_141 {strides = array<i32>} : memref<72x128xf32, #tpu.memory_space<vmem>>, vector<16xf32>,
      %swap3A_260 = arith.index_cast %scan3A_240 : i32 to index
      %swap3A_261 = arith.constant 96 : index
      %swap3A_262 = tpu.vector_load %arg22[%swap3A_260, %swap3A_261] {strides = array<i32>} : memref<72x128xf32, #tpu.memory_space<vmem>>, vector<16xf32>,
      tpu.vector_store %arg22[%swap3A_260, %swap3A_261], %broadcast_in_dim3A_141 {strides = array<i32>} : memref<72x128xf32, #tpu.memory_space<vmem>>, vector<16xf32>,
      %swap3A_263 = arith.index_cast %scan3A_240 : i32 to index
      %swap3A_264 = arith.constant 112 : index
      %swap3A_265 = tpu.vector_load %arg22[%swap3A_263, %swap3A_264] {strides = array<i32>} : memref<72x128xf32, #tpu.memory_space<vmem>>, vector<16xf32>,
      tpu.vector_store %arg22[%swap3A_263, %swap3A_264], %broadcast_in_dim3A_141 {strides = array<i32>} : memref<72x128xf32, #tpu.memory_space<vmem>>, vector<16xf32>,
      %swap3A_266 = arith.index_cast %scan3A_240 : i32 to index
      %swap3A_267 = arith.constant 0 : index
      %swap3A_268 = tpu.vector_load %arg23[%swap3A_266, %swap3A_267] {strides = array<i32>} : memref<72x16xf32, #tpu.memory_space<vmem>>, vector<16xf32>,
      tpu.vector_store %arg23[%swap3A_266, %swap3A_267], %broadcast_in_dim3A_141 {strides = array<i32>} : memref<72x16xf32, #tpu.memory_space<vmem>>, vector<16xf32>,
      %scan3A_269 = arith.constant 0 : i32
      %scan3A_270 = arith.constant 1 : i32
      %scan3A_271 = arith.addi %scan3A_240, %scan3A_270 : i32
      %swap3A_272 = arith.index_cast %scan3A_271 : i32 to index
      %swap3A_273 = arith.constant 0 : index
      %swap3A_274 = tpu.vector_load %arg22[%swap3A_272, %swap3A_273] {strides = array<i32>} : memref<72x128xf32, #tpu.memory_space<vmem>>, vector<16xf32>,
      tpu.vector_store %arg22[%swap3A_272, %swap3A_273], %broadcast_in_dim3A_141 {strides = array<i32>} : memref<72x128xf32, #tpu.memory_space<vmem>>, vector<16xf32>,
      %swap3A_275 = arith.index_cast %scan3A_271 : i32 to index
      %swap3A_276 = arith.constant 16 : index
      %swap3A_277 = tpu.vector_load %arg22[%swap3A_275, %swap3A_276] {strides = array<i32>} : memref<72x128xf32, #tpu.memory_space<vmem>>, vector<16xf32>,
      tpu.vector_store %arg22[%swap3A_275, %swap3A_276], %broadcast_in_dim3A_141 {strides = array<i32>} : memref<72x128xf32, #tpu.memory_space<vmem>>, vector<16xf32>,
      %swap3A_278 = arith.index_cast %scan3A_271 : i32 to index
      %swap3A_279 = arith.constant 32 : index
      %swap3A_280 = tpu.vector_load %arg22[%swap3A_278, %swap3A_279] {strides = array<i32>} : memref<72x128xf32, #tpu.memory_space<vmem>>, vector<16xf32>,
      tpu.vector_store %arg22[%swap3A_278, %swap3A_279], %broadcast_in_dim3A_141 {strides = array<i32>} : memref<72x128xf32, #tpu.memory_space<vmem>>, vector<16xf32>,
      %swap3A_281 = arith.index_cast %scan3A_271 : i32 to index
      %swap3A_282 = arith.constant 48 : index
      %swap3A_283 = tpu.vector_load %arg22[%swap3A_281, %swap3A_282] {strides = array<i32>} : memref<72x128xf32, #tpu.memory_space<vmem>>, vector<16xf32>,
      tpu.vector_store %arg22[%swap3A_281, %swap3A_282], %broadcast_in_dim3A_141 {strides = array<i32>} : memref<72x128xf32, #tpu.memory_space<vmem>>, vector<16xf32>,
      %swap3A_284 = arith.index_cast %scan3A_271 : i32 to index
      %swap3A_285 = arith.constant 64 : index
      %swap3A_286 = tpu.vector_load %arg22[%swap3A_284, %swap3A_285] {strides = array<i32>} : memref<72x128xf32, #tpu.memory_space<vmem>>, vector<16xf32>,
      tpu.vector_store %arg22[%swap3A_284, %swap3A_285], %broadcast_in_dim3A_141 {strides = array<i32>} : memref<72x128xf32, #tpu.memory_space<vmem>>, vector<16xf32>,
      %swap3A_287 = arith.index_cast %scan3A_271 : i32 to index
      %swap3A_288 = arith.constant 80 : index
      %swap3A_289 = tpu.vector_load %arg22[%swap3A_287, %swap3A_288] {strides = array<i32>} : memref<72x128xf32, #tpu.memory_space<vmem>>, vector<16xf32>,
      tpu.vector_store %arg22[%swap3A_287, %swap3A_288], %broadcast_in_dim3A_141 {strides = array<i32>} : memref<72x128xf32, #tpu.memory_space<vmem>>, vector<16xf32>,
      %swap3A_290 = arith.index_cast %scan3A_271 : i32 to index
      %swap3A_291 = arith.constant 96 : index
      %swap3A_292 = tpu.vector_load %arg22[%swap3A_290, %swap3A_291] {strides = array<i32>} : memref<72x128xf32, #tpu.memory_space<vmem>>, vector<16xf32>,
      tpu.vector_store %arg22[%swap3A_290, %swap3A_291], %broadcast_in_dim3A_141 {strides = array<i32>} : memref<72x128xf32, #tpu.memory_space<vmem>>, vector<16xf32>,
      %swap3A_293 = arith.index_cast %scan3A_271 : i32 to index
      %swap3A_294 = arith.constant 112 : index
      %swap3A_295 = tpu.vector_load %arg22[%swap3A_293, %swap3A_294] {strides = array<i32>} : memref<72x128xf32, #tpu.memory_space<vmem>>, vector<16xf32>,
      tpu.vector_store %arg22[%swap3A_293, %swap3A_294], %broadcast_in_dim3A_141 {strides = array<i32>} : memref<72x128xf32, #tpu.memory_space<vmem>>, vector<16xf32>,
      %swap3A_296 = arith.index_cast %scan3A_271 : i32 to index
      %swap3A_297 = arith.constant 0 : index
      %swap3A_298 = tpu.vector_load %arg23[%swap3A_296, %swap3A_297] {strides = array<i32>} : memref<72x16xf32, #tpu.memory_space<vmem>>, vector<16xf32>,
      tpu.vector_store %arg23[%swap3A_296, %swap3A_297], %broadcast_in_dim3A_141 {strides = array<i32>} : memref<72x16xf32, #tpu.memory_space<vmem>>, vector<16xf32>,
      %scan3A_299 = arith.constant 0 : i32
      %scan3A_300 = arith.constant 2 : i32
      %scan3A_301 = arith.addi %scan3A_240, %scan3A_300 : i32
      %swap3A_302 = arith.index_cast %scan3A_301 : i32 to index
      %swap3A_303 = arith.constant 0 : index
      %swap3A_304 = tpu.vector_load %arg22[%swap3A_302, %swap3A_303] {strides = array<i32>} : memref<72x128xf32, #tpu.memory_space<vmem>>, vector<16xf32>,
      tpu.vector_store %arg22[%swap3A_302, %swap3A_303], %broadcast_in_dim3A_141 {strides = array<i32>} : memref<72x128xf32, #tpu.memory_space<vmem>>, vector<16xf32>,
      %swap3A_305 = arith.index_cast %scan3A_301 : i32 to index
      %swap3A_306 = arith.constant 16 : index
      %swap3A_307 = tpu.vector_load %arg22[%swap3A_305, %swap3A_306] {strides = array<i32>} : memref<72x128xf32, #tpu.memory_space<vmem>>, vector<16xf32>,
      tpu.vector_store %arg22[%swap3A_305, %swap3A_306], %broadcast_in_dim3A_141 {strides = array<i32>} : memref<72x128xf32, #tpu.memory_space<vmem>>, vector<16xf32>,
      %swap3A_308 = arith.index_cast %scan3A_301 : i32 to index
      %swap3A_309 = arith.constant 32 : index
      %swap3A_310 = tpu.vector_load %arg22[%swap3A_308, %swap3A_309] {strides = array<i32>} : memref<72x128xf32, #tpu.memory_space<vmem>>, vector<16xf32>,
      tpu.vector_store %arg22[%swap3A_308, %swap3A_309], %broadcast_in_dim3A_141 {strides = array<i32>} : memref<72x128xf32, #tpu.memory_space<vmem>>, vector<16xf32>,
      %swap3A_311 = arith.index_cast %scan3A_301 : i32 to index
      %swap3A_312 = arith.constant 48 : index
      %swap3A_313 = tpu.vector_load %arg22[%swap3A_311, %swap3A_312] {strides = array<i32>} : memref<72x128xf32, #tpu.memory_space<vmem>>, vector<16xf32>,
      tpu.vector_store %arg22[%swap3A_311, %swap3A_312], %broadcast_in_dim3A_141 {strides = array<i32>} : memref<72x128xf32, #tpu.memory_space<vmem>>, vector<16xf32>,
      %swap3A_314 = arith.index_cast %scan3A_301 : i32 to index
      %swap3A_315 = arith.constant 64 : index
      %swap3A_316 = tpu.vector_load %arg22[%swap3A_314, %swap3A_315] {strides = array<i32>} : memref<72x128xf32, #tpu.memory_space<vmem>>, vector<16xf32>,
      tpu.vector_store %arg22[%swap3A_314, %swap3A_315], %broadcast_in_dim3A_141 {strides = array<i32>} : memref<72x128xf32, #tpu.memory_space<vmem>>, vector<16xf32>,
      %swap3A_317 = arith.index_cast %scan3A_301 : i32 to index
      %swap3A_318 = arith.constant 80 : index
      %swap3A_319 = tpu.vector_load %arg22[%swap3A_317, %swap3A_318] {strides = array<i32>} : memref<72x128xf32, #tpu.memory_space<vmem>>, vector<16xf32>,
      tpu.vector_store %arg22[%swap3A_317, %swap3A_318], %broadcast_in_dim3A_141 {strides = array<i32>} : memref<72x128xf32, #tpu.memory_space<vmem>>, vector<16xf32>,
      %swap3A_320 = arith.index_cast %scan3A_301 : i32 to index
      %swap3A_321 = arith.constant 96 : index
      %swap3A_322 = tpu.vector_load %arg22[%swap3A_320, %swap3A_321] {strides = array<i32>} : memref<72x128xf32, #tpu.memory_space<vmem>>, vector<16xf32>,
      tpu.vector_store %arg22[%swap3A_320, %swap3A_321], %broadcast_in_dim3A_141 {strides = array<i32>} : memref<72x128xf32, #tpu.memory_space<vmem>>, vector<16xf32>,
      %swap3A_323 = arith.index_cast %scan3A_301 : i32 to index
      %swap3A_324 = arith.constant 112 : index
      %swap3A_325 = tpu.vector_load %arg22[%swap3A_323, %swap3A_324] {strides = array<i32>} : memref<72x128xf32, #tpu.memory_space<vmem>>, vector<16xf32>,
      tpu.vector_store %arg22[%swap3A_323, %swap3A_324], %broadcast_in_dim3A_141 {strides = array<i32>} : memref<72x128xf32, #tpu.memory_space<vmem>>, vector<16xf32>,
      %swap3A_326 = arith.index_cast %scan3A_301 : i32 to index
      %swap3A_327 = arith.constant 0 : index
      %swap3A_328 = tpu.vector_load %arg23[%swap3A_326, %swap3A_327] {strides = array<i32>} : memref<72x16xf32, #tpu.memory_space<vmem>>, vector<16xf32>,
      tpu.vector_store %arg23[%swap3A_326, %swap3A_327], %broadcast_in_dim3A_141 {strides = array<i32>} : memref<72x16xf32, #tpu.memory_space<vmem>>, vector<16xf32>,
      %scan3A_329 = arith.constant 0 : i32
      %scan3A_330 = arith.constant 3 : i32
      %scan3A_331 = arith.addi %scan3A_240, %scan3A_330 : i32
      %swap3A_332 = arith.index_cast %scan3A_331 : i32 to index
      %swap3A_333 = arith.constant 0 : index
      %swap3A_334 = tpu.vector_load %arg22[%swap3A_332, %swap3A_333] {strides = array<i32>} : memref<72x128xf32, #tpu.memory_space<vmem>>, vector<16xf32>,
      tpu.vector_store %arg22[%swap3A_332, %swap3A_333], %broadcast_in_dim3A_141 {strides = array<i32>} : memref<72x128xf32, #tpu.memory_space<vmem>>, vector<16xf32>,
      %swap3A_335 = arith.index_cast %scan3A_331 : i32 to index
      %swap3A_336 = arith.constant 16 : index
      %swap3A_337 = tpu.vector_load %arg22[%swap3A_335, %swap3A_336] {strides = array<i32>} : memref<72x128xf32, #tpu.memory_space<vmem>>, vector<16xf32>,
      tpu.vector_store %arg22[%swap3A_335, %swap3A_336], %broadcast_in_dim3A_141 {strides = array<i32>} : memref<72x128xf32, #tpu.memory_space<vmem>>, vector<16xf32>,
      %swap3A_338 = arith.index_cast %scan3A_331 : i32 to index
      %swap3A_339 = arith.constant 32 : index
      %swap3A_340 = tpu.vector_load %arg22[%swap3A_338, %swap3A_339] {strides = array<i32>} : memref<72x128xf32, #tpu.memory_space<vmem>>, vector<16xf32>,
      tpu.vector_store %arg22[%swap3A_338, %swap3A_339], %broadcast_in_dim3A_141 {strides = array<i32>} : memref<72x128xf32, #tpu.memory_space<vmem>>, vector<16xf32>,
      %swap3A_341 = arith.index_cast %scan3A_331 : i32 to index
      %swap3A_342 = arith.constant 48 : index
      %swap3A_343 = tpu.vector_load %arg22[%swap3A_341, %swap3A_342] {strides = array<i32>} : memref<72x128xf32, #tpu.memory_space<vmem>>, vector<16xf32>,
      tpu.vector_store %arg22[%swap3A_341, %swap3A_342], %broadcast_in_dim3A_141 {strides = array<i32>} : memref<72x128xf32, #tpu.memory_space<vmem>>, vector<16xf32>,
      %swap3A_344 = arith.index_cast %scan3A_331 : i32 to index
      %swap3A_345 = arith.constant 64 : index
      %swap3A_346 = tpu.vector_load %arg22[%swap3A_344, %swap3A_345] {strides = array<i32>} : memref<72x128xf32, #tpu.memory_space<vmem>>, vector<16xf32>,
      tpu.vector_store %arg22[%swap3A_344, %swap3A_345], %broadcast_in_dim3A_141 {strides = array<i32>} : memref<72x128xf32, #tpu.memory_space<vmem>>, vector<16xf32>,
      %swap3A_347 = arith.index_cast %scan3A_331 : i32 to index
      %swap3A_348 = arith.constant 80 : index
      %swap3A_349 = tpu.vector_load %arg22[%swap3A_347, %swap3A_348] {strides = array<i32>} : memref<72x128xf32, #tpu.memory_space<vmem>>, vector<16xf32>,
      tpu.vector_store %arg22[%swap3A_347, %swap3A_348], %broadcast_in_dim3A_141 {strides = array<i32>} : memref<72x128xf32, #tpu.memory_space<vmem>>, vector<16xf32>,
      %swap3A_350 = arith.index_cast %scan3A_331 : i32 to index
      %swap3A_351 = arith.constant 96 : index
      %swap3A_352 = tpu.vector_load %arg22[%swap3A_350, %swap3A_351] {strides = array<i32>} : memref<72x128xf32, #tpu.memory_space<vmem>>, vector<16xf32>,
      tpu.vector_store %arg22[%swap3A_350, %swap3A_351], %broadcast_in_dim3A_141 {strides = array<i32>} : memref<72x128xf32, #tpu.memory_space<vmem>>, vector<16xf32>,
      %swap3A_353 = arith.index_cast %scan3A_331 : i32 to index
      %swap3A_354 = arith.constant 112 : index
      %swap3A_355 = tpu.vector_load %arg22[%swap3A_353, %swap3A_354] {strides = array<i32>} : memref<72x128xf32, #tpu.memory_space<vmem>>, vector<16xf32>,
      tpu.vector_store %arg22[%swap3A_353, %swap3A_354], %broadcast_in_dim3A_141 {strides = array<i32>} : memref<72x128xf32, #tpu.memory_space<vmem>>, vector<16xf32>,
      %swap3A_356 = arith.index_cast %scan3A_331 : i32 to index
      %swap3A_357 = arith.constant 0 : index
      %swap3A_358 = tpu.vector_load %arg23[%swap3A_356, %swap3A_357] {strides = array<i32>} : memref<72x16xf32, #tpu.memory_space<vmem>>, vector<16xf32>,
      tpu.vector_store %arg23[%swap3A_356, %swap3A_357], %broadcast_in_dim3A_141 {strides = array<i32>} : memref<72x16xf32, #tpu.memory_space<vmem>>, vector<16xf32>,
      %scan3A_359 = arith.constant 0 : i32
      scf.yield %scan3A_359 : i32
    }
    %scan3A_150 = arith.constant 72 : i32
    %scan3A_151 = arith.constant 0 : i32
    %scan3A_152 = arith.constant 0 : i32
    %scan3A_153 = arith.constant 128 : i32
    %scan3A_154 = arith.addi %scan3A_152, %scan3A_153 : i32
    %scan3A_155 = arith.constant 8 : i32
    %scan3A_156 = scf.for %scan3A_240 = %scan3A_152 to %scan3A_154 step %scan3A_155 iter_args(%scan3A_241 = %scan3A_151) -> (i32)  : i32 {
      %swap3A_242 = arith.index_cast %scan3A_240 : i32 to index
      %swap3A_243 = arith.constant 0 : index
      %swap3A_244 = tpu.vector_load %arg19[%swap3A_242, %swap3A_243] {strides = array<i32>} : memref<128x16xf32, #tpu.memory_space<vmem>>, vector<16xf32>,
      tpu.vector_store %arg19[%swap3A_242, %swap3A_243], %broadcast_in_dim3A_143 {strides = array<i32>} : memref<128x16xf32, #tpu.memory_space<vmem>>, vector<16xf32>,
      %scan3A_245 = arith.constant 0 : i32
      %scan3A_246 = arith.constant 1 : i32
      %scan3A_247 = arith.addi %scan3A_240, %scan3A_246 : i32
      %swap3A_248 = arith.index_cast %scan3A_247 : i32 to index
      %swap3A_249 = arith.constant 0 : index
      %swap3A_250 = tpu.vector_load %arg19[%swap3A_248, %swap3A_249] {strides = array<i32>} : memref<128x16xf32, #tpu.memory_space<vmem>>, vector<16xf32>,
      tpu.vector_store %arg19[%swap3A_248, %swap3A_249], %broadcast_in_dim3A_143 {strides = array<i32>} : memref<128x16xf32, #tpu.memory_space<vmem>>, vector<16xf32>,
      %scan3A_251 = arith.constant 0 : i32
      %scan3A_252 = arith.constant 2 : i32
      %scan3A_253 = arith.addi %scan3A_240, %scan3A_252 : i32
      %swap3A_254 = arith.index_cast %scan3A_253 : i32 to index
      %swap3A_255 = arith.constant 0 : index
      %swap3A_256 = tpu.vector_load %arg19[%swap3A_254, %swap3A_255] {strides = array<i32>} : memref<128x16xf32, #tpu.memory_space<vmem>>, vector<16xf32>,
      tpu.vector_store %arg19[%swap3A_254, %swap3A_255], %broadcast_in_dim3A_143 {strides = array<i32>} : memref<128x16xf32, #tpu.memory_space<vmem>>, vector<16xf32>,
      %scan3A_257 = arith.constant 0 : i32
      %scan3A_258 = arith.constant 3 : i32
      %scan3A_259 = arith.addi %scan3A_240, %scan3A_258 : i32
      %swap3A_260 = arith.index_cast %scan3A_259 : i32 to index
      %swap3A_261 = arith.constant 0 : index
      %swap3A_262 = tpu.vector_load %arg19[%swap3A_260, %swap3A_261] {strides = array<i32>} : memref<128x16xf32, #tpu.memory_space<vmem>>, vector<16xf32>,
      tpu.vector_store %arg19[%swap3A_260, %swap3A_261], %broadcast_in_dim3A_143 {strides = array<i32>} : memref<128x16xf32, #tpu.memory_space<vmem>>, vector<16xf32>,
      %scan3A_263 = arith.constant 0 : i32
      %scan3A_264 = arith.constant 4 : i32
      %scan3A_265 = arith.addi %scan3A_240, %scan3A_264 : i32
      %swap3A_266 = arith.index_cast %scan3A_265 : i32 to index
      %swap3A_267 = arith.constant 0 : index
      %swap3A_268 = tpu.vector_load %arg19[%swap3A_266, %swap3A_267] {strides = array<i32>} : memref<128x16xf32, #tpu.memory_space<vmem>>, vector<16xf32>,
      tpu.vector_store %arg19[%swap3A_266, %swap3A_267], %broadcast_in_dim3A_143 {strides = array<i32>} : memref<128x16xf32, #tpu.memory_space<vmem>>, vector<16xf32>,
      %scan3A_269 = arith.constant 0 : i32
      %scan3A_270 = arith.constant 5 : i32
      %scan3A_271 = arith.addi %scan3A_240, %scan3A_270 : i32
      %swap3A_272 = arith.index_cast %scan3A_271 : i32 to index
      %swap3A_273 = arith.constant 0 : index
      %swap3A_274 = tpu.vector_load %arg19[%swap3A_272, %swap3A_273] {strides = array<i32>} : memref<128x16xf32, #tpu.memory_space<vmem>>, vector<16xf32>,
      tpu.vector_store %arg19[%swap3A_272, %swap3A_273], %broadcast_in_dim3A_143 {strides = array<i32>} : memref<128x16xf32, #tpu.memory_space<vmem>>, vector<16xf32>,
      %scan3A_275 = arith.constant 0 : i32
      %scan3A_276 = arith.constant 6 : i32
      %scan3A_277 = arith.addi %scan3A_240, %scan3A_276 : i32
      %swap3A_278 = arith.index_cast %scan3A_277 : i32 to index
      %swap3A_279 = arith.constant 0 : index
      %swap3A_280 = tpu.vector_load %arg19[%swap3A_278, %swap3A_279] {strides = array<i32>} : memref<128x16xf32, #tpu.memory_space<vmem>>, vector<16xf32>,
      tpu.vector_store %arg19[%swap3A_278, %swap3A_279], %broadcast_in_dim3A_143 {strides = array<i32>} : memref<128x16xf32, #tpu.memory_space<vmem>>, vector<16xf32>,
      %scan3A_281 = arith.constant 0 : i32
      %scan3A_282 = arith.constant 7 : i32
      %scan3A_283 = arith.addi %scan3A_240, %scan3A_282 : i32
      %swap3A_284 = arith.index_cast %scan3A_283 : i32 to index
      %swap3A_285 = arith.constant 0 : index
      %swap3A_286 = tpu.vector_load %arg19[%swap3A_284, %swap3A_285] {strides = array<i32>} : memref<128x16xf32, #tpu.memory_space<vmem>>, vector<16xf32>,
      tpu.vector_store %arg19[%swap3A_284, %swap3A_285], %broadcast_in_dim3A_143 {strides = array<i32>} : memref<128x16xf32, #tpu.memory_space<vmem>>, vector<16xf32>,
      %scan3A_287 = arith.constant 0 : i32
      scf.yield %scan3A_287 : i32
    }
    %scan3A_157 = arith.constant 128 : i32
    %mul3A_158 = arith.constant 72 : i32
    %mul3A_159 = arith.muli %arg1, %mul3A_158 : i32
    "tpu.region"() ({
      %run_scoped3A = tpu.sem_alloc : memref<!tpu.dma_semaphore, #tpu.memory_space<semaphore_mem>>
      %dma_start3A_240 = arith.constant 0 : i32
      %dma_start3A_241 = tpu.memref_slice %arg26[%mul3A_159, %dma_start3A_240] : memref<1152x128xf32, #tpu.memory_space<vmem_shared>> -> memref<72x128xf32, #tpu.memory_space<vmem_shared>>
      %dma_start3A_242 = arith.constant 0 : i32
      %dma_start3A_243 = tpu.memref_slice %arg26[%mul3A_159, %dma_start3A_242] : memref<1152x128xf32, #tpu.memory_space<vmem_shared>> -> memref<72x128xf32, #tpu.memory_space<vmem_shared>>
      tpu.enqueue_dma source(%arg22 : memref<72x128xf32, #tpu.memory_space<vmem>>) target(%dma_start3A_243 : memref<72x128xf32, #tpu.memory_space<vmem_shared>>) target_semaphore(%run_scoped3A : memref<!tpu.dma_semaphore, #tpu.memory_space<semaphore_mem>>)
      %dma_wait3A_244 = arith.constant 0 : i32
      %dma_wait3A_245 = tpu.memref_slice %arg26[%mul3A_159, %dma_wait3A_244] : memref<1152x128xf32, #tpu.memory_space<vmem_shared>> -> memref<72x128xf32, #tpu.memory_space<vmem_shared>>
      %dma_wait3A_246 = arith.constant 0 : i32
      %dma_wait3A_247 = tpu.memref_slice %arg26[%mul3A_159, %dma_wait3A_246] : memref<1152x128xf32, #tpu.memory_space<vmem_shared>> -> memref<72x128xf32, #tpu.memory_space<vmem_shared>>
      tpu.wait_dma2 semaphore(%run_scoped3A : memref<!tpu.dma_semaphore, #tpu.memory_space<semaphore_mem>>) src(%arg22 : memref<72x128xf32, #tpu.memory_space<vmem>>) dst(%dma_wait3A_247 : memref<72x128xf32, #tpu.memory_space<vmem_shared>>)
      tpu.yield
    }) : () -> ()
    "tpu.region"() ({
      %run_scoped3A = tpu.sem_alloc : memref<!tpu.dma_semaphore, #tpu.memory_space<semaphore_mem>>
      %dma_start3A_240 = arith.constant 0 : i32
      %dma_start3A_241 = tpu.memref_slice %arg27[%mul3A_159, %dma_start3A_240] : memref<1152x16xf32, #tpu.memory_space<vmem_shared>> -> memref<72x16xf32, #tpu.memory_space<vmem_shared>>
      %dma_start3A_242 = arith.constant 0 : i32
      %dma_start3A_243 = tpu.memref_slice %arg27[%mul3A_159, %dma_start3A_242] : memref<1152x16xf32, #tpu.memory_space<vmem_shared>> -> memref<72x16xf32, #tpu.memory_space<vmem_shared>>
      tpu.enqueue_dma source(%arg23 : memref<72x16xf32, #tpu.memory_space<vmem>>) target(%dma_start3A_243 : memref<72x16xf32, #tpu.memory_space<vmem_shared>>) target_semaphore(%run_scoped3A : memref<!tpu.dma_semaphore, #tpu.memory_space<semaphore_mem>>)
      %dma_wait3A_244 = arith.constant 0 : i32
      %dma_wait3A_245 = tpu.memref_slice %arg27[%mul3A_159, %dma_wait3A_244] : memref<1152x16xf32, #tpu.memory_space<vmem_shared>> -> memref<72x16xf32, #tpu.memory_space<vmem_shared>>
      %dma_wait3A_246 = arith.constant 0 : i32
      %dma_wait3A_247 = tpu.memref_slice %arg27[%mul3A_159, %dma_wait3A_246] : memref<1152x16xf32, #tpu.memory_space<vmem_shared>> -> memref<72x16xf32, #tpu.memory_space<vmem_shared>>
      tpu.wait_dma2 semaphore(%run_scoped3A : memref<!tpu.dma_semaphore, #tpu.memory_space<semaphore_mem>>) src(%arg23 : memref<72x16xf32, #tpu.memory_space<vmem>>) dst(%dma_wait3A_247 : memref<72x16xf32, #tpu.memory_space<vmem_shared>>)
      tpu.yield
    }) : () -> ()
    %barrier3A = arith.constant 0 : index
    tpu.barrier barrier_id(%barrier3A)
    %add3A_160 = arith.constant 3 : i32
    %add3A_161 = arith.addi %select_n3A, %add3A_160 : i32
    %sub3A_162 = arith.constant 1 : i32
    %sub3A_163 = arith.subi %add3A_161, %sub3A_162 : i32
    %jit3A_164 = arith.constant 3 : i32
    %div3A_165 = arith.divsi %sub3A_163, %jit3A_164 : i32
    %sign3A_166 = arith.constant 0 : i32
    %sign3A_167 = arith.cmpi sgt, %sub3A_163, %sign3A_166 : i32
    %sign3A_168 = arith.extui %sign3A_167 : i1 to i32
    %sign3A_169 = arith.constant 0 : i32
    %sign3A_170 = arith.cmpi slt, %sub3A_163, %sign3A_169 : i32
    %sign3A_171 = arith.extui %sign3A_170 : i1 to i32
    %sign3A_172 = arith.subi %sign3A_168, %sign3A_171 : i32
    %sign3A_173 = arith.constant 0 : i32
    %sign3A_174 = arith.cmpi sgt, %jit3A_164, %sign3A_173 : i32
    %sign3A_175 = arith.extui %sign3A_174 : i1 to i32
    %sign3A_176 = arith.constant 0 : i32
    %sign3A_177 = arith.cmpi slt, %jit3A_164, %sign3A_176 : i32
    %sign3A_178 = arith.extui %sign3A_177 : i1 to i32
    %sign3A_179 = arith.subi %sign3A_175, %sign3A_178 : i32
    %ne3A_180 = arith.cmpi ne, %sign3A_172, %sign3A_179 : i32
    %rem3A_181 = arith.remsi %sub3A_163, %jit3A_164 : i32
    %ne3A_182 = arith.constant 0 : i32
    %ne3A_183 = arith.cmpi ne, %rem3A_181, %ne3A_182 : i32
    %and3A_184 = arith.andi %ne3A_180, %ne3A_183 : i1
    %sub3A_185 = arith.constant 1 : i32
    %sub3A_186 = arith.subi %div3A_165, %sub3A_185 : i32
    %select_n3A_187 = arith.select %and3A_184, %sub3A_186, %div3A_165 : i32
    %while3A = arith.constant 0 : i32
    %while3A_188 = arith.constant 0 : i32
    %while3A_189 = arith.subi %select_n3A_187, %while3A : i32
    %while3A_190 = arith.addi %while3A, %while3A_189 : i32
    %while3A_191 = arith.constant 1 : i32
    %while3A_192 = arith.divsi %while3A_189, %while3A_191 : i32
    %while3A_193 = arith.muli %while3A_192, %while3A_191 : i32
    %while3A_194 = arith.addi %while3A, %while3A_193 : i32
    %while3A_195 = arith.constant 1 : i32
    %while3A_196 = scf.for %while3A_240 = %while3A to %while3A_194 step %while3A_195 iter_args(%while3A_241 = %while3A_188) -> (i32)  : i32 {
      %mul3A_242 = arith.constant 3 : i32
      %mul3A_243 = arith.muli %while3A_240, %mul3A_242 : i32
      %add3A_244 = arith.constant 0 : i32
      %add3A_245 = arith.addi %mul3A_243, %add3A_244 : i32
      %lt3A = arith.cmpi slt, %add3A_245, %select_n3A : i32
      %convert_element_type3A_246 = arith.extui %lt3A : i1 to i32
      %cond3A_247 = arith.constant 0 : i32
      %cond3A_248 = arith.cmpi ne, %convert_element_type3A_246, %cond3A_247 : i32
      scf.if %cond3A_248 {
        %mul3A_266 = arith.constant 128 : i32
        %mul3A_267 = arith.muli %add3A_245, %mul3A_266 : i32
        %multiple_of3A = tpu.assume_multiple %mul3A_267, 128 : i32
        %dma_wait3A_268 = arith.constant 0 : i32
        %dma_wait3A_269 = arith.constant 0 : i32
        %dma_wait3A_270 = arith.constant 0 : i32
        %dma_wait3A_271 = tpu.memref_slice %arg18[%dma_wait3A_268, %dma_wait3A_269, %dma_wait3A_270] : memref<3x128x128xf32, #tpu.memory_space<vmem>> -> memref<1x128x128xf32, #tpu.memory_space<vmem>>
        %dma_wait3A_272 = tpu.memref_squeeze %dma_wait3A_271 : memref<1x128x128xf32, #tpu.memory_space<vmem>> -> memref<128x128xf32, #tpu.memory_space<vmem>>
        %dma_wait3A_273 = tpu.memref_slice %arg16[%multiple_of3A] : memref<10240xi32, #tpu.memory_space<vmem>> -> memref<128xi32, #tpu.memory_space<vmem>>
        %dma_wait3A_274 = arith.constant 0 : i32
        %dma_wait3A_275 = arith.constant 0 : i32
        %dma_wait3A_276 = tpu.memref_slice %arg5[%dma_wait3A_274, %dma_wait3A_275] : memref<10000x128xf32, #tpu.memory_space<hbm>> -> memref<10000x128xf32, #tpu.memory_space<hbm>>
        tpu.wait_indirect_dma semaphore(%arg29 : memref<!tpu.dma_semaphore, #tpu.memory_space<semaphore_mem>>) src(%dma_wait3A_276 : memref<10000x128xf32, #tpu.memory_space<hbm>>) dst(%dma_wait3A_272 : memref<128x128xf32, #tpu.memory_space<vmem>>)
        %run_scoped3A = arith.constant 0 : i32
        "tpu.region"() ({
          %run_scoped3A_283 = tpu.sem_alloc : memref<!tpu.dma_semaphore, #tpu.memory_space<semaphore_mem>>
          %dma_start3A_284 = arith.constant 0 : i32
          %dma_start3A_285 = arith.constant 0 : i32
          %dma_start3A_286 = tpu.memref_slice %arg18[%run_scoped3A, %dma_start3A_284, %dma_start3A_285] : memref<3x128x128xf32, #tpu.memory_space<vmem>> -> memref<1x128x128xf32, #tpu.memory_space<vmem>>
          %dma_start3A_287 = tpu.memref_squeeze %dma_start3A_286 : memref<1x128x128xf32, #tpu.memory_space<vmem>> -> memref<128x128xf32, #tpu.memory_space<vmem>>
          %dma_start3A_288 = tpu.memref_slice %arg17[%multiple_of3A] : memref<10240xi32, #tpu.memory_space<vmem>> -> memref<128xi32, #tpu.memory_space<vmem>>
          %dma_start3A_289 = arith.constant 0 : i32
          %dma_start3A_290 = arith.constant 0 : i32
          %dma_start3A_291 = tpu.memref_slice %arg26[%dma_start3A_289, %dma_start3A_290] : memref<1152x128xf32, #tpu.memory_space<vmem_shared>> -> memref<1152x128xf32, #tpu.memory_space<vmem_shared>>
          tpu.enqueue_indirect_dma source(%dma_start3A_287 : memref<128x128xf32, #tpu.memory_space<vmem>>) target(%dma_start3A_291 : memref<1152x128xf32, #tpu.memory_space<vmem_shared>>) offsets(%dma_start3A_288 : memref<128xi32, #tpu.memory_space<vmem>>) semaphore(%run_scoped3A_283 : memref<!tpu.dma_semaphore, #tpu.memory_space<semaphore_mem>>) {add = true}
          %dma_wait3A_292 = arith.constant 0 : i32
          %dma_wait3A_293 = arith.constant 0 : i32
          %dma_wait3A_294 = tpu.memref_slice %arg18[%run_scoped3A, %dma_wait3A_292, %dma_wait3A_293] : memref<3x128x128xf32, #tpu.memory_space<vmem>> -> memref<1x128x128xf32, #tpu.memory_space<vmem>>
          %dma_wait3A_295 = tpu.memref_squeeze %dma_wait3A_294 : memref<1x128x128xf32, #tpu.memory_space<vmem>> -> memref<128x128xf32, #tpu.memory_space<vmem>>
          %dma_wait3A_296 = tpu.memref_slice %arg17[%multiple_of3A] : memref<10240xi32, #tpu.memory_space<vmem>> -> memref<128xi32, #tpu.memory_space<vmem>>
          %dma_wait3A_297 = arith.constant 0 : i32
          %dma_wait3A_298 = arith.constant 0 : i32
          %dma_wait3A_299 = tpu.memref_slice %arg26[%dma_wait3A_297, %dma_wait3A_298] : memref<1152x128xf32, #tpu.memory_space<vmem_shared>> -> memref<1152x128xf32, #tpu.memory_space<vmem_shared>>
          tpu.wait_indirect_dma semaphore(%run_scoped3A_283 : memref<!tpu.dma_semaphore, #tpu.memory_space<semaphore_mem>>) src(%dma_wait3A_295 : memref<128x128xf32, #tpu.memory_space<vmem>>) dst(%dma_wait3A_299 : memref<1152x128xf32, #tpu.memory_space<vmem_shared>>)
          tpu.yield
        }) : () -> ()
        "tpu.region"() ({
          %run_scoped3A_283 = tpu.sem_alloc : memref<!tpu.dma_semaphore, #tpu.memory_space<semaphore_mem>>
          %dma_start3A_284 = tpu.memref_slice %arg17[%multiple_of3A] : memref<10240xi32, #tpu.memory_space<vmem>> -> memref<128xi32, #tpu.memory_space<vmem>>
          %dma_start3A_285 = arith.constant 0 : i32
          %dma_start3A_286 = arith.constant 0 : i32
          %dma_start3A_287 = tpu.memref_slice %arg27[%dma_start3A_285, %dma_start3A_286] : memref<1152x16xf32, #tpu.memory_space<vmem_shared>> -> memref<1152x16xf32, #tpu.memory_space<vmem_shared>>
          tpu.enqueue_indirect_dma source(%arg19 : memref<128x16xf32, #tpu.memory_space<vmem>>) target(%dma_start3A_287 : memref<1152x16xf32, #tpu.memory_space<vmem_shared>>) offsets(%dma_start3A_284 : memref<128xi32, #tpu.memory_space<vmem>>) semaphore(%run_scoped3A_283 : memref<!tpu.dma_semaphore, #tpu.memory_space<semaphore_mem>>) {add = true}
          %dma_wait3A_288 = tpu.memref_slice %arg17[%multiple_of3A] : memref<10240xi32, #tpu.memory_space<vmem>> -> memref<128xi32, #tpu.memory_space<vmem>>
          %dma_wait3A_289 = arith.constant 0 : i32
          %dma_wait3A_290 = arith.constant 0 : i32
          %dma_wait3A_291 = tpu.memref_slice %arg27[%dma_wait3A_289, %dma_wait3A_290] : memref<1152x16xf32, #tpu.memory_space<vmem_shared>> -> memref<1152x16xf32, #tpu.memory_space<vmem_shared>>
          tpu.wait_indirect_dma semaphore(%run_scoped3A_283 : memref<!tpu.dma_semaphore, #tpu.memory_space<semaphore_mem>>) src(%arg19 : memref<128x16xf32, #tpu.memory_space<vmem>>) dst(%dma_wait3A_291 : memref<1152x16xf32, #tpu.memory_space<vmem_shared>>)
          tpu.yield
        }) : () -> ()
        %add3A_277 = arith.constant 3 : i32
        %add3A_278 = arith.addi %add3A_245, %add3A_277 : i32
        %lt3A_279 = arith.cmpi slt, %add3A_278, %select_n3A : i32
        %convert_element_type3A_280 = arith.extui %lt3A_279 : i1 to i32
        %cond3A_281 = arith.constant 0 : i32
        %cond3A_282 = arith.cmpi ne, %convert_element_type3A_280, %cond3A_281 : i32
        scf.if %cond3A_282 {
          %mul3A_283 = arith.constant 128 : i32
          %mul3A_284 = arith.muli %add3A_278, %mul3A_283 : i32
          %multiple_of3A_285 = tpu.assume_multiple %mul3A_284, 128 : i32
          %dma_start3A_286 = arith.constant 0 : i32
          %dma_start3A_287 = arith.constant 0 : i32
          %dma_start3A_288 = arith.constant 0 : i32
          %dma_start3A_289 = tpu.memref_slice %arg18[%dma_start3A_286, %dma_start3A_287, %dma_start3A_288] : memref<3x128x128xf32, #tpu.memory_space<vmem>> -> memref<1x128x128xf32, #tpu.memory_space<vmem>>
          %dma_start3A_290 = tpu.memref_squeeze %dma_start3A_289 : memref<1x128x128xf32, #tpu.memory_space<vmem>> -> memref<128x128xf32, #tpu.memory_space<vmem>>
          %dma_start3A_291 = tpu.memref_slice %arg16[%multiple_of3A_285] : memref<10240xi32, #tpu.memory_space<vmem>> -> memref<128xi32, #tpu.memory_space<vmem>>
          %dma_start3A_292 = arith.constant 0 : i32
          %dma_start3A_293 = arith.constant 0 : i32
          %dma_start3A_294 = tpu.memref_slice %arg5[%dma_start3A_292, %dma_start3A_293] : memref<10000x128xf32, #tpu.memory_space<hbm>> -> memref<10000x128xf32, #tpu.memory_space<hbm>>
          tpu.enqueue_indirect_dma source(%dma_start3A_294 : memref<10000x128xf32, #tpu.memory_space<hbm>>) target(%dma_start3A_290 : memref<128x128xf32, #tpu.memory_space<vmem>>) offsets(%dma_start3A_291 : memref<128xi32, #tpu.memory_space<vmem>>) semaphore(%arg29 : memref<!tpu.dma_semaphore, #tpu.memory_space<semaphore_mem>>)
        } else {
        }
      } else {
      }
      %mul3A_249 = arith.constant 3 : i32
      %mul3A_250 = arith.muli %while3A_240, %mul3A_249 : i32
      %add3A_251 = arith.constant 1 : i32
      %add3A_252 = arith.addi %mul3A_250, %add3A_251 : i32
      %lt3A_253 = arith.cmpi slt, %add3A_252, %select_n3A : i32
      %convert_element_type3A_254 = arith.extui %lt3A_253 : i1 to i32
      %cond3A_255 = arith.constant 0 : i32
      %cond3A_256 = arith.cmpi ne, %convert_element_type3A_254, %cond3A_255 : i32
      scf.if %cond3A_256 {
        %mul3A_266 = arith.constant 128 : i32
        %mul3A_267 = arith.muli %add3A_252, %mul3A_266 : i32
        %multiple_of3A = tpu.assume_multiple %mul3A_267, 128 : i32
        %dma_wait3A_268 = arith.constant 1 : i32
        %dma_wait3A_269 = arith.constant 0 : i32
        %dma_wait3A_270 = arith.constant 0 : i32
        %dma_wait3A_271 = tpu.memref_slice %arg18[%dma_wait3A_268, %dma_wait3A_269, %dma_wait3A_270] : memref<3x128x128xf32, #tpu.memory_space<vmem>> -> memref<1x128x128xf32, #tpu.memory_space<vmem>>
        %dma_wait3A_272 = tpu.memref_squeeze %dma_wait3A_271 : memref<1x128x128xf32, #tpu.memory_space<vmem>> -> memref<128x128xf32, #tpu.memory_space<vmem>>
        %dma_wait3A_273 = tpu.memref_slice %arg16[%multiple_of3A] : memref<10240xi32, #tpu.memory_space<vmem>> -> memref<128xi32, #tpu.memory_space<vmem>>
        %dma_wait3A_274 = arith.constant 0 : i32
        %dma_wait3A_275 = arith.constant 0 : i32
        %dma_wait3A_276 = tpu.memref_slice %arg5[%dma_wait3A_274, %dma_wait3A_275] : memref<10000x128xf32, #tpu.memory_space<hbm>> -> memref<10000x128xf32, #tpu.memory_space<hbm>>
        tpu.wait_indirect_dma semaphore(%arg30 : memref<!tpu.dma_semaphore, #tpu.memory_space<semaphore_mem>>) src(%dma_wait3A_276 : memref<10000x128xf32, #tpu.memory_space<hbm>>) dst(%dma_wait3A_272 : memref<128x128xf32, #tpu.memory_space<vmem>>)
        %run_scoped3A = arith.constant 1 : i32
        "tpu.region"() ({
          %run_scoped3A_283 = tpu.sem_alloc : memref<!tpu.dma_semaphore, #tpu.memory_space<semaphore_mem>>
          %dma_start3A_284 = arith.constant 0 : i32
          %dma_start3A_285 = arith.constant 0 : i32
          %dma_start3A_286 = tpu.memref_slice %arg18[%run_scoped3A, %dma_start3A_284, %dma_start3A_285] : memref<3x128x128xf32, #tpu.memory_space<vmem>> -> memref<1x128x128xf32, #tpu.memory_space<vmem>>
          %dma_start3A_287 = tpu.memref_squeeze %dma_start3A_286 : memref<1x128x128xf32, #tpu.memory_space<vmem>> -> memref<128x128xf32, #tpu.memory_space<vmem>>
          %dma_start3A_288 = tpu.memref_slice %arg17[%multiple_of3A] : memref<10240xi32, #tpu.memory_space<vmem>> -> memref<128xi32, #tpu.memory_space<vmem>>
          %dma_start3A_289 = arith.constant 0 : i32
          %dma_start3A_290 = arith.constant 0 : i32
          %dma_start3A_291 = tpu.memref_slice %arg26[%dma_start3A_289, %dma_start3A_290] : memref<1152x128xf32, #tpu.memory_space<vmem_shared>> -> memref<1152x128xf32, #tpu.memory_space<vmem_shared>>
          tpu.enqueue_indirect_dma source(%dma_start3A_287 : memref<128x128xf32, #tpu.memory_space<vmem>>) target(%dma_start3A_291 : memref<1152x128xf32, #tpu.memory_space<vmem_shared>>) offsets(%dma_start3A_288 : memref<128xi32, #tpu.memory_space<vmem>>) semaphore(%run_scoped3A_283 : memref<!tpu.dma_semaphore, #tpu.memory_space<semaphore_mem>>) {add = true}
          %dma_wait3A_292 = arith.constant 0 : i32
          %dma_wait3A_293 = arith.constant 0 : i32
          %dma_wait3A_294 = tpu.memref_slice %arg18[%run_scoped3A, %dma_wait3A_292, %dma_wait3A_293] : memref<3x128x128xf32, #tpu.memory_space<vmem>> -> memref<1x128x128xf32, #tpu.memory_space<vmem>>
          %dma_wait3A_295 = tpu.memref_squeeze %dma_wait3A_294 : memref<1x128x128xf32, #tpu.memory_space<vmem>> -> memref<128x128xf32, #tpu.memory_space<vmem>>
          %dma_wait3A_296 = tpu.memref_slice %arg17[%multiple_of3A] : memref<10240xi32, #tpu.memory_space<vmem>> -> memref<128xi32, #tpu.memory_space<vmem>>
          %dma_wait3A_297 = arith.constant 0 : i32
          %dma_wait3A_298 = arith.constant 0 : i32
          %dma_wait3A_299 = tpu.memref_slice %arg26[%dma_wait3A_297, %dma_wait3A_298] : memref<1152x128xf32, #tpu.memory_space<vmem_shared>> -> memref<1152x128xf32, #tpu.memory_space<vmem_shared>>
          tpu.wait_indirect_dma semaphore(%run_scoped3A_283 : memref<!tpu.dma_semaphore, #tpu.memory_space<semaphore_mem>>) src(%dma_wait3A_295 : memref<128x128xf32, #tpu.memory_space<vmem>>) dst(%dma_wait3A_299 : memref<1152x128xf32, #tpu.memory_space<vmem_shared>>)
          tpu.yield
        }) : () -> ()
        "tpu.region"() ({
          %run_scoped3A_283 = tpu.sem_alloc : memref<!tpu.dma_semaphore, #tpu.memory_space<semaphore_mem>>
          %dma_start3A_284 = tpu.memref_slice %arg17[%multiple_of3A] : memref<10240xi32, #tpu.memory_space<vmem>> -> memref<128xi32, #tpu.memory_space<vmem>>
          %dma_start3A_285 = arith.constant 0 : i32
          %dma_start3A_286 = arith.constant 0 : i32
          %dma_start3A_287 = tpu.memref_slice %arg27[%dma_start3A_285, %dma_start3A_286] : memref<1152x16xf32, #tpu.memory_space<vmem_shared>> -> memref<1152x16xf32, #tpu.memory_space<vmem_shared>>
          tpu.enqueue_indirect_dma source(%arg19 : memref<128x16xf32, #tpu.memory_space<vmem>>) target(%dma_start3A_287 : memref<1152x16xf32, #tpu.memory_space<vmem_shared>>) offsets(%dma_start3A_284 : memref<128xi32, #tpu.memory_space<vmem>>) semaphore(%run_scoped3A_283 : memref<!tpu.dma_semaphore, #tpu.memory_space<semaphore_mem>>) {add = true}
          %dma_wait3A_288 = tpu.memref_slice %arg17[%multiple_of3A] : memref<10240xi32, #tpu.memory_space<vmem>> -> memref<128xi32, #tpu.memory_space<vmem>>
          %dma_wait3A_289 = arith.constant 0 : i32
          %dma_wait3A_290 = arith.constant 0 : i32
          %dma_wait3A_291 = tpu.memref_slice %arg27[%dma_wait3A_289, %dma_wait3A_290] : memref<1152x16xf32, #tpu.memory_space<vmem_shared>> -> memref<1152x16xf32, #tpu.memory_space<vmem_shared>>
          tpu.wait_indirect_dma semaphore(%run_scoped3A_283 : memref<!tpu.dma_semaphore, #tpu.memory_space<semaphore_mem>>) src(%arg19 : memref<128x16xf32, #tpu.memory_space<vmem>>) dst(%dma_wait3A_291 : memref<1152x16xf32, #tpu.memory_space<vmem_shared>>)
          tpu.yield
        }) : () -> ()
        %add3A_277 = arith.constant 3 : i32
        %add3A_278 = arith.addi %add3A_252, %add3A_277 : i32
        %lt3A_279 = arith.cmpi slt, %add3A_278, %select_n3A : i32
        %convert_element_type3A_280 = arith.extui %lt3A_279 : i1 to i32
        %cond3A_281 = arith.constant 0 : i32
        %cond3A_282 = arith.cmpi ne, %convert_element_type3A_280, %cond3A_281 : i32
        scf.if %cond3A_282 {
          %mul3A_283 = arith.constant 128 : i32
          %mul3A_284 = arith.muli %add3A_278, %mul3A_283 : i32
          %multiple_of3A_285 = tpu.assume_multiple %mul3A_284, 128 : i32
          %dma_start3A_286 = arith.constant 1 : i32
          %dma_start3A_287 = arith.constant 0 : i32
          %dma_start3A_288 = arith.constant 0 : i32
          %dma_start3A_289 = tpu.memref_slice %arg18[%dma_start3A_286, %dma_start3A_287, %dma_start3A_288] : memref<3x128x128xf32, #tpu.memory_space<vmem>> -> memref<1x128x128xf32, #tpu.memory_space<vmem>>
          %dma_start3A_290 = tpu.memref_squeeze %dma_start3A_289 : memref<1x128x128xf32, #tpu.memory_space<vmem>> -> memref<128x128xf32, #tpu.memory_space<vmem>>
          %dma_start3A_291 = tpu.memref_slice %arg16[%multiple_of3A_285] : memref<10240xi32, #tpu.memory_space<vmem>> -> memref<128xi32, #tpu.memory_space<vmem>>
          %dma_start3A_292 = arith.constant 0 : i32
          %dma_start3A_293 = arith.constant 0 : i32
          %dma_start3A_294 = tpu.memref_slice %arg5[%dma_start3A_292, %dma_start3A_293] : memref<10000x128xf32, #tpu.memory_space<hbm>> -> memref<10000x128xf32, #tpu.memory_space<hbm>>
          tpu.enqueue_indirect_dma source(%dma_start3A_294 : memref<10000x128xf32, #tpu.memory_space<hbm>>) target(%dma_start3A_290 : memref<128x128xf32, #tpu.memory_space<vmem>>) offsets(%dma_start3A_291 : memref<128xi32, #tpu.memory_space<vmem>>) semaphore(%arg30 : memref<!tpu.dma_semaphore, #tpu.memory_space<semaphore_mem>>)
        } else {
        }
      } else {
      }
      %mul3A_257 = arith.constant 3 : i32
      %mul3A_258 = arith.muli %while3A_240, %mul3A_257 : i32
      %add3A_259 = arith.constant 2 : i32
      %add3A_260 = arith.addi %mul3A_258, %add3A_259 : i32
      %lt3A_261 = arith.cmpi slt, %add3A_260, %select_n3A : i32
      %convert_element_type3A_262 = arith.extui %lt3A_261 : i1 to i32
      %cond3A_263 = arith.constant 0 : i32
      %cond3A_264 = arith.cmpi ne, %convert_element_type3A_262, %cond3A_263 : i32
      scf.if %cond3A_264 {
        %mul3A_266 = arith.constant 128 : i32
        %mul3A_267 = arith.muli %add3A_260, %mul3A_266 : i32
        %multiple_of3A = tpu.assume_multiple %mul3A_267, 128 : i32
        %dma_wait3A_268 = arith.constant 2 : i32
        %dma_wait3A_269 = arith.constant 0 : i32
        %dma_wait3A_270 = arith.constant 0 : i32
        %dma_wait3A_271 = tpu.memref_slice %arg18[%dma_wait3A_268, %dma_wait3A_269, %dma_wait3A_270] : memref<3x128x128xf32, #tpu.memory_space<vmem>> -> memref<1x128x128xf32, #tpu.memory_space<vmem>>
        %dma_wait3A_272 = tpu.memref_squeeze %dma_wait3A_271 : memref<1x128x128xf32, #tpu.memory_space<vmem>> -> memref<128x128xf32, #tpu.memory_space<vmem>>
        %dma_wait3A_273 = tpu.memref_slice %arg16[%multiple_of3A] : memref<10240xi32, #tpu.memory_space<vmem>> -> memref<128xi32, #tpu.memory_space<vmem>>
        %dma_wait3A_274 = arith.constant 0 : i32
        %dma_wait3A_275 = arith.constant 0 : i32
        %dma_wait3A_276 = tpu.memref_slice %arg5[%dma_wait3A_274, %dma_wait3A_275] : memref<10000x128xf32, #tpu.memory_space<hbm>> -> memref<10000x128xf32, #tpu.memory_space<hbm>>
        tpu.wait_indirect_dma semaphore(%arg31 : memref<!tpu.dma_semaphore, #tpu.memory_space<semaphore_mem>>) src(%dma_wait3A_276 : memref<10000x128xf32, #tpu.memory_space<hbm>>) dst(%dma_wait3A_272 : memref<128x128xf32, #tpu.memory_space<vmem>>)
        %run_scoped3A = arith.constant 2 : i32
        "tpu.region"() ({
          %run_scoped3A_283 = tpu.sem_alloc : memref<!tpu.dma_semaphore, #tpu.memory_space<semaphore_mem>>
          %dma_start3A_284 = arith.constant 0 : i32
          %dma_start3A_285 = arith.constant 0 : i32
          %dma_start3A_286 = tpu.memref_slice %arg18[%run_scoped3A, %dma_start3A_284, %dma_start3A_285] : memref<3x128x128xf32, #tpu.memory_space<vmem>> -> memref<1x128x128xf32, #tpu.memory_space<vmem>>
          %dma_start3A_287 = tpu.memref_squeeze %dma_start3A_286 : memref<1x128x128xf32, #tpu.memory_space<vmem>> -> memref<128x128xf32, #tpu.memory_space<vmem>>
          %dma_start3A_288 = tpu.memref_slice %arg17[%multiple_of3A] : memref<10240xi32, #tpu.memory_space<vmem>> -> memref<128xi32, #tpu.memory_space<vmem>>
          %dma_start3A_289 = arith.constant 0 : i32
          %dma_start3A_290 = arith.constant 0 : i32
          %dma_start3A_291 = tpu.memref_slice %arg26[%dma_start3A_289, %dma_start3A_290] : memref<1152x128xf32, #tpu.memory_space<vmem_shared>> -> memref<1152x128xf32, #tpu.memory_space<vmem_shared>>
          tpu.enqueue_indirect_dma source(%dma_start3A_287 : memref<128x128xf32, #tpu.memory_space<vmem>>) target(%dma_start3A_291 : memref<1152x128xf32, #tpu.memory_space<vmem_shared>>) offsets(%dma_start3A_288 : memref<128xi32, #tpu.memory_space<vmem>>) semaphore(%run_scoped3A_283 : memref<!tpu.dma_semaphore, #tpu.memory_space<semaphore_mem>>) {add = true}
          %dma_wait3A_292 = arith.constant 0 : i32
          %dma_wait3A_293 = arith.constant 0 : i32
          %dma_wait3A_294 = tpu.memref_slice %arg18[%run_scoped3A, %dma_wait3A_292, %dma_wait3A_293] : memref<3x128x128xf32, #tpu.memory_space<vmem>> -> memref<1x128x128xf32, #tpu.memory_space<vmem>>
          %dma_wait3A_295 = tpu.memref_squeeze %dma_wait3A_294 : memref<1x128x128xf32, #tpu.memory_space<vmem>> -> memref<128x128xf32, #tpu.memory_space<vmem>>
          %dma_wait3A_296 = tpu.memref_slice %arg17[%multiple_of3A] : memref<10240xi32, #tpu.memory_space<vmem>> -> memref<128xi32, #tpu.memory_space<vmem>>
          %dma_wait3A_297 = arith.constant 0 : i32
          %dma_wait3A_298 = arith.constant 0 : i32
          %dma_wait3A_299 = tpu.memref_slice %arg26[%dma_wait3A_297, %dma_wait3A_298] : memref<1152x128xf32, #tpu.memory_space<vmem_shared>> -> memref<1152x128xf32, #tpu.memory_space<vmem_shared>>
          tpu.wait_indirect_dma semaphore(%run_scoped3A_283 : memref<!tpu.dma_semaphore, #tpu.memory_space<semaphore_mem>>) src(%dma_wait3A_295 : memref<128x128xf32, #tpu.memory_space<vmem>>) dst(%dma_wait3A_299 : memref<1152x128xf32, #tpu.memory_space<vmem_shared>>)
          tpu.yield
        }) : () -> ()
        "tpu.region"() ({
          %run_scoped3A_283 = tpu.sem_alloc : memref<!tpu.dma_semaphore, #tpu.memory_space<semaphore_mem>>
          %dma_start3A_284 = tpu.memref_slice %arg17[%multiple_of3A] : memref<10240xi32, #tpu.memory_space<vmem>> -> memref<128xi32, #tpu.memory_space<vmem>>
          %dma_start3A_285 = arith.constant 0 : i32
          %dma_start3A_286 = arith.constant 0 : i32
          %dma_start3A_287 = tpu.memref_slice %arg27[%dma_start3A_285, %dma_start3A_286] : memref<1152x16xf32, #tpu.memory_space<vmem_shared>> -> memref<1152x16xf32, #tpu.memory_space<vmem_shared>>
          tpu.enqueue_indirect_dma source(%arg19 : memref<128x16xf32, #tpu.memory_space<vmem>>) target(%dma_start3A_287 : memref<1152x16xf32, #tpu.memory_space<vmem_shared>>) offsets(%dma_start3A_284 : memref<128xi32, #tpu.memory_space<vmem>>) semaphore(%run_scoped3A_283 : memref<!tpu.dma_semaphore, #tpu.memory_space<semaphore_mem>>) {add = true}
          %dma_wait3A_288 = tpu.memref_slice %arg17[%multiple_of3A] : memref<10240xi32, #tpu.memory_space<vmem>> -> memref<128xi32, #tpu.memory_space<vmem>>
          %dma_wait3A_289 = arith.constant 0 : i32
          %dma_wait3A_290 = arith.constant 0 : i32
          %dma_wait3A_291 = tpu.memref_slice %arg27[%dma_wait3A_289, %dma_wait3A_290] : memref<1152x16xf32, #tpu.memory_space<vmem_shared>> -> memref<1152x16xf32, #tpu.memory_space<vmem_shared>>
          tpu.wait_indirect_dma semaphore(%run_scoped3A_283 : memref<!tpu.dma_semaphore, #tpu.memory_space<semaphore_mem>>) src(%arg19 : memref<128x16xf32, #tpu.memory_space<vmem>>) dst(%dma_wait3A_291 : memref<1152x16xf32, #tpu.memory_space<vmem_shared>>)
          tpu.yield
        }) : () -> ()
        %add3A_277 = arith.constant 3 : i32
        %add3A_278 = arith.addi %add3A_260, %add3A_277 : i32
        %lt3A_279 = arith.cmpi slt, %add3A_278, %select_n3A : i32
        %convert_element_type3A_280 = arith.extui %lt3A_279 : i1 to i32
        %cond3A_281 = arith.constant 0 : i32
        %cond3A_282 = arith.cmpi ne, %convert_element_type3A_280, %cond3A_281 : i32
        scf.if %cond3A_282 {
          %mul3A_283 = arith.constant 128 : i32
          %mul3A_284 = arith.muli %add3A_278, %mul3A_283 : i32
          %multiple_of3A_285 = tpu.assume_multiple %mul3A_284, 128 : i32
          %dma_start3A_286 = arith.constant 2 : i32
          %dma_start3A_287 = arith.constant 0 : i32
          %dma_start3A_288 = arith.constant 0 : i32
          %dma_start3A_289 = tpu.memref_slice %arg18[%dma_start3A_286, %dma_start3A_287, %dma_start3A_288] : memref<3x128x128xf32, #tpu.memory_space<vmem>> -> memref<1x128x128xf32, #tpu.memory_space<vmem>>
          %dma_start3A_290 = tpu.memref_squeeze %dma_start3A_289 : memref<1x128x128xf32, #tpu.memory_space<vmem>> -> memref<128x128xf32, #tpu.memory_space<vmem>>
          %dma_start3A_291 = tpu.memref_slice %arg16[%multiple_of3A_285] : memref<10240xi32, #tpu.memory_space<vmem>> -> memref<128xi32, #tpu.memory_space<vmem>>
          %dma_start3A_292 = arith.constant 0 : i32
          %dma_start3A_293 = arith.constant 0 : i32
          %dma_start3A_294 = tpu.memref_slice %arg5[%dma_start3A_292, %dma_start3A_293] : memref<10000x128xf32, #tpu.memory_space<hbm>> -> memref<10000x128xf32, #tpu.memory_space<hbm>>
          tpu.enqueue_indirect_dma source(%dma_start3A_294 : memref<10000x128xf32, #tpu.memory_space<hbm>>) target(%dma_start3A_290 : memref<128x128xf32, #tpu.memory_space<vmem>>) offsets(%dma_start3A_291 : memref<128xi32, #tpu.memory_space<vmem>>) semaphore(%arg31 : memref<!tpu.dma_semaphore, #tpu.memory_space<semaphore_mem>>)
        } else {
        }
      } else {
      }
      %while3A_265 = arith.constant 0 : i32
      scf.yield %while3A_265 : i32
    }
    %while3A_197 = arith.constant 1 : i32
    %while3A_198 = scf.for %while3A_240 = %while3A_194 to %while3A_190 step %while3A_197 iter_args(%while3A_241 = %while3A_196) -> (i32)  : i32 {
      %mul3A_242 = arith.constant 3 : i32
      %mul3A_243 = arith.muli %while3A_240, %mul3A_242 : i32
      %add3A_244 = arith.constant 0 : i32
      %add3A_245 = arith.addi %mul3A_243, %add3A_244 : i32
      %lt3A = arith.cmpi slt, %add3A_245, %select_n3A : i32
      %convert_element_type3A_246 = arith.extui %lt3A : i1 to i32
      %cond3A_247 = arith.constant 0 : i32
      %cond3A_248 = arith.cmpi ne, %convert_element_type3A_246, %cond3A_247 : i32
      scf.if %cond3A_248 {
        %mul3A_266 = arith.constant 128 : i32
        %mul3A_267 = arith.muli %add3A_245, %mul3A_266 : i32
        %multiple_of3A = tpu.assume_multiple %mul3A_267, 128 : i32
        %dma_wait3A_268 = arith.constant 0 : i32
        %dma_wait3A_269 = arith.constant 0 : i32
        %dma_wait3A_270 = arith.constant 0 : i32
        %dma_wait3A_271 = tpu.memref_slice %arg18[%dma_wait3A_268, %dma_wait3A_269, %dma_wait3A_270] : memref<3x128x128xf32, #tpu.memory_space<vmem>> -> memref<1x128x128xf32, #tpu.memory_space<vmem>>
        %dma_wait3A_272 = tpu.memref_squeeze %dma_wait3A_271 : memref<1x128x128xf32, #tpu.memory_space<vmem>> -> memref<128x128xf32, #tpu.memory_space<vmem>>
        %dma_wait3A_273 = tpu.memref_slice %arg16[%multiple_of3A] : memref<10240xi32, #tpu.memory_space<vmem>> -> memref<128xi32, #tpu.memory_space<vmem>>
        %dma_wait3A_274 = arith.constant 0 : i32
        %dma_wait3A_275 = arith.constant 0 : i32
        %dma_wait3A_276 = tpu.memref_slice %arg5[%dma_wait3A_274, %dma_wait3A_275] : memref<10000x128xf32, #tpu.memory_space<hbm>> -> memref<10000x128xf32, #tpu.memory_space<hbm>>
        tpu.wait_indirect_dma semaphore(%arg29 : memref<!tpu.dma_semaphore, #tpu.memory_space<semaphore_mem>>) src(%dma_wait3A_276 : memref<10000x128xf32, #tpu.memory_space<hbm>>) dst(%dma_wait3A_272 : memref<128x128xf32, #tpu.memory_space<vmem>>)
        %run_scoped3A = arith.constant 0 : i32
        "tpu.region"() ({
          %run_scoped3A_283 = tpu.sem_alloc : memref<!tpu.dma_semaphore, #tpu.memory_space<semaphore_mem>>
          %dma_start3A_284 = arith.constant 0 : i32
          %dma_start3A_285 = arith.constant 0 : i32
          %dma_start3A_286 = tpu.memref_slice %arg18[%run_scoped3A, %dma_start3A_284, %dma_start3A_285] : memref<3x128x128xf32, #tpu.memory_space<vmem>> -> memref<1x128x128xf32, #tpu.memory_space<vmem>>
          %dma_start3A_287 = tpu.memref_squeeze %dma_start3A_286 : memref<1x128x128xf32, #tpu.memory_space<vmem>> -> memref<128x128xf32, #tpu.memory_space<vmem>>
          %dma_start3A_288 = tpu.memref_slice %arg17[%multiple_of3A] : memref<10240xi32, #tpu.memory_space<vmem>> -> memref<128xi32, #tpu.memory_space<vmem>>
          %dma_start3A_289 = arith.constant 0 : i32
          %dma_start3A_290 = arith.constant 0 : i32
          %dma_start3A_291 = tpu.memref_slice %arg26[%dma_start3A_289, %dma_start3A_290] : memref<1152x128xf32, #tpu.memory_space<vmem_shared>> -> memref<1152x128xf32, #tpu.memory_space<vmem_shared>>
          tpu.enqueue_indirect_dma source(%dma_start3A_287 : memref<128x128xf32, #tpu.memory_space<vmem>>) target(%dma_start3A_291 : memref<1152x128xf32, #tpu.memory_space<vmem_shared>>) offsets(%dma_start3A_288 : memref<128xi32, #tpu.memory_space<vmem>>) semaphore(%run_scoped3A_283 : memref<!tpu.dma_semaphore, #tpu.memory_space<semaphore_mem>>) {add = true}
          %dma_wait3A_292 = arith.constant 0 : i32
          %dma_wait3A_293 = arith.constant 0 : i32
          %dma_wait3A_294 = tpu.memref_slice %arg18[%run_scoped3A, %dma_wait3A_292, %dma_wait3A_293] : memref<3x128x128xf32, #tpu.memory_space<vmem>> -> memref<1x128x128xf32, #tpu.memory_space<vmem>>
          %dma_wait3A_295 = tpu.memref_squeeze %dma_wait3A_294 : memref<1x128x128xf32, #tpu.memory_space<vmem>> -> memref<128x128xf32, #tpu.memory_space<vmem>>
          %dma_wait3A_296 = tpu.memref_slice %arg17[%multiple_of3A] : memref<10240xi32, #tpu.memory_space<vmem>> -> memref<128xi32, #tpu.memory_space<vmem>>
          %dma_wait3A_297 = arith.constant 0 : i32
          %dma_wait3A_298 = arith.constant 0 : i32
          %dma_wait3A_299 = tpu.memref_slice %arg26[%dma_wait3A_297, %dma_wait3A_298] : memref<1152x128xf32, #tpu.memory_space<vmem_shared>> -> memref<1152x128xf32, #tpu.memory_space<vmem_shared>>
          tpu.wait_indirect_dma semaphore(%run_scoped3A_283 : memref<!tpu.dma_semaphore, #tpu.memory_space<semaphore_mem>>) src(%dma_wait3A_295 : memref<128x128xf32, #tpu.memory_space<vmem>>) dst(%dma_wait3A_299 : memref<1152x128xf32, #tpu.memory_space<vmem_shared>>)
          tpu.yield
        }) : () -> ()
        "tpu.region"() ({
          %run_scoped3A_283 = tpu.sem_alloc : memref<!tpu.dma_semaphore, #tpu.memory_space<semaphore_mem>>
          %dma_start3A_284 = tpu.memref_slice %arg17[%multiple_of3A] : memref<10240xi32, #tpu.memory_space<vmem>> -> memref<128xi32, #tpu.memory_space<vmem>>
          %dma_start3A_285 = arith.constant 0 : i32
          %dma_start3A_286 = arith.constant 0 : i32
          %dma_start3A_287 = tpu.memref_slice %arg27[%dma_start3A_285, %dma_start3A_286] : memref<1152x16xf32, #tpu.memory_space<vmem_shared>> -> memref<1152x16xf32, #tpu.memory_space<vmem_shared>>
          tpu.enqueue_indirect_dma source(%arg19 : memref<128x16xf32, #tpu.memory_space<vmem>>) target(%dma_start3A_287 : memref<1152x16xf32, #tpu.memory_space<vmem_shared>>) offsets(%dma_start3A_284 : memref<128xi32, #tpu.memory_space<vmem>>) semaphore(%run_scoped3A_283 : memref<!tpu.dma_semaphore, #tpu.memory_space<semaphore_mem>>) {add = true}
          %dma_wait3A_288 = tpu.memref_slice %arg17[%multiple_of3A] : memref<10240xi32, #tpu.memory_space<vmem>> -> memref<128xi32, #tpu.memory_space<vmem>>
          %dma_wait3A_289 = arith.constant 0 : i32
          %dma_wait3A_290 = arith.constant 0 : i32
          %dma_wait3A_291 = tpu.memref_slice %arg27[%dma_wait3A_289, %dma_wait3A_290] : memref<1152x16xf32, #tpu.memory_space<vmem_shared>> -> memref<1152x16xf32, #tpu.memory_space<vmem_shared>>
          tpu.wait_indirect_dma semaphore(%run_scoped3A_283 : memref<!tpu.dma_semaphore, #tpu.memory_space<semaphore_mem>>) src(%arg19 : memref<128x16xf32, #tpu.memory_space<vmem>>) dst(%dma_wait3A_291 : memref<1152x16xf32, #tpu.memory_space<vmem_shared>>)
          tpu.yield
        }) : () -> ()
        %add3A_277 = arith.constant 3 : i32
        %add3A_278 = arith.addi %add3A_245, %add3A_277 : i32
        %lt3A_279 = arith.cmpi slt, %add3A_278, %select_n3A : i32
        %convert_element_type3A_280 = arith.extui %lt3A_279 : i1 to i32
        %cond3A_281 = arith.constant 0 : i32
        %cond3A_282 = arith.cmpi ne, %convert_element_type3A_280, %cond3A_281 : i32
        scf.if %cond3A_282 {
          %mul3A_283 = arith.constant 128 : i32
          %mul3A_284 = arith.muli %add3A_278, %mul3A_283 : i32
          %multiple_of3A_285 = tpu.assume_multiple %mul3A_284, 128 : i32
          %dma_start3A_286 = arith.constant 0 : i32
          %dma_start3A_287 = arith.constant 0 : i32
          %dma_start3A_288 = arith.constant 0 : i32
          %dma_start3A_289 = tpu.memref_slice %arg18[%dma_start3A_286, %dma_start3A_287, %dma_start3A_288] : memref<3x128x128xf32, #tpu.memory_space<vmem>> -> memref<1x128x128xf32, #tpu.memory_space<vmem>>
          %dma_start3A_290 = tpu.memref_squeeze %dma_start3A_289 : memref<1x128x128xf32, #tpu.memory_space<vmem>> -> memref<128x128xf32, #tpu.memory_space<vmem>>
          %dma_start3A_291 = tpu.memref_slice %arg16[%multiple_of3A_285] : memref<10240xi32, #tpu.memory_space<vmem>> -> memref<128xi32, #tpu.memory_space<vmem>>
          %dma_start3A_292 = arith.constant 0 : i32
          %dma_start3A_293 = arith.constant 0 : i32
          %dma_start3A_294 = tpu.memref_slice %arg5[%dma_start3A_292, %dma_start3A_293] : memref<10000x128xf32, #tpu.memory_space<hbm>> -> memref<10000x128xf32, #tpu.memory_space<hbm>>
          tpu.enqueue_indirect_dma source(%dma_start3A_294 : memref<10000x128xf32, #tpu.memory_space<hbm>>) target(%dma_start3A_290 : memref<128x128xf32, #tpu.memory_space<vmem>>) offsets(%dma_start3A_291 : memref<128xi32, #tpu.memory_space<vmem>>) semaphore(%arg29 : memref<!tpu.dma_semaphore, #tpu.memory_space<semaphore_mem>>)
        } else {
        }
      } else {
      }
      %mul3A_249 = arith.constant 3 : i32
      %mul3A_250 = arith.muli %while3A_240, %mul3A_249 : i32
      %add3A_251 = arith.constant 1 : i32
      %add3A_252 = arith.addi %mul3A_250, %add3A_251 : i32
      %lt3A_253 = arith.cmpi slt, %add3A_252, %select_n3A : i32
      %convert_element_type3A_254 = arith.extui %lt3A_253 : i1 to i32
      %cond3A_255 = arith.constant 0 : i32
      %cond3A_256 = arith.cmpi ne, %convert_element_type3A_254, %cond3A_255 : i32
      scf.if %cond3A_256 {
        %mul3A_266 = arith.constant 128 : i32
        %mul3A_267 = arith.muli %add3A_252, %mul3A_266 : i32
        %multiple_of3A = tpu.assume_multiple %mul3A_267, 128 : i32
        %dma_wait3A_268 = arith.constant 1 : i32
        %dma_wait3A_269 = arith.constant 0 : i32
        %dma_wait3A_270 = arith.constant 0 : i32
        %dma_wait3A_271 = tpu.memref_slice %arg18[%dma_wait3A_268, %dma_wait3A_269, %dma_wait3A_270] : memref<3x128x128xf32, #tpu.memory_space<vmem>> -> memref<1x128x128xf32, #tpu.memory_space<vmem>>
        %dma_wait3A_272 = tpu.memref_squeeze %dma_wait3A_271 : memref<1x128x128xf32, #tpu.memory_space<vmem>> -> memref<128x128xf32, #tpu.memory_space<vmem>>
        %dma_wait3A_273 = tpu.memref_slice %arg16[%multiple_of3A] : memref<10240xi32, #tpu.memory_space<vmem>> -> memref<128xi32, #tpu.memory_space<vmem>>
        %dma_wait3A_274 = arith.constant 0 : i32
        %dma_wait3A_275 = arith.constant 0 : i32
        %dma_wait3A_276 = tpu.memref_slice %arg5[%dma_wait3A_274, %dma_wait3A_275] : memref<10000x128xf32, #tpu.memory_space<hbm>> -> memref<10000x128xf32, #tpu.memory_space<hbm>>
        tpu.wait_indirect_dma semaphore(%arg30 : memref<!tpu.dma_semaphore, #tpu.memory_space<semaphore_mem>>) src(%dma_wait3A_276 : memref<10000x128xf32, #tpu.memory_space<hbm>>) dst(%dma_wait3A_272 : memref<128x128xf32, #tpu.memory_space<vmem>>)
        %run_scoped3A = arith.constant 1 : i32
        "tpu.region"() ({
          %run_scoped3A_283 = tpu.sem_alloc : memref<!tpu.dma_semaphore, #tpu.memory_space<semaphore_mem>>
          %dma_start3A_284 = arith.constant 0 : i32
          %dma_start3A_285 = arith.constant 0 : i32
          %dma_start3A_286 = tpu.memref_slice %arg18[%run_scoped3A, %dma_start3A_284, %dma_start3A_285] : memref<3x128x128xf32, #tpu.memory_space<vmem>> -> memref<1x128x128xf32, #tpu.memory_space<vmem>>
          %dma_start3A_287 = tpu.memref_squeeze %dma_start3A_286 : memref<1x128x128xf32, #tpu.memory_space<vmem>> -> memref<128x128xf32, #tpu.memory_space<vmem>>
          %dma_start3A_288 = tpu.memref_slice %arg17[%multiple_of3A] : memref<10240xi32, #tpu.memory_space<vmem>> -> memref<128xi32, #tpu.memory_space<vmem>>
          %dma_start3A_289 = arith.constant 0 : i32
          %dma_start3A_290 = arith.constant 0 : i32
          %dma_start3A_291 = tpu.memref_slice %arg26[%dma_start3A_289, %dma_start3A_290] : memref<1152x128xf32, #tpu.memory_space<vmem_shared>> -> memref<1152x128xf32, #tpu.memory_space<vmem_shared>>
          tpu.enqueue_indirect_dma source(%dma_start3A_287 : memref<128x128xf32, #tpu.memory_space<vmem>>) target(%dma_start3A_291 : memref<1152x128xf32, #tpu.memory_space<vmem_shared>>) offsets(%dma_start3A_288 : memref<128xi32, #tpu.memory_space<vmem>>) semaphore(%run_scoped3A_283 : memref<!tpu.dma_semaphore, #tpu.memory_space<semaphore_mem>>) {add = true}
          %dma_wait3A_292 = arith.constant 0 : i32
          %dma_wait3A_293 = arith.constant 0 : i32
          %dma_wait3A_294 = tpu.memref_slice %arg18[%run_scoped3A, %dma_wait3A_292, %dma_wait3A_293] : memref<3x128x128xf32, #tpu.memory_space<vmem>> -> memref<1x128x128xf32, #tpu.memory_space<vmem>>
          %dma_wait3A_295 = tpu.memref_squeeze %dma_wait3A_294 : memref<1x128x128xf32, #tpu.memory_space<vmem>> -> memref<128x128xf32, #tpu.memory_space<vmem>>
          %dma_wait3A_296 = tpu.memref_slice %arg17[%multiple_of3A] : memref<10240xi32, #tpu.memory_space<vmem>> -> memref<128xi32, #tpu.memory_space<vmem>>
          %dma_wait3A_297 = arith.constant 0 : i32
          %dma_wait3A_298 = arith.constant 0 : i32
          %dma_wait3A_299 = tpu.memref_slice %arg26[%dma_wait3A_297, %dma_wait3A_298] : memref<1152x128xf32, #tpu.memory_space<vmem_shared>> -> memref<1152x128xf32, #tpu.memory_space<vmem_shared>>
          tpu.wait_indirect_dma semaphore(%run_scoped3A_283 : memref<!tpu.dma_semaphore, #tpu.memory_space<semaphore_mem>>) src(%dma_wait3A_295 : memref<128x128xf32, #tpu.memory_space<vmem>>) dst(%dma_wait3A_299 : memref<1152x128xf32, #tpu.memory_space<vmem_shared>>)
          tpu.yield
        }) : () -> ()
        "tpu.region"() ({
          %run_scoped3A_283 = tpu.sem_alloc : memref<!tpu.dma_semaphore, #tpu.memory_space<semaphore_mem>>
          %dma_start3A_284 = tpu.memref_slice %arg17[%multiple_of3A] : memref<10240xi32, #tpu.memory_space<vmem>> -> memref<128xi32, #tpu.memory_space<vmem>>
          %dma_start3A_285 = arith.constant 0 : i32
          %dma_start3A_286 = arith.constant 0 : i32
          %dma_start3A_287 = tpu.memref_slice %arg27[%dma_start3A_285, %dma_start3A_286] : memref<1152x16xf32, #tpu.memory_space<vmem_shared>> -> memref<1152x16xf32, #tpu.memory_space<vmem_shared>>
          tpu.enqueue_indirect_dma source(%arg19 : memref<128x16xf32, #tpu.memory_space<vmem>>) target(%dma_start3A_287 : memref<1152x16xf32, #tpu.memory_space<vmem_shared>>) offsets(%dma_start3A_284 : memref<128xi32, #tpu.memory_space<vmem>>) semaphore(%run_scoped3A_283 : memref<!tpu.dma_semaphore, #tpu.memory_space<semaphore_mem>>) {add = true}
          %dma_wait3A_288 = tpu.memref_slice %arg17[%multiple_of3A] : memref<10240xi32, #tpu.memory_space<vmem>> -> memref<128xi32, #tpu.memory_space<vmem>>
          %dma_wait3A_289 = arith.constant 0 : i32
          %dma_wait3A_290 = arith.constant 0 : i32
          %dma_wait3A_291 = tpu.memref_slice %arg27[%dma_wait3A_289, %dma_wait3A_290] : memref<1152x16xf32, #tpu.memory_space<vmem_shared>> -> memref<1152x16xf32, #tpu.memory_space<vmem_shared>>
          tpu.wait_indirect_dma semaphore(%run_scoped3A_283 : memref<!tpu.dma_semaphore, #tpu.memory_space<semaphore_mem>>) src(%arg19 : memref<128x16xf32, #tpu.memory_space<vmem>>) dst(%dma_wait3A_291 : memref<1152x16xf32, #tpu.memory_space<vmem_shared>>)
          tpu.yield
        }) : () -> ()
        %add3A_277 = arith.constant 3 : i32
        %add3A_278 = arith.addi %add3A_252, %add3A_277 : i32
        %lt3A_279 = arith.cmpi slt, %add3A_278, %select_n3A : i32
        %convert_element_type3A_280 = arith.extui %lt3A_279 : i1 to i32
        %cond3A_281 = arith.constant 0 : i32
        %cond3A_282 = arith.cmpi ne, %convert_element_type3A_280, %cond3A_281 : i32
        scf.if %cond3A_282 {
          %mul3A_283 = arith.constant 128 : i32
          %mul3A_284 = arith.muli %add3A_278, %mul3A_283 : i32
          %multiple_of3A_285 = tpu.assume_multiple %mul3A_284, 128 : i32
          %dma_start3A_286 = arith.constant 1 : i32
          %dma_start3A_287 = arith.constant 0 : i32
          %dma_start3A_288 = arith.constant 0 : i32
          %dma_start3A_289 = tpu.memref_slice %arg18[%dma_start3A_286, %dma_start3A_287, %dma_start3A_288] : memref<3x128x128xf32, #tpu.memory_space<vmem>> -> memref<1x128x128xf32, #tpu.memory_space<vmem>>
          %dma_start3A_290 = tpu.memref_squeeze %dma_start3A_289 : memref<1x128x128xf32, #tpu.memory_space<vmem>> -> memref<128x128xf32, #tpu.memory_space<vmem>>
          %dma_start3A_291 = tpu.memref_slice %arg16[%multiple_of3A_285] : memref<10240xi32, #tpu.memory_space<vmem>> -> memref<128xi32, #tpu.memory_space<vmem>>
          %dma_start3A_292 = arith.constant 0 : i32
          %dma_start3A_293 = arith.constant 0 : i32
          %dma_start3A_294 = tpu.memref_slice %arg5[%dma_start3A_292, %dma_start3A_293] : memref<10000x128xf32, #tpu.memory_space<hbm>> -> memref<10000x128xf32, #tpu.memory_space<hbm>>
          tpu.enqueue_indirect_dma source(%dma_start3A_294 : memref<10000x128xf32, #tpu.memory_space<hbm>>) target(%dma_start3A_290 : memref<128x128xf32, #tpu.memory_space<vmem>>) offsets(%dma_start3A_291 : memref<128xi32, #tpu.memory_space<vmem>>) semaphore(%arg30 : memref<!tpu.dma_semaphore, #tpu.memory_space<semaphore_mem>>)
        } else {
        }
      } else {
      }
      %mul3A_257 = arith.constant 3 : i32
      %mul3A_258 = arith.muli %while3A_240, %mul3A_257 : i32
      %add3A_259 = arith.constant 2 : i32
      %add3A_260 = arith.addi %mul3A_258, %add3A_259 : i32
      %lt3A_261 = arith.cmpi slt, %add3A_260, %select_n3A : i32
      %convert_element_type3A_262 = arith.extui %lt3A_261 : i1 to i32
      %cond3A_263 = arith.constant 0 : i32
      %cond3A_264 = arith.cmpi ne, %convert_element_type3A_262, %cond3A_263 : i32
      scf.if %cond3A_264 {
        %mul3A_266 = arith.constant 128 : i32
        %mul3A_267 = arith.muli %add3A_260, %mul3A_266 : i32
        %multiple_of3A = tpu.assume_multiple %mul3A_267, 128 : i32
        %dma_wait3A_268 = arith.constant 2 : i32
        %dma_wait3A_269 = arith.constant 0 : i32
        %dma_wait3A_270 = arith.constant 0 : i32
        %dma_wait3A_271 = tpu.memref_slice %arg18[%dma_wait3A_268, %dma_wait3A_269, %dma_wait3A_270] : memref<3x128x128xf32, #tpu.memory_space<vmem>> -> memref<1x128x128xf32, #tpu.memory_space<vmem>>
        %dma_wait3A_272 = tpu.memref_squeeze %dma_wait3A_271 : memref<1x128x128xf32, #tpu.memory_space<vmem>> -> memref<128x128xf32, #tpu.memory_space<vmem>>
        %dma_wait3A_273 = tpu.memref_slice %arg16[%multiple_of3A] : memref<10240xi32, #tpu.memory_space<vmem>> -> memref<128xi32, #tpu.memory_space<vmem>>
        %dma_wait3A_274 = arith.constant 0 : i32
        %dma_wait3A_275 = arith.constant 0 : i32
        %dma_wait3A_276 = tpu.memref_slice %arg5[%dma_wait3A_274, %dma_wait3A_275] : memref<10000x128xf32, #tpu.memory_space<hbm>> -> memref<10000x128xf32, #tpu.memory_space<hbm>>
        tpu.wait_indirect_dma semaphore(%arg31 : memref<!tpu.dma_semaphore, #tpu.memory_space<semaphore_mem>>) src(%dma_wait3A_276 : memref<10000x128xf32, #tpu.memory_space<hbm>>) dst(%dma_wait3A_272 : memref<128x128xf32, #tpu.memory_space<vmem>>)
        %run_scoped3A = arith.constant 2 : i32
        "tpu.region"() ({
          %run_scoped3A_283 = tpu.sem_alloc : memref<!tpu.dma_semaphore, #tpu.memory_space<semaphore_mem>>
          %dma_start3A_284 = arith.constant 0 : i32
          %dma_start3A_285 = arith.constant 0 : i32
          %dma_start3A_286 = tpu.memref_slice %arg18[%run_scoped3A, %dma_start3A_284, %dma_start3A_285] : memref<3x128x128xf32, #tpu.memory_space<vmem>> -> memref<1x128x128xf32, #tpu.memory_space<vmem>>
          %dma_start3A_287 = tpu.memref_squeeze %dma_start3A_286 : memref<1x128x128xf32, #tpu.memory_space<vmem>> -> memref<128x128xf32, #tpu.memory_space<vmem>>
          %dma_start3A_288 = tpu.memref_slice %arg17[%multiple_of3A] : memref<10240xi32, #tpu.memory_space<vmem>> -> memref<128xi32, #tpu.memory_space<vmem>>
          %dma_start3A_289 = arith.constant 0 : i32
          %dma_start3A_290 = arith.constant 0 : i32
          %dma_start3A_291 = tpu.memref_slice %arg26[%dma_start3A_289, %dma_start3A_290] : memref<1152x128xf32, #tpu.memory_space<vmem_shared>> -> memref<1152x128xf32, #tpu.memory_space<vmem_shared>>
          tpu.enqueue_indirect_dma source(%dma_start3A_287 : memref<128x128xf32, #tpu.memory_space<vmem>>) target(%dma_start3A_291 : memref<1152x128xf32, #tpu.memory_space<vmem_shared>>) offsets(%dma_start3A_288 : memref<128xi32, #tpu.memory_space<vmem>>) semaphore(%run_scoped3A_283 : memref<!tpu.dma_semaphore, #tpu.memory_space<semaphore_mem>>) {add = true}
          %dma_wait3A_292 = arith.constant 0 : i32
          %dma_wait3A_293 = arith.constant 0 : i32
          %dma_wait3A_294 = tpu.memref_slice %arg18[%run_scoped3A, %dma_wait3A_292, %dma_wait3A_293] : memref<3x128x128xf32, #tpu.memory_space<vmem>> -> memref<1x128x128xf32, #tpu.memory_space<vmem>>
          %dma_wait3A_295 = tpu.memref_squeeze %dma_wait3A_294 : memref<1x128x128xf32, #tpu.memory_space<vmem>> -> memref<128x128xf32, #tpu.memory_space<vmem>>
          %dma_wait3A_296 = tpu.memref_slice %arg17[%multiple_of3A] : memref<10240xi32, #tpu.memory_space<vmem>> -> memref<128xi32, #tpu.memory_space<vmem>>
          %dma_wait3A_297 = arith.constant 0 : i32
          %dma_wait3A_298 = arith.constant 0 : i32
          %dma_wait3A_299 = tpu.memref_slice %arg26[%dma_wait3A_297, %dma_wait3A_298] : memref<1152x128xf32, #tpu.memory_space<vmem_shared>> -> memref<1152x128xf32, #tpu.memory_space<vmem_shared>>
          tpu.wait_indirect_dma semaphore(%run_scoped3A_283 : memref<!tpu.dma_semaphore, #tpu.memory_space<semaphore_mem>>) src(%dma_wait3A_295 : memref<128x128xf32, #tpu.memory_space<vmem>>) dst(%dma_wait3A_299 : memref<1152x128xf32, #tpu.memory_space<vmem_shared>>)
          tpu.yield
        }) : () -> ()
        "tpu.region"() ({
          %run_scoped3A_283 = tpu.sem_alloc : memref<!tpu.dma_semaphore, #tpu.memory_space<semaphore_mem>>
          %dma_start3A_284 = tpu.memref_slice %arg17[%multiple_of3A] : memref<10240xi32, #tpu.memory_space<vmem>> -> memref<128xi32, #tpu.memory_space<vmem>>
          %dma_start3A_285 = arith.constant 0 : i32
          %dma_start3A_286 = arith.constant 0 : i32
          %dma_start3A_287 = tpu.memref_slice %arg27[%dma_start3A_285, %dma_start3A_286] : memref<1152x16xf32, #tpu.memory_space<vmem_shared>> -> memref<1152x16xf32, #tpu.memory_space<vmem_shared>>
          tpu.enqueue_indirect_dma source(%arg19 : memref<128x16xf32, #tpu.memory_space<vmem>>) target(%dma_start3A_287 : memref<1152x16xf32, #tpu.memory_space<vmem_shared>>) offsets(%dma_start3A_284 : memref<128xi32, #tpu.memory_space<vmem>>) semaphore(%run_scoped3A_283 : memref<!tpu.dma_semaphore, #tpu.memory_space<semaphore_mem>>) {add = true}
          %dma_wait3A_288 = tpu.memref_slice %arg17[%multiple_of3A] : memref<10240xi32, #tpu.memory_space<vmem>> -> memref<128xi32, #tpu.memory_space<vmem>>
          %dma_wait3A_289 = arith.constant 0 : i32
          %dma_wait3A_290 = arith.constant 0 : i32
          %dma_wait3A_291 = tpu.memref_slice %arg27[%dma_wait3A_289, %dma_wait3A_290] : memref<1152x16xf32, #tpu.memory_space<vmem_shared>> -> memref<1152x16xf32, #tpu.memory_space<vmem_shared>>
          tpu.wait_indirect_dma semaphore(%run_scoped3A_283 : memref<!tpu.dma_semaphore, #tpu.memory_space<semaphore_mem>>) src(%arg19 : memref<128x16xf32, #tpu.memory_space<vmem>>) dst(%dma_wait3A_291 : memref<1152x16xf32, #tpu.memory_space<vmem_shared>>)
          tpu.yield
        }) : () -> ()
        %add3A_277 = arith.constant 3 : i32
        %add3A_278 = arith.addi %add3A_260, %add3A_277 : i32
        %lt3A_279 = arith.cmpi slt, %add3A_278, %select_n3A : i32
        %convert_element_type3A_280 = arith.extui %lt3A_279 : i1 to i32
        %cond3A_281 = arith.constant 0 : i32
        %cond3A_282 = arith.cmpi ne, %convert_element_type3A_280, %cond3A_281 : i32
        scf.if %cond3A_282 {
          %mul3A_283 = arith.constant 128 : i32
          %mul3A_284 = arith.muli %add3A_278, %mul3A_283 : i32
          %multiple_of3A_285 = tpu.assume_multiple %mul3A_284, 128 : i32
          %dma_start3A_286 = arith.constant 2 : i32
          %dma_start3A_287 = arith.constant 0 : i32
          %dma_start3A_288 = arith.constant 0 : i32
          %dma_start3A_289 = tpu.memref_slice %arg18[%dma_start3A_286, %dma_start3A_287, %dma_start3A_288] : memref<3x128x128xf32, #tpu.memory_space<vmem>> -> memref<1x128x128xf32, #tpu.memory_space<vmem>>
          %dma_start3A_290 = tpu.memref_squeeze %dma_start3A_289 : memref<1x128x128xf32, #tpu.memory_space<vmem>> -> memref<128x128xf32, #tpu.memory_space<vmem>>
          %dma_start3A_291 = tpu.memref_slice %arg16[%multiple_of3A_285] : memref<10240xi32, #tpu.memory_space<vmem>> -> memref<128xi32, #tpu.memory_space<vmem>>
          %dma_start3A_292 = arith.constant 0 : i32
          %dma_start3A_293 = arith.constant 0 : i32
          %dma_start3A_294 = tpu.memref_slice %arg5[%dma_start3A_292, %dma_start3A_293] : memref<10000x128xf32, #tpu.memory_space<hbm>> -> memref<10000x128xf32, #tpu.memory_space<hbm>>
          tpu.enqueue_indirect_dma source(%dma_start3A_294 : memref<10000x128xf32, #tpu.memory_space<hbm>>) target(%dma_start3A_290 : memref<128x128xf32, #tpu.memory_space<vmem>>) offsets(%dma_start3A_291 : memref<128xi32, #tpu.memory_space<vmem>>) semaphore(%arg31 : memref<!tpu.dma_semaphore, #tpu.memory_space<semaphore_mem>>)
        } else {
        }
      } else {
      }
      %while3A_265 = arith.constant 0 : i32
      scf.yield %while3A_265 : i32
    }
    %barrier3A_199 = arith.constant 0 : index
    tpu.barrier barrier_id(%barrier3A_199)
    "tpu.region"() ({
      %run_scoped3A = tpu.sem_alloc : memref<!tpu.dma_semaphore, #tpu.memory_space<semaphore_mem>>
      %dma_start3A_240 = arith.constant 0 : i32
      %dma_start3A_241 = arith.constant 0 : i32
      %dma_start3A_242 = tpu.memref_slice %arg24[%dma_start3A_240, %dma_start3A_241] : memref<88x16xf32, #tpu.memory_space<vmem>> -> memref<72x16xf32, #tpu.memory_space<vmem>>
      %dma_start3A_243 = arith.constant 0 : i32
      %dma_start3A_244 = tpu.memref_slice %arg27[%mul3A_159, %dma_start3A_243] : memref<1152x16xf32, #tpu.memory_space<vmem_shared>> -> memref<72x16xf32, #tpu.memory_space<vmem_shared>>
      %dma_start3A_245 = arith.constant 0 : i32
      %dma_start3A_246 = arith.constant 0 : i32
      %dma_start3A_247 = tpu.memref_slice %arg24[%dma_start3A_245, %dma_start3A_246] : memref<88x16xf32, #tpu.memory_space<vmem>> -> memref<72x16xf32, #tpu.memory_space<vmem>>
      %dma_start3A_248 = arith.constant 0 : i32
      %dma_start3A_249 = tpu.memref_slice %arg27[%mul3A_159, %dma_start3A_248] : memref<1152x16xf32, #tpu.memory_space<vmem_shared>> -> memref<72x16xf32, #tpu.memory_space<vmem_shared>>
      tpu.enqueue_dma source(%dma_start3A_249 : memref<72x16xf32, #tpu.memory_space<vmem_shared>>) target(%dma_start3A_247 : memref<72x16xf32, #tpu.memory_space<vmem>>) target_semaphore(%run_scoped3A : memref<!tpu.dma_semaphore, #tpu.memory_space<semaphore_mem>>)
      %dma_wait3A_250 = arith.constant 0 : i32
      %dma_wait3A_251 = arith.constant 0 : i32
      %dma_wait3A_252 = tpu.memref_slice %arg24[%dma_wait3A_250, %dma_wait3A_251] : memref<88x16xf32, #tpu.memory_space<vmem>> -> memref<72x16xf32, #tpu.memory_space<vmem>>
      %dma_wait3A_253 = arith.constant 0 : i32
      %dma_wait3A_254 = tpu.memref_slice %arg27[%mul3A_159, %dma_wait3A_253] : memref<1152x16xf32, #tpu.memory_space<vmem_shared>> -> memref<72x16xf32, #tpu.memory_space<vmem_shared>>
      %dma_wait3A_255 = arith.constant 0 : i32
      %dma_wait3A_256 = arith.constant 0 : i32
      %dma_wait3A_257 = tpu.memref_slice %arg24[%dma_wait3A_255, %dma_wait3A_256] : memref<88x16xf32, #tpu.memory_space<vmem>> -> memref<72x16xf32, #tpu.memory_space<vmem>>
      %dma_wait3A_258 = arith.constant 0 : i32
      %dma_wait3A_259 = tpu.memref_slice %arg27[%mul3A_159, %dma_wait3A_258] : memref<1152x16xf32, #tpu.memory_space<vmem_shared>> -> memref<72x16xf32, #tpu.memory_space<vmem_shared>>
      tpu.wait_dma2 semaphore(%run_scoped3A : memref<!tpu.dma_semaphore, #tpu.memory_space<semaphore_mem>>) src(%dma_wait3A_259 : memref<72x16xf32, #tpu.memory_space<vmem_shared>>) dst(%dma_wait3A_257 : memref<72x16xf32, #tpu.memory_space<vmem>>)
      tpu.yield
    }) : () -> ()
    %broadcast_in_dim3A_200 = arith.constant 0 : i32
    %broadcast_in_dim3A_201 = vector.broadcast %broadcast_in_dim3A_200 : i32 to vector<16xi32>
    %add3A_202 = arith.constant 0 : i32
    %add3A_203 = vector.broadcast %add3A_202 : i32 to vector<16xi32>
    %add3A_204 = arith.addi %iota3A, %add3A_203 : vector<16xi32>
    %gather3A_205 = tpu.vector_load_idx %arg24[%add3A_204, %broadcast_in_dim3A_201] : memref<88x16xf32, #tpu.memory_space<vmem>>[vector<16xi32>, vector<16xi32>], vector<16xf32>,
    %swap3A = arith.constant 0 : index
    %swap3A_206 = tpu.vector_load %arg25[%swap3A] {strides = array<i32>} : memref<80xf32, #tpu.memory_space<vmem>>, vector<16xf32>,
    tpu.vector_store %arg25[%swap3A], %gather3A_205 {strides = array<i32>} : memref<80xf32, #tpu.memory_space<vmem>>, vector<16xf32>,
    %add3A_207 = arith.constant 16 : i32
    %add3A_208 = vector.broadcast %add3A_207 : i32 to vector<16xi32>
    %add3A_209 = arith.addi %iota3A, %add3A_208 : vector<16xi32>
    %gather3A_210 = tpu.vector_load_idx %arg24[%add3A_209, %broadcast_in_dim3A_201] : memref<88x16xf32, #tpu.memory_space<vmem>>[vector<16xi32>, vector<16xi32>], vector<16xf32>,
    %swap3A_211 = arith.constant 16 : index
    %swap3A_212 = tpu.vector_load %arg25[%swap3A_211] {strides = array<i32>} : memref<80xf32, #tpu.memory_space<vmem>>, vector<16xf32>,
    tpu.vector_store %arg25[%swap3A_211], %gather3A_210 {strides = array<i32>} : memref<80xf32, #tpu.memory_space<vmem>>, vector<16xf32>,
    %add3A_213 = arith.constant 32 : i32
    %add3A_214 = vector.broadcast %add3A_213 : i32 to vector<16xi32>
    %add3A_215 = arith.addi %iota3A, %add3A_214 : vector<16xi32>
    %gather3A_216 = tpu.vector_load_idx %arg24[%add3A_215, %broadcast_in_dim3A_201] : memref<88x16xf32, #tpu.memory_space<vmem>>[vector<16xi32>, vector<16xi32>], vector<16xf32>,
    %swap3A_217 = arith.constant 32 : index
    %swap3A_218 = tpu.vector_load %arg25[%swap3A_217] {strides = array<i32>} : memref<80xf32, #tpu.memory_space<vmem>>, vector<16xf32>,
    tpu.vector_store %arg25[%swap3A_217], %gather3A_216 {strides = array<i32>} : memref<80xf32, #tpu.memory_space<vmem>>, vector<16xf32>,
    %add3A_219 = arith.constant 48 : i32
    %add3A_220 = vector.broadcast %add3A_219 : i32 to vector<16xi32>
    %add3A_221 = arith.addi %iota3A, %add3A_220 : vector<16xi32>
    %gather3A_222 = tpu.vector_load_idx %arg24[%add3A_221, %broadcast_in_dim3A_201] : memref<88x16xf32, #tpu.memory_space<vmem>>[vector<16xi32>, vector<16xi32>], vector<16xf32>,
    %swap3A_223 = arith.constant 48 : index
    %swap3A_224 = tpu.vector_load %arg25[%swap3A_223] {strides = array<i32>} : memref<80xf32, #tpu.memory_space<vmem>>, vector<16xf32>,
    tpu.vector_store %arg25[%swap3A_223], %gather3A_222 {strides = array<i32>} : memref<80xf32, #tpu.memory_space<vmem>>, vector<16xf32>,
    %add3A_225 = arith.constant 64 : i32
    %add3A_226 = vector.broadcast %add3A_225 : i32 to vector<16xi32>
    %add3A_227 = arith.addi %iota3A, %add3A_226 : vector<16xi32>
    %gather3A_228 = tpu.vector_load_idx %arg24[%add3A_227, %broadcast_in_dim3A_201] : memref<88x16xf32, #tpu.memory_space<vmem>>[vector<16xi32>, vector<16xi32>], vector<16xf32>,
    %swap3A_229 = arith.constant 64 : index
    %swap3A_230 = tpu.vector_load %arg25[%swap3A_229] {strides = array<i32>} : memref<80xf32, #tpu.memory_space<vmem>>, vector<16xf32>,
    tpu.vector_store %arg25[%swap3A_229], %gather3A_228 {strides = array<i32>} : memref<80xf32, #tpu.memory_space<vmem>>, vector<16xf32>,
    %eq3A = arith.constant 0 : i32
    %eq3A_231 = arith.cmpi eq, %arg0, %eq3A : i32
    %convert_element_type3A_232 = arith.extui %eq3A_231 : i1 to i32
    %cond3A_233 = arith.constant 0 : i32
    %cond3A_234 = arith.cmpi ne, %convert_element_type3A_232, %cond3A_233 : i32
    scf.if %cond3A_234 {
      "tpu.region"() ({
        %run_scoped3A = tpu.sem_alloc : memref<!tpu.dma_semaphore, #tpu.memory_space<semaphore_mem>>
        %dma_start3A_240 = arith.constant 0 : i32
        %dma_start3A_241 = tpu.memref_slice %arg6[%mul3A_159, %dma_start3A_240] : memref<1152x128xf32, #tpu.memory_space<hbm>> -> memref<72x128xf32, #tpu.memory_space<hbm>>
        %dma_start3A_242 = arith.constant 0 : i32
        %dma_start3A_243 = tpu.memref_slice %arg26[%mul3A_159, %dma_start3A_242] : memref<1152x128xf32, #tpu.memory_space<vmem_shared>> -> memref<72x128xf32, #tpu.memory_space<vmem_shared>>
        tpu.enqueue_dma source(%dma_start3A_243 : memref<72x128xf32, #tpu.memory_space<vmem_shared>>) target(%dma_start3A_241 : memref<72x128xf32, #tpu.memory_space<hbm>>) target_semaphore(%run_scoped3A : memref<!tpu.dma_semaphore, #tpu.memory_space<semaphore_mem>>)
        %dma_wait3A_244 = arith.constant 0 : i32
        %dma_wait3A_245 = tpu.memref_slice %arg6[%mul3A_159, %dma_wait3A_244] : memref<1152x128xf32, #tpu.memory_space<hbm>> -> memref<72x128xf32, #tpu.memory_space<hbm>>
        %dma_wait3A_246 = arith.constant 0 : i32
        %dma_wait3A_247 = tpu.memref_slice %arg26[%mul3A_159, %dma_wait3A_246] : memref<1152x128xf32, #tpu.memory_space<vmem_shared>> -> memref<72x128xf32, #tpu.memory_space<vmem_shared>>
        tpu.wait_dma2 semaphore(%run_scoped3A : memref<!tpu.dma_semaphore, #tpu.memory_space<semaphore_mem>>) src(%dma_wait3A_247 : memref<72x128xf32, #tpu.memory_space<vmem_shared>>) dst(%dma_wait3A_245 : memref<72x128xf32, #tpu.memory_space<hbm>>)
        tpu.yield
      }) : () -> ()
      "tpu.region"() ({
        %run_scoped3A = tpu.sem_alloc : memref<!tpu.dma_semaphore, #tpu.memory_space<semaphore_mem>>
        %dma_start3A_240 = arith.constant 0 : i32
        %dma_start3A_241 = tpu.memref_slice %arg25[%dma_start3A_240] : memref<80xf32, #tpu.memory_space<vmem>> -> memref<72xf32, #tpu.memory_space<vmem>>
        %dma_start3A_242 = tpu.memref_slice %arg8[%mul3A_159] : memref<1152xf32, #tpu.memory_space<hbm>> -> memref<72xf32, #tpu.memory_space<hbm>>
        %dma_start3A_243 = tpu.memref_slice %arg8[%mul3A_159] : memref<1152xf32, #tpu.memory_space<hbm>> -> memref<72xf32, #tpu.memory_space<hbm>>
        %dma_start3A_244 = arith.constant 0 : i32
        %dma_start3A_245 = tpu.memref_slice %arg25[%dma_start3A_244] : memref<80xf32, #tpu.memory_space<vmem>> -> memref<72xf32, #tpu.memory_space<vmem>>
        tpu.enqueue_dma source(%dma_start3A_245 : memref<72xf32, #tpu.memory_space<vmem>>) target(%dma_start3A_243 : memref<72xf32, #tpu.memory_space<hbm>>) target_semaphore(%run_scoped3A : memref<!tpu.dma_semaphore, #tpu.memory_space<semaphore_mem>>)
        %dma_wait3A_246 = arith.constant 0 : i32
        %dma_wait3A_247 = tpu.memref_slice %arg25[%dma_wait3A_246] : memref<80xf32, #tpu.memory_space<vmem>> -> memref<72xf32, #tpu.memory_space<vmem>>
        %dma_wait3A_248 = tpu.memref_slice %arg8[%mul3A_159] : memref<1152xf32, #tpu.memory_space<hbm>> -> memref<72xf32, #tpu.memory_space<hbm>>
        %dma_wait3A_249 = tpu.memref_slice %arg8[%mul3A_159] : memref<1152xf32, #tpu.memory_space<hbm>> -> memref<72xf32, #tpu.memory_space<hbm>>
        %dma_wait3A_250 = arith.constant 0 : i32
        %dma_wait3A_251 = tpu.memref_slice %arg25[%dma_wait3A_250] : memref<80xf32, #tpu.memory_space<vmem>> -> memref<72xf32, #tpu.memory_space<vmem>>
        tpu.wait_dma2 semaphore(%run_scoped3A : memref<!tpu.dma_semaphore, #tpu.memory_space<semaphore_mem>>) src(%dma_wait3A_251 : memref<72xf32, #tpu.memory_space<vmem>>) dst(%dma_wait3A_249 : memref<72xf32, #tpu.memory_space<hbm>>)
        tpu.yield
      }) : () -> ()
    } else {
    }
    %eq3A_235 = arith.constant 1 : i32
    %eq3A_236 = arith.cmpi eq, %arg0, %eq3A_235 : i32
    %convert_element_type3A_237 = arith.extui %eq3A_236 : i1 to i32
    %cond3A_238 = arith.constant 0 : i32
    %cond3A_239 = arith.cmpi ne, %convert_element_type3A_237, %cond3A_238 : i32
    scf.if %cond3A_239 {
      "tpu.region"() ({
        %run_scoped3A = tpu.sem_alloc : memref<!tpu.dma_semaphore, #tpu.memory_space<semaphore_mem>>
        %dma_start3A_240 = arith.constant 0 : i32
        %dma_start3A_241 = tpu.memref_slice %arg7[%mul3A_159, %dma_start3A_240] : memref<1152x128xf32, #tpu.memory_space<hbm>> -> memref<72x128xf32, #tpu.memory_space<hbm>>
        %dma_start3A_242 = arith.constant 0 : i32
        %dma_start3A_243 = tpu.memref_slice %arg26[%mul3A_159, %dma_start3A_242] : memref<1152x128xf32, #tpu.memory_space<vmem_shared>> -> memref<72x128xf32, #tpu.memory_space<vmem_shared>>
        tpu.enqueue_dma source(%dma_start3A_243 : memref<72x128xf32, #tpu.memory_space<vmem_shared>>) target(%dma_start3A_241 : memref<72x128xf32, #tpu.memory_space<hbm>>) target_semaphore(%run_scoped3A : memref<!tpu.dma_semaphore, #tpu.memory_space<semaphore_mem>>)
        %dma_wait3A_244 = arith.constant 0 : i32
        %dma_wait3A_245 = tpu.memref_slice %arg7[%mul3A_159, %dma_wait3A_244] : memref<1152x128xf32, #tpu.memory_space<hbm>> -> memref<72x128xf32, #tpu.memory_space<hbm>>
        %dma_wait3A_246 = arith.constant 0 : i32
        %dma_wait3A_247 = tpu.memref_slice %arg26[%mul3A_159, %dma_wait3A_246] : memref<1152x128xf32, #tpu.memory_space<vmem_shared>> -> memref<72x128xf32, #tpu.memory_space<vmem_shared>>
        tpu.wait_dma2 semaphore(%run_scoped3A : memref<!tpu.dma_semaphore, #tpu.memory_space<semaphore_mem>>) src(%dma_wait3A_247 : memref<72x128xf32, #tpu.memory_space<vmem_shared>>) dst(%dma_wait3A_245 : memref<72x128xf32, #tpu.memory_space<hbm>>)
        tpu.yield
      }) : () -> ()
      "tpu.region"() ({
        %run_scoped3A = tpu.sem_alloc : memref<!tpu.dma_semaphore, #tpu.memory_space<semaphore_mem>>
        %dma_start3A_240 = arith.constant 0 : i32
        %dma_start3A_241 = tpu.memref_slice %arg25[%dma_start3A_240] : memref<80xf32, #tpu.memory_space<vmem>> -> memref<72xf32, #tpu.memory_space<vmem>>
        %dma_start3A_242 = tpu.memref_slice %arg9[%mul3A_159] : memref<1152xf32, #tpu.memory_space<hbm>> -> memref<72xf32, #tpu.memory_space<hbm>>
        %dma_start3A_243 = tpu.memref_slice %arg9[%mul3A_159] : memref<1152xf32, #tpu.memory_space<hbm>> -> memref<72xf32, #tpu.memory_space<hbm>>
        %dma_start3A_244 = arith.constant 0 : i32
        %dma_start3A_245 = tpu.memref_slice %arg25[%dma_start3A_244] : memref<80xf32, #tpu.memory_space<vmem>> -> memref<72xf32, #tpu.memory_space<vmem>>
        tpu.enqueue_dma source(%dma_start3A_245 : memref<72xf32, #tpu.memory_space<vmem>>) target(%dma_start3A_243 : memref<72xf32, #tpu.memory_space<hbm>>) target_semaphore(%run_scoped3A : memref<!tpu.dma_semaphore, #tpu.memory_space<semaphore_mem>>)
        %dma_wait3A_246 = arith.constant 0 : i32
        %dma_wait3A_247 = tpu.memref_slice %arg25[%dma_wait3A_246] : memref<80xf32, #tpu.memory_space<vmem>> -> memref<72xf32, #tpu.memory_space<vmem>>
        %dma_wait3A_248 = tpu.memref_slice %arg9[%mul3A_159] : memref<1152xf32, #tpu.memory_space<hbm>> -> memref<72xf32, #tpu.memory_space<hbm>>
        %dma_wait3A_249 = tpu.memref_slice %arg9[%mul3A_159] : memref<1152xf32, #tpu.memory_space<hbm>> -> memref<72xf32, #tpu.memory_space<hbm>>
        %dma_wait3A_250 = arith.constant 0 : i32
        %dma_wait3A_251 = tpu.memref_slice %arg25[%dma_wait3A_250] : memref<80xf32, #tpu.memory_space<vmem>> -> memref<72xf32, #tpu.memory_space<vmem>>
        tpu.wait_dma2 semaphore(%run_scoped3A : memref<!tpu.dma_semaphore, #tpu.memory_space<semaphore_mem>>) src(%dma_wait3A_251 : memref<72xf32, #tpu.memory_space<vmem>>) dst(%dma_wait3A_249 : memref<72xf32, #tpu.memory_space<hbm>>)
        tpu.yield
      }) : () -> ()
    } else {
    }
    return
  }
}

module attributes {stable_mosaic.version = 14 : i64} {
  func.func @body(%arg0: memref<1024x128xf32, #tpu.memory_space<vmem>>, %arg1: memref<1024xi32, #tpu.memory_space<vmem>>, %arg2: memref<1152x128xf32, #tpu.memory_space<vmem>>, %arg3: memref<1152x128xf32, #tpu.memory_space<vmem>>, %arg4: memref<1152xf32, #tpu.memory_space<vmem>>, %arg5: memref<1152xf32, #tpu.memory_space<vmem>>, %arg6: memref<128x256xf32, #tpu.memory_space<vmem>>, %arg7: memref<40x128xf32, #tpu.memory_space<vmem>>, %arg8: memref<1024x40xf32, #tpu.memory_space<vmem>>) attributes {dimension_semantics = [], scalar_prefetch = 0 : i64, scratch_operands = 0 : i64, tpu.core_type = #tpu.core_type<tc>} {
    %get3A = arith.constant 0 : index
    %get3A_0 = vector.load %arg1[%get3A] : memref<1024xi32, #tpu.memory_space<vmem>>, vector<1024xi32>
    %broadcast_in_dim3A = vector.shape_cast %get3A_0 : vector<1024xi32> to vector<1024x1xi32>
    %iota3A = tpu.iota {dimensions = array<i32: 1>} : vector<1024x1152xi32>
    %eq3A = vector.broadcast %broadcast_in_dim3A : vector<1024x1xi32> to vector<1024x1152xi32>
    %eq3A_1 = arith.cmpi eq, %eq3A, %iota3A : vector<1024x1152xi32>
    %convert_element_type3A = arith.extui %eq3A_1 : vector<1024x1152xi1> to vector<1024x1152xi32>
    %convert_element_type3A_2 = arith.sitofp %convert_element_type3A : vector<1024x1152xi32> to vector<1024x1152xf32>
    %get3A_3 = arith.constant 0 : index
    %get3A_4 = arith.constant 0 : index
    %get3A_5 = vector.load %arg2[%get3A_3, %get3A_4] : memref<1152x128xf32, #tpu.memory_space<vmem>>, vector<1152x128xf32>
    %get3A_6 = arith.constant 0 : index
    %get3A_7 = arith.constant 0 : index
    %get3A_8 = vector.load %arg3[%get3A_6, %get3A_7] : memref<1152x128xf32, #tpu.memory_space<vmem>>, vector<1152x128xf32>
    %add3A = arith.addf %get3A_5, %get3A_8 : vector<1152x128xf32>
    %get3A_9 = arith.constant 0 : index
    %get3A_10 = vector.load %arg4[%get3A_9] : memref<1152xf32, #tpu.memory_space<vmem>>, vector<1152xf32>
    %get3A_11 = arith.constant 0 : index
    %get3A_12 = vector.load %arg5[%get3A_11] : memref<1152xf32, #tpu.memory_space<vmem>>, vector<1152xf32>
    %add3A_13 = arith.addf %get3A_10, %get3A_12 : vector<1152xf32>
    %broadcast_in_dim3A_14 = vector.shape_cast %add3A_13 : vector<1152xf32> to vector<1152x1xf32>
    %concatenate3A = tpu.concatenate %add3A, %broadcast_in_dim3A_14 in 1 : vector<1152x128xf32>, vector<1152x1xf32> -> vector<1152x129xf32>
    %dot_general3A = arith.constant dense<0.000000e+00> : vector<1024x129xf32>
    %dot_general3A_15 = tpu.matmul %convert_element_type3A_2, %concatenate3A, %dot_general3A {dimension_numbers = #tpu.dot_dimension_numbers<[1], [0], [0], [1], [0, 0, 1, 1], [], []>, transpose_lhs_hint = false} : vector<1024x1152xf32>, vector<1152x129xf32>, vector<1024x129xf32> -> vector<1024x129xf32>
    %slice3A = vector.extract_strided_slice %dot_general3A_15 {offsets = [0, 0], sizes = [1024, 128], strides = [1, 1]} : vector<1024x129xf32> to vector<1024x128xf32>
    %slice3A_16 = vector.extract_strided_slice %dot_general3A_15 {offsets = [0, 128], sizes = [1024, 1], strides = [1, 1]} : vector<1024x129xf32> to vector<1024x1xf32>
    %max3A = arith.constant 1.000000e+00 : f32
    %max3A_17 = vector.broadcast %max3A : f32 to vector<1024x1xf32>
    %max3A_18 = arith.maximumf %slice3A_16, %max3A_17 : vector<1024x1xf32>
    %div3A = vector.broadcast %max3A_18 : vector<1024x1xf32> to vector<1024x128xf32>
    %div3A_19 = arith.divf %slice3A, %div3A : vector<1024x128xf32>
    %get3A_20 = arith.constant 0 : index
    %get3A_21 = arith.constant 0 : index
    %get3A_22 = vector.load %arg6[%get3A_20, %get3A_21] : memref<128x256xf32, #tpu.memory_space<vmem>>, vector<128x128xf32>
    %get3A_23 = arith.constant 0 : index
    %get3A_24 = arith.constant 128 : index
    %get3A_25 = vector.load %arg6[%get3A_23, %get3A_24] : memref<128x256xf32, #tpu.memory_space<vmem>>, vector<128x128xf32>
    %get3A_26 = arith.constant 0 : index
    %get3A_27 = arith.constant 0 : index
    %get3A_28 = vector.load %arg0[%get3A_26, %get3A_27] : memref<1024x128xf32, #tpu.memory_space<vmem>>, vector<1024x128xf32>
    %dot_general3A_29 = arith.constant dense<0.000000e+00> : vector<1024x128xf32>
    %dot_general3A_30 = tpu.matmul %get3A_28, %get3A_22, %dot_general3A_29 {dimension_numbers = #tpu.dot_dimension_numbers<[1], [1], [0], [0], [0, 0, 1, 0], [], []>, transpose_lhs_hint = false} : vector<1024x128xf32>, vector<128x128xf32>, vector<1024x128xf32> -> vector<1024x128xf32>
    %dot_general3A_31 = arith.constant dense<0.000000e+00> : vector<1024x128xf32>
    %dot_general3A_32 = tpu.matmul %div3A_19, %get3A_25, %dot_general3A_31 {dimension_numbers = #tpu.dot_dimension_numbers<[1], [1], [0], [0], [0, 0, 1, 0], [], []>, transpose_lhs_hint = false} : vector<1024x128xf32>, vector<128x128xf32>, vector<1024x128xf32> -> vector<1024x128xf32>
    %add3A_33 = arith.addf %dot_general3A_30, %dot_general3A_32 : vector<1024x128xf32>
    %max3A_34 = arith.constant 0.000000e+00 : f32
    %max3A_35 = vector.broadcast %max3A_34 : f32 to vector<1024x128xf32>
    %max3A_36 = arith.maximumf %add3A_33, %max3A_35 : vector<1024x128xf32>
    %get3A_37 = arith.constant 0 : index
    %get3A_38 = arith.constant 0 : index
    %get3A_39 = vector.load %arg7[%get3A_37, %get3A_38] : memref<40x128xf32, #tpu.memory_space<vmem>>, vector<40x128xf32>
    %dot_general3A_40 = arith.constant dense<0.000000e+00> : vector<1024x40xf32>
    %dot_general3A_41 = tpu.matmul %max3A_36, %get3A_39, %dot_general3A_40 {dimension_numbers = #tpu.dot_dimension_numbers<[1], [1], [0], [0], [0, 0, 1, 0], [], []>, transpose_lhs_hint = false} : vector<1024x128xf32>, vector<40x128xf32>, vector<1024x40xf32> -> vector<1024x40xf32>
    %swap3A = arith.constant 0 : index
    %swap3A_42 = arith.constant 0 : index
    %swap3A_43 = vector.load %arg8[%swap3A, %swap3A_42] : memref<1024x40xf32, #tpu.memory_space<vmem>>, vector<1024x40xf32>
    tpu.vector_store %arg8[%swap3A, %swap3A_42], %dot_general3A_41 {strides = array<i32>} : memref<1024x40xf32, #tpu.memory_space<vmem>>, vector<1024x40xf32>,
    return
  }
}

</mosaic_0001>

<sc_bundles>
// kernel: kernel.4.cloned.1.call-start
scs
__scs_entry_jumppad:
0x0: {  	(pc) =	sbr.rel $0x88, $3  }
0x1: {  	(tag) =	ssettag $0x0;
	lr =	simm.s32 $0x1  }
0x2: {  	[smem:$0x3F9C] =	sst lr;
	_ =	strace $0xD0000000  }
0x3: {  	_ = 	snop  }
0x4: {  	_ = 	snop  }
0x5: {  	_ = 	snop  }
0x6: {  	_ = 	snop  }
0x7: {  	_ = 	snop  }
__scs_overlays_trampoline_lowered:
0x8: {  	[smem:$0x3FAB] =	sst s0  }
0x9: {  	[smem:$0x3FAC] =	sst s1  }
0xa: {  	[smem:$0x3FAD] =	sst s2  }
0xb: {  	[smem:$0x3FAE] =	sst s3  }
0xc: {  	[smem:$0x3FAF] =	sst s4  }
0xd: {  	[smem:$0x3FB0] =	sst s5  }
0xe: {  	[smem:$0x3FB1] =	sst s6  }
0xf: {  	[smem:$0x3FB2] =	sst s7  }
0x10: {  	[smem:$0x3FB3] =	sst s8  }
0x11: {  	[smem:$0x3FB4] =	sst s9;
	s0 =	simm.s32 @!p0 $0x0  }
0x12: {  	s1 =	sld [smem:$0x3F9A];
	s0 =	simm.s32 @p0 $0x1  }
0x13: {  	[smem:$0x3FB5] =	sst s0;
	s0 =	simm.s32 @!p1 $0x0  }
0x14: {  	s2 =	sld [smem:$0x3F99];
	s0 =	simm.s32 @p1 $0x1  }
0x15: {  	[smem:$0x3FB6] =	sst s0;
	s0 =	simm.s32 @!p2 $0x0  }
0x16: {  	s3 =	sld [smem:$0x3FDB];
	s0 =	simm.s32 @p2 $0x1  }
0x17: {  	s4 =	simm.s32 $0x1BF5;
	[smem:$0x3FB8] =	sst s0  }
0x18: {  	s0 =	sld [smem:$0x3F9B];
	_ =	swait.ge [sflag:s4], $0x0  }
0x19: {  	s7 =	sld [smem:$0x3F9C]  }
0x1a: {  	s8 =	sadd.s32 $0xFFFFE003, lr  }
0x1b: {  	s9 =	sadd.s32 $0xFFFFFEF7, lr;
	s5 =	simm.s32 $0xFFFFFFFF;
	p2 =	slt.u32 s8, $0xFFFFF086  }
0x1c: {  	p1 =	slt.u32 s9, $0xF7A;
	s5 =	simm.s32 @!p2 $0x0  }
0x1d: {  	s5 =	simm.s32 @p1 $0x1;
	p0 =	seq.s32 s7, s2  }
0x1e: {  	s7 =	smul.u32 @!p0 $0xF7A, s2;
	p2 =	seq.s32 @!p0 s5, $0x0  }
0x1f: {  	s9 =	smul.u32 $0xF7A, s1;
	s8 =	simm.s32 @!p0 $0x1BF5;
	p2 =	por !p2, p0  }
0x20: {  	[sflag:s8] =	ssyncset.s32 @!p0 $0xFFFFF086;
	s6 =	sadd.s32 @!p0 s3, s7;
	s7 =	simm.s32 @!p0 $0x108  }
0x21: {  	s3 =	sadd.s32 s3, s9;
	s6 =	sadd.s32 @!p0 $0x88, s6;
	s7 =	simm.s32 @p2 $0x1082  }
0x22: {  	[simem:s7], [sflag:s8] =	dma.local @!p0 [hbm:s6], $0xF7A  }
0x23: {  	s9 =	sor.u32 $0xD0000000, s2;
	s6 =	simm.s32 $0x108;
	_ =	swait.ge @!p0 [sflag:s8], $0x0  }
0x24: {  	s3 =	sadd.s32 $0x88, s3;
	s6 =	simm.s32 @!p1 $0x1082;
	[sflag:s4] =	ssyncset.s32 $0xFFFFF086  }
0x25: {  	[simem:s6], [sflag:s4] =	dma.local [hbm:s3], $0xF7A  }
0x26: {  	[smem:$0x3F9C] =	sst s1;
	(tag) =	ssettag s2;
	_ =	strace s9  }
0x27: {  	s1 =	sld [smem:$0x3FAC]  }
0x28: {  	s2 =	sld [smem:$0x3FAD]  }
0x29: {  	s4 =	sld [smem:$0x3FAF]  }
0x2a: {  	p0 =	seq.s32 s5, $0x0;
	s5 =	sld [smem:$0x3FB0]  }
0x2b: {  	s6 =	sld [smem:$0x3FB1]  }
0x2c: {  	s7 =	sld [smem:$0x3FB2]  }
0x2d: {  	s3 =	simm.s32 $0x108;
	s8 =	sld [smem:$0x3FB3]  }
0x2e: {  	s3 =	simm.s32 @!p0 $0x1082;
	s9 =	sld [smem:$0x3FB4]  }
0x2f: {  	lr =	sadd.s32 s0, s3;
	s0 =	sld [smem:$0x3FAB]  }
0x30: {  	s3 =	sld [smem:$0x3FAE]  }
0x31: {  	[smem:$0x3FB7] =	sst s10  }
0x32: {  	s10 =	sld [smem:$0x3FB5];
	_ =	sdelay $0x3  }
0x33: {  	p0 =	seq.s32 s10, $0x1;
	s10 =	sld [smem:$0x3FB7];
	_ =	sdelay $0x3  }
0x34: {  	[smem:$0x3FB7] =	sst s10  }
0x35: {  	s10 =	sld [smem:$0x3FB6];
	_ =	sdelay $0x3  }
0x36: {  	p1 =	seq.s32 s10, $0x1;
	s10 =	sld [smem:$0x3FB7];
	_ =	sdelay $0x3  }
0x37: {  	[smem:$0x3FB7] =	sst s10  }
0x38: {  	s10 =	sld [smem:$0x3FB8]  }
0x39: {  	_ = 	snop;
	(pc) =	sbr.ind lr, $3  }
0x3a: {  	_ = 	snop  }
0x3b: {  	_ = 	snop  }
0x3c: {  	p2 =	seq.s32 s10, $0x1;
	s10 =	sld [smem:$0x3FB7]  }
0x3d: {  	_ =	shalt  }
0x3e: {  	_ =	shalt  }
0x3f: {  	_ =	shalt  }
0x40: {  	_ =	shalt  }
0x41: {  	_ =	shalt  }
0x42: {  	_ =	shalt  }
0x43: {  	_ =	shalt  }
0x44: {  	_ =	shalt  }
0x45: {  	_ =	shalt  }
0x46: {  	_ =	shalt  }
0x47: {  	_ =	shalt  }
0x48: {  	_ =	shalt  }
0x49: {  	_ =	shalt  }
0x4a: {  	_ =	shalt  }
0x4b: {  	_ =	shalt  }
0x4c: {  	_ =	shalt  }
0x4d: {  	_ =	shalt  }
0x4e: {  	_ =	shalt  }
0x4f: {  	_ =	shalt  }
0x50: {  	_ =	shalt  }
0x51: {  	_ =	shalt  }
0x52: {  	_ =	shalt  }
0x53: {  	_ =	shalt  }
0x54: {  	_ =	shalt  }
0x55: {  	_ =	shalt  }
0x56: {  	_ =	shalt  }
0x57: {  	_ =	shalt  }
0x58: {  	_ =	shalt  }
0x59: {  	_ =	shalt  }
0x5a: {  	_ =	shalt  }
0x5b: {  	_ =	shalt  }
0x5c: {  	_ =	shalt  }
0x5d: {  	_ =	shalt  }
0x5e: {  	_ =	shalt  }
0x5f: {  	_ =	shalt  }
0x60: {  	_ =	shalt  }
0x61: {  	_ =	shalt  }
0x62: {  	_ =	shalt  }
0x63: {  	_ =	shalt  }
0x64: {  	_ =	shalt  }
0x65: {  	_ =	shalt  }
0x66: {  	_ =	shalt  }
0x67: {  	_ =	shalt  }
0x68: {  	_ =	shalt  }
0x69: {  	_ =	shalt  }
0x6a: {  	_ =	shalt  }
0x6b: {  	_ =	shalt  }
0x6c: {  	_ =	shalt  }
0x6d: {  	_ =	shalt  }
0x6e: {  	_ =	shalt  }
0x6f: {  	_ =	shalt  }
0x70: {  	_ =	shalt  }
0x71: {  	_ =	shalt  }
0x72: {  	_ =	shalt  }
0x73: {  	_ =	shalt  }
0x74: {  	_ =	shalt  }
0x75: {  	_ =	shalt  }
0x76: {  	_ =	shalt  }
0x77: {  	_ =	shalt  }
0x78: {  	_ =	shalt  }
0x79: {  	_ =	shalt  }
0x7a: {  	_ =	shalt  }
0x7b: {  	_ =	shalt  }
0x7c: {  	_ =	shalt  }
0x7d: {  	_ =	shalt  }
0x7e: {  	_ =	shalt  }
0x7f: {  	_ =	shalt  }
0x80: {  	_ =	shalt  }
0x81: {  	_ =	shalt  }
0x82: {  	_ =	shalt  }
0x83: {  	_ =	shalt  }
0x84: {  	_ =	shalt  }
0x85: {  	_ =	shalt  }
0x86: {  	_ =	shalt  }
0x87: {  	_ =	shalt  }
.Lfunc_end0:
.L_simem_size_0:
called_computation_lowered:
.L_overlay_start_0:
0x88: {  	s2 =	sld [smem:$0x3FD9]  }
0x89: {  	s3 =	sld [smem:$0x3FFE];
	_ =	sdelay $0x1  }
0x8a: {  	s1 =	srdreg.scid  }
0x8b: {  	s0 =	sand.u32 $0x1, s1  }
0x8c: {  	s17 =	sshll.u32 s0, $0xA;
	s2 =	sadd.s32 s3, s2  }
0x8d: {  	s2 =	sadd.s32 s2, s17  }
0x8e: {  	[smem:$0x3FC3] =	sst s2  }
0x8f: {  	_ = 	snop  }
0x90: {  	s2 =	sld [smem:$0x3FC9]  }
0x91: {  	s18 =	sld [smem:$0x3FC7]  }
0x92: {  	s4 =	sld [smem:$0x3FD0];
	(tm) =	ssettm $0x1  }
0x93: {  	s5 =	sld [smem:$0x3FFB];
	_ =	sdelay $0x3  }
0x94: {  	_ =	strace s5  }
0x95: {  	s5 =	sld [smem:$0x3FFC];
	_ =	sdelay $0x3  }
0x96: {  	_ =	strace s5  }
0x97: {  	s5 =	sld [smem:$0x3FFD];
	_ =	sdelay $0x3  }
0x98: {  	_ =	strace s5  }
0x99: {  	_ =	strace $0x8FFFFFFF  }
0x9a: {  	s19 =	sld [smem:$0x3FDB];
	_ =	sdelay $0x1  }
0x9b: {  	s6 =	simm.s32 $_scs_section_size  }
0x9c: {  	s7 =	simm.s32 $_size__tile_overlayer_lowered;
	s8 =	simm.s32 $_tile_overlayer_lowered  }
0x9d: {  	s22 =	simm.s32 $0x1BFF;
	s21 =	sshll.u32 s8, $0x1;
	s5 =	sadd.s32 s6, s19  }
0x9e: {  	s9 =	simm.s32 $0x0;
	s20 =	sshll.u32 s7, $0x1;
	s7 =	sadd.s32 s21, s5  }
0x9f: {  	[timem:s9], [sflag:s22] =	dma.local [hbm:s7], s20  }
0xa0: {  	_ =	swait.ge [sflag:s22], s20  }
0xa1: {  	s6 =	ssub.s32 $0x0, s20;
	[sflag:s22] =	ssyncset.done $0x0  }
0xa2: {  	[sflag:s22] =	ssyncadd.s32 s6;
	_ =	sdelay $0x1  }
0xa3: {  	s23 =	simm.s32 $0x1B8B  }
0xa4: {  	_ =	swait.ge [sflag:s23], $0x1  }
0xa5: {  	[sflag:s23] =	ssyncset.done $0x0  }
0xa6: {  	s25 =	simm.s32 $0x1B8E;
	s24 =	sld [smem:$0x3FFE];
	[sflag:s23] =	ssyncadd.s32 $0xFFFFFFFF  }
0xa7: {  	s26 =	simm.s32 $execute0_lowered;
	[smem:$0x3FD2] =	sst s25  }
0xa8: {  	s7 =	sshll.u32 s26, $0x1;
	_ =	strace $0x80000046;
	[dreg:$0x1] =	wrdreg $0xFFFFFFFF  }
0xa9: {  	s28 =	simm.s32 $_size_execute0_lowered;
	s5 =	sadd.s32 s5, s7;
	[dreg:$0x0] =	wrdreg $0x0  }
0xaa: {  	s7 =	sshll.u32 s28, $0x1;
	[dreg:$0x2] =	wrdreg s5  }
0xab: {  	[dreg:$0x3] =	wrdreg s7  }
0xac: {  	[dreg:$0x4] =	wrdreg $0xC0  }
0xad: {  	_ =	task [dreg:s9], $0x5FFFF  }
0xae: {  	[dreg:$0x1] =	wrdreg $0xFFFFFFFF  }
0xaf: {  	[dreg:$0x0] =	wrdreg $0x60  }
0xb0: {  	[dreg:$0x2] =	wrdreg s2  }
0xb1: {  	[dreg:$0x3] =	wrdreg s24  }
0xb2: {  	[dreg:$0x4] =	wrdreg s18  }
0xb3: {  	[dreg:$0x5] =	wrdreg s4  }
0xb4: {  	[dreg:$0x6] =	wrdreg $0x1D0100  }
0xb5: {  	[dreg:$0x7] =	wrdreg $0x1F4100  }
0xb6: {  	[dreg:$0x8] =	wrdreg $0x9  }
0xb7: {  	_ =	task.clear_ibuf [dreg:s9], $0x9FFFF;
	_ =	strace $0x90000046  }
0xb8: {  	s29 =	simm.s32 $0x9;
	_ =	strace $0x80000048  }
0xb9: {  	_ =	swait.ge [sflag:s29], $0x1  }
0xba: {  	[sflag:s29] =	ssyncadd.s32 $0xFFFFFFFF  }
0xbb: {  	_ =	strace $0x90000048  }
0xbc: {  	_ =	sfence  }
0xbd: {  	s30 =	sld [smem:$0x0];
	_ =	sdelay $0x2  }
0xbe: {  	s31 =	sshll.u32 s1, $0xD;
	s1 =	sshrl.u32 s1, $0x2  }
0xbf: {  	s3 =	sand.u32 $0x4000, s31;
	s1 =	sadd.s32 s1, s30  }
0xc0: {  	s0 =	sor.u32 s3, s0;
	s1 =	sshll.u32 s1, $0x11  }
0xc1: {  	s0 =	sor.u32 s1, s0  }
0xc2: {  	s0 =	sadd.s32 $0x8F2B, s0  }
0xc3: {  	[sflag:s0] =	ssyncadd.remote.s32 $0x1  }
0xc4: {  	_ =	sfence.sel $0xFFFF  }
0xc5: {  	[dreg:$0x0] =	wrdreg $0xFFFFFFFF;
	(pc) =	sbr.abs _section_cstart, $3  }
0xc6: {  	[dreg:$0x1] =	wrdreg $0xFFFFFFFF  }
0xc7: {  	_ =	task.clear_ibuf [dreg:s9], $0x2FFFF;
	_ =	strace $0x9FFFFFFF  }
0xc8: {  	(tm) =	ssettm $0x7FFFFFFF  }
0xc9: {  	_ =	shalt  }
tec
execute0_lowered:
.L_overlay_start_1:
0x0: {  	(tag) =	ssettag $0x1  }
0x1: {  	s0 =	rddreg [dreg:$0x1]  }
0x2: {  	s2 =	rddreg [dreg:$0x2]  }
0x3: {  	s1 =	rddreg [dreg:$0x3]  }
0x4: {  	s4 =	rddreg [dreg:$0x4];
	s3 =	srdreg.scid  }
0x5: {  	s20 =	stileid.u32;
	s5 =	rddreg [dreg:$0x5];
	s6 =	simm.s32 $0x0  }
0x6: {  	s28 =	simm.s32 $0x191C0;
	s31 =	simm.s32 $0x1CA40;
	s3 =	sand.u32 $0x1, s3  }
0x7: {  	s7 =	sshll.u32 s20, $0x1;
	[smem:$0x7FF] =	sst s6;
	s16 =	sadd.s32 $0x14C00, s0  }
0x8: {  	s15 =	sadd.s32 $0x19400, s0;
	s17 =	sadd.s32 $0x21C00, s0;
	s23 =	smul.u32 $0x1200, s20  }
0x9: {  	s29 =	smul.u32 $0x9, s20;
	s7 =	sor.u32 s3, s7;
	_ =	strace $0x80000047  }
0xa: {  	s10 =	ssub.s32 $0x2, s3;
	p0 =	seq.s32 s3, $0x1;
	s8 =	smul.u32 $0x4E2, s7  }
0xb: {  	s19 =	sshll.u32 s7, $0x2;
	s21 =	sshll.u32 s7, $0x9;
	s12 =	sshrl.u32 s10, $0x1  }
0xc: {  	s26 =	sshrl.u32 s23, $0x2;
	s16 =	smov.u32 @p0 s15;
	s1 =	smov.u32 @p0 s17  }
0xd: {  	s23 =	simm.s32 $0xA1A0;
	s11 =	sadd.s32 s19, s0;
	s18 =	ssub.s32 s10, s12  }
0xe: {  	s19 =	smul.u32 $0x2400, s20;
	s14 =	sadd.s32 s26, s5;
	s17 =	sadd.s32 s1, s29  }
0xf: {  	s9 =	sadd.s32 s8, s0;
	s0 =	sadd.s32 s21, s0;
	s8 =	sshll.u32 s7, $0x5  }
0x10: {  	v0 =	vimm.s32 $0xFFFFFFFF;
	v1 =	vlaneseq.u32;
	v2 =	vimm.s32 $0x0;
	s25 =	sadd.s32 $0x21E00, s11;
	s15 =	smax.u32 s18, $0x1;
	s22 =	sadd.s32 $0xAE00, s9  }
.Ltmp0:
0x11: {  	v3 =	vimm.s32 $0x400;
	v12 =	vimm.f32 $0.0e+00;
	v13 =	vimm.f32 $1.000000000e+00;
	s9 =	sadd.s32 $0x1000, s9;
	[dreg:$0xa] =	wrdreg s25;
	(pc) =	sbr.rel .LBB2_1-.Ltmp0, $4  }
0x12: {  	v4 =	vor.u32 $0x10, v1;
	v5 =	vor.u32 $0x20, v1;
	v8 =	vmul.u32 $0x10, v1;
	s24 =	sadd.s32 $0x2780, s8;
	s12 =	sadd.s32 $0x1DC00, s0;
	[dreg:$0x7] =	wrdreg s22  }
0x13: {  	v6 =	vor.u32 $0x30, v1;
	v7 =	vor.u32 $0x40, v1;
	v9 =	vor.u32 $0x50, v1;
	s13 =	sadd.s32 s19, s4;
	s30 =	sshrl.u32 s19, $0x3;
	[dreg:$0x8] =	wrdreg s9  }
0x14: {  	v10 =	vor.u32 $0x60, v1;
	v11 =	vor.u32 $0x70, v1;
	v14 =	vor.u32 $0x100, v8;
	s19 =	simm.s32 $0x5;
	s0 =	simm.s32 $0x0;
	[dreg:$0x9] =	wrdreg s24  }
0x15: {  	v15 =	vor.u32 $0x200, v8;
	v16 =	vor.u32 $0x300, v8;
	v17 =	vor.u32 $0x400, v8;
	s16 =	sadd.s32 s16, s30;
	s22 =	simm.s32 $0x79A0;
	s24 =	simm.s32 $0x1  }
.LBB2_13:
0x16: {  	_ = 	snop  }
.LBB2_18:
0x17: {  	p2 =	por p2, !p0  }
0x18: {  	_ =	swait.ge @!p2 [sflag:s30], $0x800  }
0x19: {  	p1 =	sge.s32 s7, s18;
	p0 =	por p3, !p0;
	[sflag:s30] =	ssyncset.done @!p2 $0x0  }
0x1a: {  	s7 =	sadd.s32 @!p0 $0x100, s26;
	s9 =	simm.s32 @!p1 $0x2;
	[sflag:s30] =	ssyncadd.s32 @!p2 $0xFFFFF800  }
0x1b: {  	[tilespmem:s1], [sflag:$0x4] =	stream.indirect.gather @!p0 [hbm4b:s2+s3], $0x80, s7, s3, $0xb8;
	[tilespmem:$0x1F890] =	vst v63  }
0x1c: {  	_ =	swait.ge @!p1 [sflag:s9], $0x4000  }
0x1d: {  	s1 =	simm.s32 @!p1 $0x5;
	[sflag:s9] =	ssyncset.done @!p1 $0x0  }
0x1e: {  	s3 =	simm.s32 @!p1 $0x80;
	s7 =	simm.s32 @!p1 $0xC9A0;
	[sflag:s9] =	ssyncadd.s32 @!p1 $0xFFFFC000  }
0x1f: {  	[spmem:s4] =	stream.indirect.scatter.add.f32 @!p1 [tilespmem:s7], [sflag:$0x5], $0x80, s25, s3, $0xb8;
	[tilespmem:$0x1F890] =	vst v63  }
0x20: {  	_ =	swait.ge @!p1 [sflag:s1], $0x4000  }
0x21: {  	s7 =	sadd.s32 @!p1 $0xFFFFFFFE, s21;
	[sflag:s1] =	ssyncset.done @!p1 $0x0  }
0x22: {  	p0 =	sge.u32 @!p1 s7, s18;
	s7 =	simm.s32 @!p1 $0x189A0;
	[sflag:s1] =	ssyncadd.s32 @!p1 $0xFFFFC000  }
0x23: {  	[spmem:s5] =	stream.indirect.scatter.add.f32 @!p1 [tilespmem:s7], [sflag:$0x5], $0x10, s25, s3, $0xb8;
	[tilespmem:$0x1F890] =	vst v63  }
0x24: {  	s26 =	sadd.s32 $0xFFFFFFFC, s21;
	p2 =	por p0, p1;
	_ =	swait.ge @!p1 [sflag:s1], $0x800  }
0x25: {  	p0 =	sge.s32 s26, s18;
	s7 =	simm.s32 @!p2 $0xC9A0;
	[sflag:s1] =	ssyncset.done @!p1 $0x0  }
0x26: {  	s3 =	simm.s32 @!p2 $0x80;
	[sflag:s1] =	ssyncadd.s32 @!p1 $0xFFFFF800;
	s1 =	simm.s32 @!p0 $0x3  }
0x27: {  	[tilespmem:s7], [sflag:$0x2] =	stream.indirect.gather @!p2 [hbm4b:s2+s3], $0x80, s29, s3, $0xb8;
	[tilespmem:$0x1F890] =	vst v63  }
0x28: {  	_ =	swait.ge @!p0 [sflag:s1], $0x4000  }
0x29: {  	s9 =	simm.s32 @!p0 $0x80;
	s3 =	simm.s32 @!p0 $0x109A0;
	[sflag:s1] =	ssyncset.done @!p0 $0x0  }
0x2a: {  	s7 =	simm.s32 @!p0 $0x5;
	[sflag:s1] =	ssyncadd.s32 @!p0 $0xFFFFC000;
	s1 =	sadd.s32 @!p0 $0x80, s25  }
0x2b: {  	[spmem:s4] =	stream.indirect.scatter.add.f32 @!p0 [tilespmem:s3], [sflag:$0x5], $0x80, s1, s9, $0xb8;
	[tilespmem:$0x1F890] =	vst v63  }
0x2c: {  	_ =	swait.ge @!p0 [sflag:s7], $0x4000  }
0x2d: {  	s3 =	sadd.s32 @!p0 $0xFFFFFFFF, s21;
	[sflag:s7] =	ssyncset.done @!p0 $0x0  }
0x2e: {  	p1 =	sge.s32 @!p0 s3, s18;
	s3 =	simm.s32 @!p0 $0x189A0;
	[sflag:s7] =	ssyncadd.s32 @!p0 $0xFFFFC000  }
0x2f: {  	[spmem:s5] =	stream.indirect.scatter.add.f32 @!p0 [tilespmem:s3], [sflag:$0x5], $0x10, s1, s9, $0xb8;
	[tilespmem:$0x1F890] =	vst v63  }
0x30: {  	s30 =	sadd.s32 $0xFFFFFFFD, s21;
	p1 =	por p1, p0;
	_ =	swait.ge @!p0 [sflag:s7], $0x800  }
0x31: {  	s1 =	simm.s32 @!p1 $0x80;
	s3 =	simm.s32 @!p1 $0x109A0;
	[sflag:s7] =	ssyncset.done @!p0 $0x0  }
0x32: {  	[sflag:s7] =	ssyncadd.s32 @!p0 $0xFFFFF800;
	s7 =	sadd.s32 @!p1 $0x80, s29;
	p0 =	sge.s32 s30, s18  }
0x33: {  	[tilespmem:s3], [sflag:$0x3] =	stream.indirect.gather @!p1 [hbm4b:s2+s1], $0x80, s7, s1, $0xb8;
	[tilespmem:$0x1F890] =	vst v63  }
0x34: {  	s1 =	simm.s32 @!p0 $0x4  }
0x35: {  	_ =	swait.ge @!p0 [sflag:s1], $0x4000  }
0x36: {  	s3 =	simm.s32 @!p0 $0x149A0;
	s7 =	sadd.s32 @!p0 $0x100, s25;
	[sflag:s1] =	ssyncset.done @!p0 $0x0  }
0x37: {  	s9 =	simm.s32 @!p0 $0x80;
	[sflag:s1] =	ssyncadd.s32 @!p0 $0xFFFFC000;
	s1 =	simm.s32 @!p0 $0x5  }
0x38: {  	[spmem:s4] =	stream.indirect.scatter.add.f32 @!p0 [tilespmem:s3], [sflag:$0x5], $0x80, s7, s9, $0xb8;
	[tilespmem:$0x1F890] =	vst v63  }
0x39: {  	_ =	swait.ge @!p0 [sflag:s1], $0x4000  }
0x3a: {  	[sflag:s1] =	ssyncset.done @!p0 $0x0  }
0x3b: {  	p1 =	sge.s32 @!p0 s21, s18;
	s3 =	simm.s32 @!p0 $0x189A0;
	[sflag:s1] =	ssyncadd.s32 @!p0 $0xFFFFC000  }
0x3c: {  	[spmem:s5] =	stream.indirect.scatter.add.f32 @!p0 [tilespmem:s3], [sflag:$0x5], $0x10, s7, s9, $0xb8;
	[tilespmem:$0x1F890] =	vst v63  }
0x3d: {  	p1 =	por p1, p0;
	_ =	swait.ge @!p0 [sflag:s1], $0x800  }
0x3e: {  	s3 =	simm.s32 @!p1 $0x80;
	[sflag:s1] =	ssyncset.done @!p0 $0x0  }
0x3f: {  	s7 =	simm.s32 @!p1 $0x149A0;
	s9 =	sadd.s32 @!p1 $0x100, s29;
	[sflag:s1] =	ssyncadd.s32 @!p0 $0xFFFFF800  }
0x40: {  	[tilespmem:s7], [sflag:$0x4] =	stream.indirect.gather @!p1 [hbm4b:s2+s3], $0x80, s9, s3, $0xb8;
	[tilespmem:$0x1F890] =	vst v63  }
.LBB2_19:
0x41: {  	[bflag:$0x0] =	sbarrier.arrive $0xFFFF  }
0x42: {  	[tilespmem:s31], [sflag:$0x5] =	stream.linear.gather [spmem:s14], $0x480, $0x38;
	[tilespmem:$0x1F890] =	vst v63  }
0x43: {  	_ =	swait.ge [sflag:s19], $0x480  }
0x44: {  	[sflag:s19] =	ssyncset.done $0x0  }
0x45: {  	[sflag:s19] =	ssyncadd.s32 $0xFFFFFB80  }
0x46: {  	v18 =	vld.idx.msk [tilespmem:v8+s31+$0x0], $0xffff;
	_ =	sdelay $0x4  }
0x47: {  	[tilespmem:$0x1CFC0] =	vst v18  }
0x48: {  	v18 =	vld.idx.msk [tilespmem:v14+s31+$0x0], $0xffff;
	_ =	sdelay $0x4  }
0x49: {  	[tilespmem:$0x1CFD0] =	vst v18  }
0x4a: {  	v18 =	vld.idx.msk [tilespmem:v15+s31+$0x0], $0xffff;
	_ =	sdelay $0x4  }
0x4b: {  	[tilespmem:$0x1CFE0] =	vst v18  }
0x4c: {  	v18 =	vld.idx.msk [tilespmem:v16+s31+$0x0], $0xffff;
	_ =	sdelay $0x4  }
0x4d: {  	[tilespmem:$0x1CFF0] =	vst v18  }
0x4e: {  	v18 =	vld.idx.msk [tilespmem:v17+s31+$0x0], $0xffff;
	_ =	sdelay $0x2  }
0x4f: {  	s1 =	stileid.u32  }
0x50: {  	s1 =	sshll.u32 s1, $0x6  }
0x51: {  	s3 =	sshrl.u32 s13, $0x3;
	s1 =	sor.u32 $0x1C05, s1;
	[tilespmem:$0x1D000] =	vst v18  }
0x52: {  	[hbm:s16], [sflag:s1] =	dma.local [spmem:s3], $0x480  }
0x53: {  	s0 =	sadd.s32 $0x1, s0;
	_ =	swait.ge [sflag:s19], $0x480  }
0x54: {  	p0 =	sne.s32 s0, s15;
	[sflag:s19] =	ssyncset.done $0x0  }
.Ltmp1:
0x55: {  	s30 =	simm.s32 $0x1CFC0;
	[sflag:s19] =	ssyncadd.s32 $0xFFFFFB80;
	(pc) =	sbr.rel @!p0 .LBB2_20-.Ltmp1, $4  }
0x56: {  	[hbm4b:s17+s6] =	stream.linear.scatter [tilespmem:s30], [sflag:$0x5], $0x48, $0x38;
	[tilespmem:$0x1F890] =	vst v63  }
0x57: {  	_ =	swait.ge [sflag:s19], $0x48  }
0x58: {  	[sflag:s19] =	ssyncset.done $0x0  }
0x59: {  	[sflag:s19] =	ssyncadd.s32 $0xFFFFFFB8  }
.LBB2_1:
0x5a: {  	s1 =	rddreg [dreg:$0x0];
	s3 =	simm.s32 $0x2780  }
0x5b: {  	[tilespmem:s3], [sflag:$0x5] =	stream.linear.gather [hbm4b:s1+s6], $0x400, $0x38;
	[tilespmem:$0x1F890] =	vst v63  }
0x5c: {  	_ =	swait.ge [sflag:s19], $0x400  }
0x5d: {  	[sflag:s19] =	ssyncset.done $0x0  }
0x5e: {  	s1 =	simm.s32 $0x40;
	[sflag:s19] =	ssyncadd.s32 $0xFFFFFC00  }
0x5f: {  	[tilespmem:s1+$0xFFFFFFC0] =	vst v0  }
0x60: {  	[tilespmem:s1+$0x30] =	vst v0  }
0x61: {  	[tilespmem:s1+$0x20] =	vst v0  }
0x62: {  	[tilespmem:s1+$0x10] =	vst v0  }
0x63: {  	[tilespmem:s1+$0x0] =	vst v0  }
0x64: {  	[tilespmem:s1+$0xFFFFFFF0] =	vst v0  }
0x65: {  	s18 =	simm.s32 $0xFFFFFFF8;
	s20 =	simm.s32 $0x27C0;
	s3 =	simm.s32 $0x0;
	[tilespmem:s1+$0xFFFFFFE0] =	vst v0  }
.LBB2_2:
0x66: {  	s3 =	sadd.s32 $0x8, s3;
	[tilespmem:s1+$0xFFFFFFD0] =	vst v0;
	s1 =	sadd.s32 $0x80, s1  }
0x67: {  	[tilespmem:s1+$0xFFFFFFC0] =	vst v0;
	p0 =	slt.u32 s3, $0x270  }
0x68: {  	[tilespmem:s1+$0x30] =	vst v0  }
.Ltmp2:
0x69: {  	[tilespmem:s1+$0x20] =	vst v0;
	(pc) =	sbr.rel @p0 .LBB2_2-.Ltmp2, $4  }
0x6a: {  	[tilespmem:s1+$0x10] =	vst v0  }
0x6b: {  	[tilespmem:s1+$0x0] =	vst v0  }
0x6c: {  	[tilespmem:s1+$0xFFFFFFF0] =	vst v0  }
0x6d: {  	[tilespmem:s1+$0xFFFFFFE0] =	vst v0  }
0x6e: {  	[tilespmem:s1+$0xFFFFFFD0] =	vst v0;
	s3 =	simm.s32 $0x0  }
.LBB2_4:
0x6f: {  	v18 =	vld [tilespmem:s20+$0xFFFFFFC0];
	_ =	sdelay $0x6  }
0x70: {  	v19 =	vor.u32 s3, v1  }
0x71: {  	[tilespmem:v18+s6+$0x0] =	vst.idx.msk $0xffff, v19  }
0x72: {  	v18 =	vld [tilespmem:s20+$0xFFFFFFD0];
	_ =	sdelay $0x5  }
0x73: {  	s1 =	sadd.s32 $0x10, s3  }
0x74: {  	v19 =	vor.u32 s1, v1  }
0x75: {  	[tilespmem:v18+s6+$0x0] =	vst.idx.msk $0xffff, v19  }
0x76: {  	v18 =	vld [tilespmem:s20+$0xFFFFFFE0];
	_ =	sdelay $0x5  }
0x77: {  	s11 =	sadd.s32 $0x20, s3  }
0x78: {  	v19 =	vor.u32 s11, v1  }
0x79: {  	[tilespmem:v18+s6+$0x0] =	vst.idx.msk $0xffff, v19  }
0x7a: {  	v18 =	vld [tilespmem:s20+$0xFFFFFFF0];
	_ =	sdelay $0x5  }
0x7b: {  	s21 =	sadd.s32 $0x30, s3  }
0x7c: {  	v19 =	vor.u32 s21, v1  }
0x7d: {  	[tilespmem:v18+s6+$0x0] =	vst.idx.msk $0xffff, v19  }
0x7e: {  	v18 =	vld [tilespmem:s20+$0x0];
	_ =	sdelay $0x5  }
0x7f: {  	s25 =	sadd.s32 $0x40, s3  }
0x80: {  	v19 =	vor.u32 s25, v1  }
0x81: {  	[tilespmem:v18+s6+$0x0] =	vst.idx.msk $0xffff, v19  }
0x82: {  	v18 =	vld [tilespmem:s20+$0x10];
	_ =	sdelay $0x5  }
0x83: {  	s26 =	sadd.s32 $0x50, s3  }
0x84: {  	v19 =	vor.u32 s26, v1  }
0x85: {  	[tilespmem:v18+s6+$0x0] =	vst.idx.msk $0xffff, v19  }
0x86: {  	v18 =	vld [tilespmem:s20+$0x20];
	_ =	sdelay $0x5  }
0x87: {  	s29 =	sadd.s32 $0x60, s3  }
0x88: {  	v19 =	vor.u32 s29, v1  }
0x89: {  	[tilespmem:v18+s6+$0x0] =	vst.idx.msk $0xffff, v19  }
0x8a: {  	v18 =	vld [tilespmem:s20+$0x30];
	_ =	sdelay $0x1  }
0x8b: {  	s18 =	sadd.s32 $0x8, s18  }
0x8c: {  	p0 =	slt.u32 s18, $0x38  }
.Ltmp3:
0x8d: {  	_ = 	snop;
	(pc) =	sbr.rel @p0 .LBB2_4-.Ltmp3, $4  }
0x8e: {  	_ = 	snop  }
0x8f: {  	s30 =	sadd.s32 $0x70, s3  }
0x90: {  	v19 =	vor.u32 s30, v1  }
0x91: {  	s3 =	sadd.s32 $0x80, s3;
	s20 =	sadd.s32 $0x80, s20;
	[tilespmem:v18+s6+$0x0] =	vst.idx.msk $0xffff, v19  }
0x92: {  	s25 =	simm.s32 $0x0;
	s1 =	rddreg [dreg:$0x7];
	s3 =	simm.s32 $0x2B80  }
0x93: {  	[tilespmem:s3], [sflag:$0x5] =	stream.linear.gather [hbm4b:s1+s25], $0x2710, $0x38;
	[tilespmem:$0x1F890] =	vst v63  }
0x94: {  	_ =	swait.ge [sflag:s19], $0x2710  }
0x95: {  	[sflag:s19] =	ssyncset.done $0x0  }
0x96: {  	s30 =	simm.s32 $0x5290;
	s29 =	rddreg [dreg:$0x8];
	[sflag:s19] =	ssyncadd.s32 $0xFFFFD8F0  }
0x97: {  	[tilespmem:s30], [sflag:$0x5] =	stream.linear.gather [hbm4b:s29+s25], $0x2710, $0x38;
	[tilespmem:$0x1F890] =	vst v63  }
0x98: {  	_ =	swait.ge [sflag:s19], $0x2710  }
0x99: {  	s18 =	simm.s32 $0xFFFFFFF8;
	[sflag:s19] =	ssyncset.done $0x0  }
0x9a: {  	s20 =	simm.s32 $0x52D0;
	s21 =	simm.s32 $0x2BC0;
	[sflag:s19] =	ssyncadd.s32 $0xFFFFD8F0  }
.LBB2_6:
0x9b: {  	v18 =	vld [tilespmem:s20+$0xFFFFFFC0];
	_ =	sdelay $0x7  }
0x9c: {  	v18 =	vld.idx.msk [tilespmem:v18+s6+$0x0], $0xffff;
	_ =	sdelay $0x4  }
0x9d: {  	vm0 =	vgt.s32 v18, $0xFFFFFFFF  }
0x9e: {  	v19 =	vsel vm0, $0x1, v2  }
0x9f: {  	(xrf0) =	vadd.scan.msk.s32 $0xffff, v19;
	_ =	sdelay $0x2  }
0xa0: {  	v19 =	vmov s25  }
0xa1: {  	v19 =	vadd.s32 $0xFFFFFFFF, v19  }
0xa2: {  	v19 =	vbroadcast v19, $0x0  }
0xa3: {  	v20, _, _ =	vpop (xrf0)  }
0xa4: {  	v21 =	vld [tilespmem:s21+$0xFFFFFFC0];
	v19 =	vadd.s32 v20, v19;
	v20 =	vxor.u32 $0x80000000, v20  }
0xa5: {  	(xrf0) =	vmax.scan.msk.u32 $0xffff, v20;
	_ =	sdelay $0x3  }
0xa6: {  	[tilespmem:v19+s22+$0x0] =	vst.idx.msk vm0, v21  }
0xa7: {  	[tilespmem:v19+s23+$0x0] =	vst.idx.msk vm0, v18  }
0xa8: {  	v18, _, _ =	vpop (xrf0);
	v19 =	vld [tilespmem:s20+$0xFFFFFFD0]  }
0xa9: {  	(v2sf) =	vpush v18, $0xF;
	_ =	sdelay $0x6  }
0xaa: {  	v18 =	vld.idx.msk [tilespmem:v19+s6+$0x0], $0xffff;
	_ =	sdelay $0x4  }
0xab: {  	vm9 =	vgt.s32 v18, $0xFFFFFFFF  }
0xac: {  	v19 =	vsel vm9, $0x1, v2  }
0xad: {  	(xrf0) =	vadd.scan.msk.s32 $0xffff, v19  }
0xae: {  	s1 =	spop (v2sf)  }
0xaf: {  	s1 =	sadd.s32 s1, s25  }
0xb0: {  	s1 =	sadd.s32 $0x80000000, s1  }
0xb1: {  	v19 =	vmov s1  }
0xb2: {  	v19 =	vadd.s32 $0xFFFFFFFF, v19  }
0xb3: {  	v46, _, _ =	vpop (xrf0);
	v19 =	vbroadcast v19, $0x0  }
0xb4: {  	v47 =	vxor.u32 $0x80000000, v46  }
0xb5: {  	v48 =	vld [tilespmem:s21+$0xFFFFFFD0];
	v19 =	vadd.s32 v46, v19;
	(xrf0) =	vmax.scan.msk.u32 $0xffff, v47;
	_ =	sdelay $0x4  }
0xb6: {  	[tilespmem:v19+s22+$0x0] =	vst.idx.msk vm9, v48  }
0xb7: {  	[tilespmem:v19+s23+$0x0] =	vst.idx.msk vm9, v18;
	v18, _, _ =	vpop (xrf0)  }
0xb8: {  	(v2sf) =	vpush v18, $0xF;
	v18 =	vld [tilespmem:s20+$0xFFFFFFE0];
	_ =	sdelay $0x7  }
0xb9: {  	v18 =	vld.idx.msk [tilespmem:v18+s6+$0x0], $0xffff;
	_ =	sdelay $0x4  }
0xba: {  	vm10 =	vgt.s32 v18, $0xFFFFFFFF  }
0xbb: {  	v19 =	vsel vm10, $0x1, v2  }
0xbc: {  	s3 =	spop (v2sf);
	(xrf0) =	vadd.scan.msk.s32 $0xffff, v19  }
0xbd: {  	s1 =	sadd.s32 s3, s1  }
0xbe: {  	s1 =	sadd.s32 $0x80000000, s1  }
0xbf: {  	v19 =	vmov s1  }
0xc0: {  	v19 =	vadd.s32 $0xFFFFFFFF, v19  }
0xc1: {  	v19 =	vbroadcast v19, $0x0  }
0xc2: {  	v49, _, _ =	vpop (xrf0)  }
0xc3: {  	v50 =	vld [tilespmem:s21+$0xFFFFFFE0];
	v19 =	vadd.s32 v49, v19;
	v20 =	vxor.u32 $0x80000000, v49  }
0xc4: {  	(xrf0) =	vmax.scan.msk.u32 $0xffff, v20;
	_ =	sdelay $0x3  }
0xc5: {  	[tilespmem:v19+s22+$0x0] =	vst.idx.msk vm10, v50  }
0xc6: {  	[tilespmem:v19+s23+$0x0] =	vst.idx.msk vm10, v18  }
0xc7: {  	v18, _, _ =	vpop (xrf0);
	v19 =	vld [tilespmem:s20+$0xFFFFFFF0]  }
0xc8: {  	(v2sf) =	vpush v18, $0xF;
	_ =	sdelay $0x6  }
0xc9: {  	v18 =	vld.idx.msk [tilespmem:v19+s6+$0x0], $0xffff;
	_ =	sdelay $0x4  }
0xca: {  	vm11 =	vgt.s32 v18, $0xFFFFFFFF  }
0xcb: {  	v19 =	vsel vm11, $0x1, v2  }
0xcc: {  	(xrf0) =	vadd.scan.msk.s32 $0xffff, v19  }
0xcd: {  	s10 =	spop (v2sf)  }
0xce: {  	s1 =	sadd.s32 s10, s1  }
0xcf: {  	s1 =	sadd.s32 $0x80000000, s1  }
0xd0: {  	v19 =	vmov s1  }
0xd1: {  	v19 =	vadd.s32 $0xFFFFFFFF, v19  }
0xd2: {  	v51, _, _ =	vpop (xrf0);
	v19 =	vbroadcast v19, $0x0  }
0xd3: {  	v52 =	vxor.u32 $0x80000000, v51  }
0xd4: {  	v53 =	vld [tilespmem:s21+$0xFFFFFFF0];
	v19 =	vadd.s32 v51, v19;
	(xrf0) =	vmax.scan.msk.u32 $0xffff, v52;
	_ =	sdelay $0x4  }
0xd5: {  	[tilespmem:v19+s22+$0x0] =	vst.idx.msk vm11, v53  }
0xd6: {  	[tilespmem:v19+s23+$0x0] =	vst.idx.msk vm11, v18;
	v18, _, _ =	vpop (xrf0)  }
0xd7: {  	(v2sf) =	vpush v18, $0xF;
	v18 =	vld [tilespmem:s20+$0x0];
	_ =	sdelay $0x7  }
0xd8: {  	v18 =	vld.idx.msk [tilespmem:v18+s6+$0x0], $0xffff;
	_ =	sdelay $0x4  }
0xd9: {  	vm12 =	vgt.s32 v18, $0xFFFFFFFF  }
0xda: {  	v19 =	vsel vm12, $0x1, v2  }
0xdb: {  	s11 =	spop (v2sf);
	(xrf0) =	vadd.scan.msk.s32 $0xffff, v19  }
0xdc: {  	s1 =	sadd.s32 s11, s1  }
0xdd: {  	s1 =	sadd.s32 $0x80000000, s1  }
0xde: {  	v19 =	vmov s1  }
0xdf: {  	v19 =	vadd.s32 $0xFFFFFFFF, v19  }
0xe0: {  	v19 =	vbroadcast v19, $0x0  }
0xe1: {  	v54, _, _ =	vpop (xrf0)  }
0xe2: {  	v55 =	vld [tilespmem:s21+$0x0];
	v19 =	vadd.s32 v54, v19;
	v20 =	vxor.u32 $0x80000000, v54  }
0xe3: {  	(xrf0) =	vmax.scan.msk.u32 $0xffff, v20;
	_ =	sdelay $0x3  }
0xe4: {  	[tilespmem:v19+s22+$0x0] =	vst.idx.msk vm12, v55  }
0xe5: {  	[tilespmem:v19+s23+$0x0] =	vst.idx.msk vm12, v18  }
0xe6: {  	v18, _, _ =	vpop (xrf0);
	v19 =	vld [tilespmem:s20+$0x10]  }
0xe7: {  	(v2sf) =	vpush v18, $0xF;
	_ =	sdelay $0x6  }
0xe8: {  	v18 =	vld.idx.msk [tilespmem:v19+s6+$0x0], $0xffff;
	_ =	sdelay $0x4  }
0xe9: {  	vm13 =	vgt.s32 v18, $0xFFFFFFFF  }
0xea: {  	v19 =	vsel vm13, $0x1, v2  }
0xeb: {  	(xrf0) =	vadd.scan.msk.s32 $0xffff, v19  }
0xec: {  	s25 =	spop (v2sf)  }
0xed: {  	s1 =	sadd.s32 s25, s1  }
0xee: {  	s1 =	sadd.s32 $0x80000000, s1  }
0xef: {  	v19 =	vmov s1  }
0xf0: {  	v19 =	vadd.s32 $0xFFFFFFFF, v19  }
0xf1: {  	v56, _, _ =	vpop (xrf0);
	v19 =	vbroadcast v19, $0x0  }
0xf2: {  	v57 =	vxor.u32 $0x80000000, v56  }
0xf3: {  	v58 =	vld [tilespmem:s21+$0x10];
	v19 =	vadd.s32 v56, v19;
	(xrf0) =	vmax.scan.msk.u32 $0xffff, v57;
	_ =	sdelay $0x4  }
0xf4: {  	[tilespmem:v19+s22+$0x0] =	vst.idx.msk vm13, v58  }
0xf5: {  	[tilespmem:v19+s23+$0x0] =	vst.idx.msk vm13, v18;
	v18, _, _ =	vpop (xrf0)  }
0xf6: {  	(v2sf) =	vpush v18, $0xF;
	v18 =	vld [tilespmem:s20+$0x20];
	_ =	sdelay $0x7  }
0xf7: {  	v18 =	vld.idx.msk [tilespmem:v18+s6+$0x0], $0xffff;
	_ =	sdelay $0x4  }
0xf8: {  	vm14 =	vgt.s32 v18, $0xFFFFFFFF  }
0xf9: {  	v19 =	vsel vm14, $0x1, v2  }
0xfa: {  	s26 =	spop (v2sf);
	(xrf0) =	vadd.scan.msk.s32 $0xffff, v19  }
0xfb: {  	s1 =	sadd.s32 s26, s1  }
0xfc: {  	s1 =	sadd.s32 $0x80000000, s1  }
0xfd: {  	v19 =	vmov s1  }
0xfe: {  	v19 =	vadd.s32 $0xFFFFFFFF, v19  }
0xff: {  	v19 =	vbroadcast v19, $0x0  }
0x100: {  	v59, _, _ =	vpop (xrf0)  }
0x101: {  	v60 =	vld [tilespmem:s21+$0x20];
	v19 =	vadd.s32 v59, v19;
	_ =	sdelay $0x4  }
0x102: {  	[tilespmem:v19+s22+$0x0] =	vst.idx.msk vm14, v60  }
0x103: {  	[tilespmem:v19+s23+$0x0] =	vst.idx.msk vm14, v18  }
0x104: {  	v18 =	vld [tilespmem:s20+$0x30];
	_ =	sdelay $0x7  }
0x105: {  	v18 =	vld.idx.msk [tilespmem:v18+s6+$0x0], $0xffff;
	_ =	sdelay $0x2  }
0x106: {  	v19 =	vxor.u32 $0x80000000, v59  }
0x107: {  	(xrf0) =	vmax.scan.msk.u32 $0xffff, v19  }
0x108: {  	vm15 =	vgt.s32 v18, $0xFFFFFFFF  }
0x109: {  	v19 =	vsel vm15, $0x1, v2  }
0x10a: {  	(xrf0) =	vadd.scan.msk.s32 $0xffff, v19;
	_ =	sdelay $0x2  }
0x10b: {  	v19, _, _ =	vpop (xrf0)  }
0x10c: {  	(v2sf) =	vpush v19, $0xF;
	_ =	sdelay $0x1  }
0x10d: {  	v19, _, _ =	vpop (xrf0)  }
0x10e: {  	v61 =	vxor.u32 $0x80000000, v19  }
0x10f: {  	(xrf0) =	vmax.scan.msk.u32 $0xffff, v61;
	_ =	sdelay $0x5  }
0x110: {  	v20, _, _ =	vpop (xrf0)  }
0x111: {  	(v2sf) =	vpush v20, $0xF;
	_ =	sdelay $0x3  }
0x112: {  	s29 =	spop (v2sf)  }
0x113: {  	s1 =	sadd.s32 s29, s1  }
0x114: {  	s1 =	sadd.s32 $0x80000000, s1  }
0x115: {  	v62 =	vmov s1  }
0x116: {  	v20 =	vadd.s32 $0xFFFFFFFF, v62  }
0x117: {  	v20 =	vbroadcast v20, $0x0;
	_ =	sdelay $0x1  }
0x118: {  	s18 =	sadd.s32 $0x8, s18;
	v63 =	vld [tilespmem:s21+$0x30];
	v19 =	vadd.s32 v19, v20  }
0x119: {  	p0 =	slt.u32 s18, $0x268  }
.Ltmp4:
0x11a: {  	_ = 	snop;
	(pc) =	sbr.rel @p0 .LBB2_6-.Ltmp4, $4  }
0x11b: {  	_ = 	snop  }
0x11c: {  	s30 =	spop (v2sf)  }
0x11d: {  	[tilespmem:v19+s22+$0x0] =	vst.idx.msk vm15, v63;
	s1 =	sadd.s32 s30, s1  }
0x11e: {  	s20 =	sadd.s32 $0x80, s20;
	s21 =	sadd.s32 $0x80, s21;
	[tilespmem:v19+s23+$0x0] =	vst.idx.msk vm15, v18;
	s25 =	sadd.s32 $0x80000000, s1  }
0x11f: {  	v18 =	vld [tilespmem:$0x7990];
	_ =	sdelay $0x7  }
0x120: {  	v18 =	vld.idx.msk [tilespmem:v18+s6+$0x0], $0xffff;
	_ =	sdelay $0x4  }
0x121: {  	vm0 =	vgt.s32 v18, $0xFFFFFFFF  }
0x122: {  	v19 =	vsel vm0, $0x1, v2  }
0x123: {  	(xrf0) =	vadd.scan.msk.s32 $0xffff, v19;
	_ =	sdelay $0x5  }
0x124: {  	v19, _, _ =	vpop (xrf0)  }
0x125: {  	v20 =	vxor.u32 $0x80000000, v19  }
0x126: {  	(xrf0) =	vmax.scan.msk.u32 $0xffff, v20;
	_ =	sdelay $0x5  }
0x127: {  	v20, _, _ =	vpop (xrf0)  }
0x128: {  	(v2sf) =	vpush v20, $0xF;
	_ =	sdelay $0xb  }
0x129: {  	v60 =	vmov s25  }
0x12a: {  	v20 =	vadd.s32 $0xFFFFFFFF, v60  }
0x12b: {  	v20 =	vbroadcast v20, $0x0  }
0x12c: {  	s1 =	spop (v2sf)  }
0x12d: {  	v61 =	vld [tilespmem:$0x5280];
	v19 =	vadd.s32 v19, v20;
	s1 =	sadd.s32 s1, s25  }
0x12e: {  	s3 =	sadd.s32 $0x80000000, s1  }
0x12f: {  	v21 =	vadd.s32 s3, v1;
	_ =	sdelay $0x1  }
0x130: {  	v22 =	vadd.s32 s3, v4  }
0x131: {  	[tilespmem:v19+s22+$0x0] =	vst.idx.msk vm0, v61  }
0x132: {  	[tilespmem:v19+s23+$0x0] =	vst.idx.msk vm0, v18;
	v18 =	vadd.s32 s3, v5  }
0x133: {  	[tilespmem:v21+s22+$0x0] =	vst.idx.msk $0xffff, v2  }
0x134: {  	v19 =	vadd.s32 s3, v6;
	[tilespmem:v21+s23+$0x0] =	vst.idx.msk $0xffff, v3  }
0x135: {  	[tilespmem:v22+s22+$0x0] =	vst.idx.msk $0xffff, v2  }
0x136: {  	v62 =	vadd.s32 s3, v7;
	[tilespmem:v22+s23+$0x0] =	vst.idx.msk $0xffff, v3  }
0x137: {  	[tilespmem:v18+s22+$0x0] =	vst.idx.msk $0xffff, v2  }
0x138: {  	[tilespmem:v18+s23+$0x0] =	vst.idx.msk $0xffff, v3;
	v18 =	vadd.s32 s3, v9  }
0x139: {  	s1 =	sadd.s32 $0x8000007F, s1;
	[tilespmem:v19+s22+$0x0] =	vst.idx.msk $0xffff, v2  }
0x13a: {  	s7 =	sand.u32 $0x7F, s1;
	[tilespmem:v19+s23+$0x0] =	vst.idx.msk $0xffff, v3;
	v19 =	vadd.s32 s3, v10  }
0x13b: {  	s18 =	sshra.s32 s1, $0x1F;
	p0 =	slt.s32 s1, $0x1;
	p1 =	sne.s32 s7, $0x0;
	[tilespmem:v62+s22+$0x0] =	vst.idx.msk $0xffff, v2  }
0x13c: {  	v63 =	vadd.s32 s3, v11;
	p0 =	por !p0, !p1;
	s3 =	sshrl.u32 s18, $0x19;
	[tilespmem:v62+s23+$0x0] =	vst.idx.msk $0xffff, v3  }
0x13d: {  	p0 =	por !p0, !p0;
	s1 =	sadd.s32 s3, s1;
	s3 =	simm.s32 $0x1;
	[tilespmem:v18+s22+$0x0] =	vst.idx.msk $0xffff, v2  }
0x13e: {  	s1 =	sshra.s32 s1, $0x7;
	s3 =	simm.s32 @!p0 $0x0;
	[tilespmem:v18+s23+$0x0] =	vst.idx.msk $0xffff, v3  }
0x13f: {  	s18 =	ssub.s32 s1, s3;
	[tilespmem:v19+s22+$0x0] =	vst.idx.msk $0xffff, v2  }
0x140: {  	p0 =	slt.s32 s18, $0x1;
	[tilespmem:v19+s23+$0x0] =	vst.idx.msk $0xffff, v3  }
0x141: {  	s1 =	simm.s32 @!p0 $0x80;
	p1 =	seq.s32 @!p0 s18, $0x1;
	[tilespmem:v63+s22+$0x0] =	vst.idx.msk $0xffff, v2  }
0x142: {  	s3 =	simm.s32 @!p0 $0x79A0;
	s7 =	simm.s32 @!p0 $0xC9A0;
	p2 =	por p1, p0;
	[tilespmem:v63+s23+$0x0] =	vst.idx.msk $0xffff, v3  }
0x143: {  	[tilespmem:s7], [sflag:$0x2] =	stream.indirect.gather @!p0 [hbm4b:s2+s1], $0x80, s3, s1, $0xb8;
	[tilespmem:$0x1F890] =	vst v63  }
0x144: {  	s1 =	simm.s32 @!p2 $0x80;
	s3 =	simm.s32 @!p2 $0x7A20;
	s7 =	simm.s32 @!p2 $0x109A0  }
0x145: {  	[tilespmem:s7], [sflag:$0x3] =	stream.indirect.gather @!p2 [hbm4b:s2+s1], $0x80, s3, s1, $0xb8;
	[tilespmem:$0x1F890] =	vst v63  }
0x146: {  	p2 =	slt.u32 @!p2 s18, $0x3  }
0x147: {  	p1 =	por @!p0 p2, p1  }
0x148: {  	p0 =	por p1, p0  }
0x149: {  	s1 =	simm.s32 @!p0 $0x80;
	s3 =	simm.s32 @!p0 $0x7AA0;
	s7 =	simm.s32 @!p0 $0x149A0  }
0x14a: {  	[tilespmem:s7], [sflag:$0x4] =	stream.indirect.gather @!p0 [hbm4b:s2+s1], $0x80, s3, s1, $0xb8;
	[tilespmem:$0x1F890] =	vst v63  }
0x14b: {  	v18 =	vld [tilespmem:s8+$0x2780];
	_ =	sdelay $0x7  }
0x14c: {  	v18 =	vld.idx.msk [tilespmem:v18+s6+$0x0], $0xffff;
	_ =	sdelay $0x4  }
0x14d: {  	[tilespmem:$0x191A0] =	vst v18  }
0x14e: {  	v18 =	vld [tilespmem:s8+$0x2790];
	_ =	sdelay $0x7  }
0x14f: {  	v18 =	vld.idx.msk [tilespmem:v18+s6+$0x0], $0xffff;
	_ =	sdelay $0x4  }
0x150: {  	s20 =	rddreg [dreg:$0xa];
	s21 =	simm.s32 $0x191A0;
	[tilespmem:$0x191B0] =	vst v18  }
0x151: {  	[hbm4b:s20+s6] =	stream.linear.scatter [tilespmem:s21], [sflag:$0x5], $0x20, $0x38;
	[tilespmem:$0x1F890] =	vst v63  }
0x152: {  	_ =	swait.ge [sflag:s19], $0x20  }
0x153: {  	[sflag:s19] =	ssyncset.done $0x0  }
0x154: {  	s26 =	simm.s32 $0x20;
	s25 =	rddreg [dreg:$0x9];
	[sflag:s19] =	ssyncadd.s32 $0xFFFFFFE0  }
0x155: {  	[tilespmem:s28], [sflag:$0x1] =	stream.indirect.gather [hbm4b:s2+s26], $0x80, s25, s26, $0xb8;
	[tilespmem:$0x1F890] =	vst v63  }
0x156: {  	_ =	swait.ge [sflag:s24], $0x1000  }
0x157: {  	[sflag:s24] =	ssyncset.done $0x0  }
0x158: {  	[sflag:s24] =	ssyncadd.s32 $0xFFFFF000  }
0x159: {  	[hbm4b:s12+s6] =	stream.linear.scatter [tilespmem:s28], [sflag:$0x5], $0x1000, $0x38;
	[tilespmem:$0x1F890] =	vst v63  }
0x15a: {  	_ =	swait.ge [sflag:s19], $0x1000  }
0x15b: {  	[sflag:s19] =	ssyncset.done $0x0  }
0x15c: {  	s26 =	simm.s32 $0x1A2C0;
	[sflag:s19] =	ssyncadd.s32 $0xFFFFF000  }
0x15d: {  	[tilespmem:s26+$0xFFFFFF00] =	vst v12  }
0x15e: {  	[tilespmem:s26+$0xFFFFFF70] =	vst v12  }
0x15f: {  	[tilespmem:s26+$0xFFFFFF60] =	vst v12  }
0x160: {  	[tilespmem:s26+$0xFFFFFF50] =	vst v12  }
0x161: {  	[tilespmem:s26+$0xFFFFFF40] =	vst v12  }
0x162: {  	[tilespmem:s26+$0xFFFFFF30] =	vst v12  }
0x163: {  	[tilespmem:s26+$0xFFFFFF20] =	vst v12  }
0x164: {  	s29 =	simm.s32 $0x1C5E0;
	[tilespmem:s26+$0xFFFFFF10] =	vst v12  }
0x165: {  	[tilespmem:s29+$0xFFFFFFE0] =	vst v12  }
0x166: {  	[tilespmem:s26+$0xFFFFFFF0] =	vst v12  }
0x167: {  	[tilespmem:s26+$0xFFFFFFE0] =	vst v12  }
0x168: {  	[tilespmem:s26+$0xFFFFFFA0] =	vst v12  }
0x169: {  	s30 =	simm.s32 $0x0;
	[tilespmem:s26+$0xFFFFFF80] =	vst v12  }
0x16a: {  	s20 =	simm.s32 $0x189E0;
	s21 =	simm.s32 $0x1A2C0;
	s25 =	simm.s32 $0x1C5E0;
	[tilespmem:s26+$0xFFFFFF90] =	vst v12  }
.LBB2_8:
0x16b: {  	s30 =	sadd.s32 $0x4, s30;
	s29 =	sadd.s32 $0x40, s29;
	s26 =	sadd.s32 $0x200, s26  }
0x16c: {  	p0 =	slt.u32 s30, $0x44;
	[tilespmem:s21+$0xFFFFFFD0] =	vst v12  }
0x16d: {  	[tilespmem:s21+$0xFFFFFFC0] =	vst v12  }
0x16e: {  	[tilespmem:s21+$0xFFFFFFB0] =	vst v12  }
0x16f: {  	[tilespmem:s25+$0xFFFFFFF0] =	vst v12  }
0x170: {  	[tilespmem:s21+$0x70] =	vst v12  }
0x171: {  	[tilespmem:s21+$0x60] =	vst v12  }
0x172: {  	[tilespmem:s21+$0x50] =	vst v12  }
0x173: {  	[tilespmem:s21+$0x40] =	vst v12  }
0x174: {  	[tilespmem:s21+$0x30] =	vst v12  }
0x175: {  	[tilespmem:s21+$0x20] =	vst v12  }
0x176: {  	[tilespmem:s21+$0x0] =	vst v12  }
0x177: {  	[tilespmem:s21+$0x10] =	vst v12  }
0x178: {  	[tilespmem:s25+$0x0] =	vst v12  }
0x179: {  	[tilespmem:s21+$0x80] =	vst v12  }
0x17a: {  	[tilespmem:s21+$0xF0] =	vst v12  }
0x17b: {  	[tilespmem:s21+$0xA0] =	vst v12  }
0x17c: {  	[tilespmem:s21+$0xE0] =	vst v12  }
0x17d: {  	[tilespmem:s21+$0xB0] =	vst v12  }
0x17e: {  	[tilespmem:s21+$0xD0] =	vst v12  }
0x17f: {  	[tilespmem:s21+$0x90] =	vst v12  }
0x180: {  	[tilespmem:s21+$0xC0] =	vst v12;
	s21 =	smov.u32 s26  }
0x181: {  	[tilespmem:s25+$0x10] =	vst v12;
	s25 =	smov.u32 s29  }
0x182: {  	[tilespmem:s26+$0xFFFFFF00] =	vst v12  }
0x183: {  	[tilespmem:s26+$0xFFFFFF70] =	vst v12  }
0x184: {  	[tilespmem:s26+$0xFFFFFF60] =	vst v12  }
0x185: {  	[tilespmem:s26+$0xFFFFFF50] =	vst v12  }
0x186: {  	[tilespmem:s26+$0xFFFFFF40] =	vst v12  }
0x187: {  	[tilespmem:s26+$0xFFFFFF30] =	vst v12  }
0x188: {  	[tilespmem:s26+$0xFFFFFF20] =	vst v12  }
0x189: {  	[tilespmem:s26+$0xFFFFFF10] =	vst v12  }
0x18a: {  	[tilespmem:s29+$0xFFFFFFE0] =	vst v12  }
.Ltmp5:
0x18b: {  	[tilespmem:s26+$0xFFFFFFF0] =	vst v12;
	(pc) =	sbr.rel @p0 .LBB2_8-.Ltmp5, $4  }
0x18c: {  	[tilespmem:s26+$0xFFFFFFE0] =	vst v12  }
0x18d: {  	[tilespmem:s26+$0xFFFFFFA0] =	vst v12  }
0x18e: {  	[tilespmem:s26+$0xFFFFFF80] =	vst v12  }
0x18f: {  	[tilespmem:s26+$0xFFFFFF90] =	vst v12  }
0x190: {  	[tilespmem:s21+$0xFFFFFFD0] =	vst v12  }
0x191: {  	[tilespmem:s21+$0xFFFFFFC0] =	vst v12  }
0x192: {  	[tilespmem:s21+$0xFFFFFFB0] =	vst v12  }
0x193: {  	[tilespmem:s25+$0xFFFFFFF0] =	vst v12  }
0x194: {  	[tilespmem:s21+$0x70] =	vst v12  }
0x195: {  	[tilespmem:s21+$0x60] =	vst v12  }
0x196: {  	[tilespmem:s21+$0x50] =	vst v12  }
0x197: {  	[tilespmem:s21+$0x40] =	vst v12  }
0x198: {  	[tilespmem:s21+$0x30] =	vst v12  }
0x199: {  	[tilespmem:s21+$0x20] =	vst v12  }
0x19a: {  	[tilespmem:s21+$0x0] =	vst v12  }
0x19b: {  	[tilespmem:s21+$0x10] =	vst v12  }
0x19c: {  	[tilespmem:s25+$0x0] =	vst v12  }
0x19d: {  	[tilespmem:s21+$0x80] =	vst v12  }
0x19e: {  	[tilespmem:s21+$0xF0] =	vst v12  }
0x19f: {  	[tilespmem:s21+$0xA0] =	vst v12  }
0x1a0: {  	[tilespmem:s21+$0xE0] =	vst v12  }
0x1a1: {  	[tilespmem:s21+$0xB0] =	vst v12  }
0x1a2: {  	[tilespmem:s21+$0xD0] =	vst v12  }
0x1a3: {  	[tilespmem:s21+$0x90] =	vst v12  }
0x1a4: {  	[tilespmem:s21+$0xC0] =	vst v12  }
0x1a5: {  	[tilespmem:s25+$0x10] =	vst v12  }
0x1a6: {  	[tilespmem:s20+$0xFFFFFFC0] =	vst v13  }
0x1a7: {  	[tilespmem:s20+$0x30] =	vst v13  }
0x1a8: {  	[tilespmem:s20+$0x20] =	vst v13  }
0x1a9: {  	[tilespmem:s20+$0x10] =	vst v13  }
0x1aa: {  	[tilespmem:s20+$0x0] =	vst v13  }
0x1ab: {  	[tilespmem:s20+$0xFFFFFFF0] =	vst v13  }
0x1ac: {  	s1 =	simm.s32 $0x0;
	[tilespmem:s20+$0xFFFFFFE0] =	vst v13  }
.LBB2_10:
0x1ad: {  	s1 =	sadd.s32 $0x8, s1;
	[tilespmem:s20+$0xFFFFFFD0] =	vst v13;
	s20 =	sadd.s32 $0x80, s20  }
0x1ae: {  	[tilespmem:s20+$0xFFFFFFC0] =	vst v13;
	p0 =	slt.u32 s1, $0x78  }
0x1af: {  	[tilespmem:s20+$0x30] =	vst v13  }
.Ltmp6:
0x1b0: {  	[tilespmem:s20+$0x20] =	vst v13;
	(pc) =	sbr.rel @p0 .LBB2_10-.Ltmp6, $4  }
0x1b1: {  	[tilespmem:s20+$0x10] =	vst v13  }
0x1b2: {  	[tilespmem:s20+$0x0] =	vst v13  }
0x1b3: {  	[tilespmem:s20+$0xFFFFFFF0] =	vst v13  }
0x1b4: {  	[tilespmem:s20+$0xFFFFFFE0] =	vst v13  }
0x1b5: {  	[tilespmem:s20+$0xFFFFFFD0] =	vst v13;
	s1 =	simm.s32 $0x1A1C0;
	s29 =	sadd.s32 $0x2, s18  }
0x1b6: {  	[spmem:s13] =	stream.linear.scatter [tilespmem:s1], [sflag:$0x5], $0x2400, $0x38;
	[tilespmem:$0x1F890] =	vst v63  }
0x1b7: {  	s3 =	smulhi.u32 $0x55555556, s29;
	s1 =	sshra.s32 s29, $0x1F  }
0x1b8: {  	s1 =	smul.u32 $0x55555556, s1;
	_ =	sdelay $0x1  }
0x1b9: {  	s21 =	simm.s32 $0x5;
	s1 =	sadd.s32 s1, s3  }
0x1ba: {  	_ =	swait.ge [sflag:s21], $0x2400;
	s3 =	sshrl.u32 s1, $0x1F  }
0x1bb: {  	s7 =	simm.s32 $0x1C5C0;
	[sflag:s21] =	ssyncset.done $0x0;
	s1 =	sadd.s32 s3, s1  }
0x1bc: {  	s30 =	ssub.s32 $0xFFFFFFFE, s18;
	[sflag:s21] =	ssyncadd.s32 $0xFFFFDC00;
	s3 =	smul.u32 $0xFFFFFFFD, s1  }
0x1bd: {  	[spmem:s14] =	stream.linear.scatter [tilespmem:s7], [sflag:$0x5], $0x480, $0x38;
	[tilespmem:$0x1F890] =	vst v63  }
0x1be: {  	p0 =	slt.s32 s18, $0xFFFFFFFF;
	p1 =	sne.s32 s3, s30  }
0x1bf: {  	p0 =	por !p0, !p1  }
0x1c0: {  	s3 =	simm.s32 $0x1;
	p0 =	por !p0, !p0  }
0x1c1: {  	s3 =	simm.s32 @!p0 $0x0  }
0x1c2: {  	s1 =	ssub.s32 s1, s3  }
0x1c3: {  	p0 =	slt.s32 s1, $0x1  }
.Ltmp7:
0x1c4: {  	_ =	swait.ge [sflag:s21], $0x480;
	(pc) =	sbr.rel @p0 .LBB2_19-.Ltmp7, $3  }
0x1c5: {  	[sflag:s21] =	ssyncset.done $0x0  }
0x1c6: {  	[sflag:s21] =	ssyncadd.s32 $0xFFFFFB80  }
0x1c7: {  	[bflag:$0x0] =	sbarrier.arrive $0xFFFF;
	_ =	sdelay $0x1  }
0x1c8: {  	s20 =	sadd.s32 $0xFFFFFFFF, s1  }
0x1c9: {  	p1 =	sne.s32 s20, $0x0  }
.Ltmp8:
0x1ca: {  	_ = 	snop;
	(pc) =	sbr.rel @!p1 .LBB2_13-.Ltmp8, $3  }
0x1cb: {  	_ =	sdelay $0x1  }
0x1cc: {  	s25 =	simm.s32 $0xA1A0  }
0x1cd: {  	s29 =	simm.s32 $0x7B20;
	s7 =	simm.s32 $0x0;
	p0 =	por $0x0, $0x0  }
0x1ce: {  	p1 =	sle.s32 s18, $0x0  }
0x1cf: {  	s1 =	simm.s32 @!p1 $0x2  }
0x1d0: {  	_ =	swait.ge @!p1 [sflag:s1], $0x4000  }
0x1d1: {  	s3 =	simm.s32 @!p1 $0x5;
	[sflag:s1] =	ssyncset.done @!p1 $0x0  }
0x1d2: {  	s7 =	simm.s32 @!p1 $0x80;
	s21 =	simm.s32 @!p1 $0xC9A0;
	[sflag:s1] =	ssyncadd.s32 @!p1 $0xFFFFC000  }
0x1d3: {  	[spmem:s4] =	stream.indirect.scatter.add.f32 @!p1 [tilespmem:s21], [sflag:$0x5], $0x80, s25, s7, $0xb8;
	[tilespmem:$0x1F890] =	vst v63  }
0x1d4: {  	_ =	swait.ge @!p1 [sflag:s3], $0x4000  }
0x1d5: {  	[sflag:s3] =	ssyncset.done @!p1 $0x0  }
0x1d6: {  	p0 =	sle.u32 @!p1 s18, $0x3;
	s1 =	simm.s32 @!p1 $0x189A0;
	[sflag:s3] =	ssyncadd.s32 @!p1 $0xFFFFC000  }
0x1d7: {  	[spmem:s5] =	stream.indirect.scatter.add.f32 @!p1 [tilespmem:s1], [sflag:$0x5], $0x10, s25, s7, $0xb8;
	[tilespmem:$0x1F890] =	vst v63  }
0x1d8: {  	p2 =	por p0, p1;
	_ =	swait.ge @!p1 [sflag:s3], $0x800  }
0x1d9: {  	p0 =	sle.s32 s18, $0x1;
	s1 =	simm.s32 @!p2 $0xC9A0;
	[sflag:s3] =	ssyncset.done @!p1 $0x0  }
0x1da: {  	s7 =	simm.s32 @!p2 $0x80;
	[sflag:s3] =	ssyncadd.s32 @!p1 $0xFFFFF800;
	s3 =	simm.s32 @!p0 $0x3  }
0x1db: {  	[tilespmem:s1], [sflag:$0x2] =	stream.indirect.gather @!p2 [hbm4b:s2+s7], $0x80, s29, s7, $0xb8;
	[tilespmem:$0x1F890] =	vst v63  }
0x1dc: {  	_ =	swait.ge @!p0 [sflag:s3], $0x4000  }
0x1dd: {  	s21 =	simm.s32 @!p0 $0x80;
	s1 =	simm.s32 @!p0 $0x109A0;
	[sflag:s3] =	ssyncset.done @!p0 $0x0  }
0x1de: {  	s7 =	simm.s32 @!p0 $0x5;
	[sflag:s3] =	ssyncadd.s32 @!p0 $0xFFFFC000;
	s3 =	simm.s32 @!p0 $0xA220  }
0x1df: {  	[spmem:s4] =	stream.indirect.scatter.add.f32 @!p0 [tilespmem:s1], [sflag:$0x5], $0x80, s3, s21, $0xb8;
	[tilespmem:$0x1F890] =	vst v63  }
0x1e0: {  	_ =	swait.ge @!p0 [sflag:s7], $0x4000  }
0x1e1: {  	[sflag:s7] =	ssyncset.done @!p0 $0x0  }
0x1e2: {  	p1 =	sle.s32 @!p0 s18, $0x4;
	s1 =	simm.s32 @!p0 $0x189A0;
	[sflag:s7] =	ssyncadd.s32 @!p0 $0xFFFFC000  }
0x1e3: {  	[spmem:s5] =	stream.indirect.scatter.add.f32 @!p0 [tilespmem:s1], [sflag:$0x5], $0x10, s3, s21, $0xb8;
	[tilespmem:$0x1F890] =	vst v63  }
0x1e4: {  	p1 =	por p1, p0;
	_ =	swait.ge @!p0 [sflag:s7], $0x800  }
0x1e5: {  	p2 =	sle.s32 s18, $0x2;
	s1 =	simm.s32 @!p1 $0x80;
	[sflag:s7] =	ssyncset.done @!p0 $0x0  }
0x1e6: {  	s3 =	simm.s32 @!p1 $0x109A0;
	[sflag:s7] =	ssyncadd.s32 @!p0 $0xFFFFF800;
	s7 =	simm.s32 @!p1 $0x7BA0  }
0x1e7: {  	[tilespmem:s3], [sflag:$0x3] =	stream.indirect.gather @!p1 [hbm4b:s2+s1], $0x80, s7, s1, $0xb8;
	[tilespmem:$0x1F890] =	vst v63  }
0x1e8: {  	s26 =	sadd.s32 $0xFFFFFFFF, s20;
	s20 =	simm.s32 $0x7CA0;
	s1 =	simm.s32 @!p2 $0x4  }
0x1e9: {  	s25 =	simm.s32 $0xA320;
	s30 =	simm.s32 @!p2 $0x5;
	_ =	swait.ge @!p2 [sflag:s1], $0x4000  }
0x1ea: {  	s21 =	simm.s32 @!p2 $0x80;
	s3 =	simm.s32 @!p2 $0x149A0;
	[sflag:s1] =	ssyncset.done @!p2 $0x0  }
0x1eb: {  	s7 =	simm.s32 @!p2 $0xA2A0;
	p1 =	sne.s32 s26, $0x0;
	[sflag:s1] =	ssyncadd.s32 @!p2 $0xFFFFC000  }
0x1ec: {  	[spmem:s4] =	stream.indirect.scatter.add.f32 @!p2 [tilespmem:s3], [sflag:$0x5], $0x80, s7, s21, $0xb8;
	[tilespmem:$0x1F890] =	vst v63  }
.Ltmp9:
0x1ed: {  	p0 =	sle.s32 @!p2 s18, $0x5;
	_ =	swait.ge @!p2 [sflag:s30], $0x4000;
	(pc) =	sbr.rel @!p1 .LBB2_15-.Ltmp9, $4  }
0x1ee: {  	p3 =	por p0, p2;
	p0 =	por $0x1, $0x1;
	[sflag:s30] =	ssyncset.done @!p2 $0x0  }
0x1ef: {  	s1 =	simm.s32 @!p2 $0x189A0;
	s3 =	simm.s32 @!p3 $0x80;
	[sflag:s30] =	ssyncadd.s32 @!p2 $0xFFFFC000  }
0x1f0: {  	[spmem:s5] =	stream.indirect.scatter.add.f32 @!p2 [tilespmem:s1], [sflag:$0x5], $0x10, s7, s21, $0xb8;
	[tilespmem:$0x1F890] =	vst v63  }
0x1f1: {  	s21 =	simm.s32 $0x8;
	s7 =	simm.s32 $0x3;
	s1 =	simm.s32 @!p3 $0x149A0  }
.LBB2_16:
0x1f2: {  	p4 =	sge.s32 s7, s18;
	_ =	swait.ge @!p2 [sflag:s30], $0x800;
	s7 =	sadd.s32 @!p3 $0x100, s29  }
0x1f3: {  	s29 =	simm.s32 @!p4 $0x2;
	s9 =	sadd.s32 @!p4 $0xFFFFFFFE, s21;
	[sflag:s30] =	ssyncset.done @!p2 $0x0  }
0x1f4: {  	s26 =	sadd.s32 $0xFFFFFFFF, s26;
	p1 =	sge.u32 @!p4 s9, s18;
	[sflag:s30] =	ssyncadd.s32 @!p2 $0xFFFFF800  }
0x1f5: {  	[tilespmem:s1], [sflag:$0x4] =	stream.indirect.gather @!p3 [hbm4b:s2+s3], $0x80, s7, s3, $0xb8;
	[tilespmem:$0x1F890] =	vst v63  }
0x1f6: {  	s1 =	simm.s32 @!p4 $0x5;
	p3 =	por p1, p4;
	_ =	swait.ge @!p4 [sflag:s29], $0x4000  }
0x1f7: {  	s3 =	simm.s32 @!p4 $0x80;
	s7 =	simm.s32 @!p4 $0xC9A0;
	[sflag:s29] =	ssyncset.done @!p4 $0x0  }
0x1f8: {  	p1 =	sne.s32 s26, $0x0;
	[sflag:s29] =	ssyncadd.s32 @!p4 $0xFFFFC000;
	s29 =	smov.u32 s20  }
0x1f9: {  	[spmem:s4] =	stream.indirect.scatter.add.f32 @!p4 [tilespmem:s7], [sflag:$0x5], $0x80, s25, s3, $0xb8;
	[tilespmem:$0x1F890] =	vst v63  }
0x1fa: {  	_ =	swait.ge @!p4 [sflag:s1], $0x4000  }
0x1fb: {  	s7 =	simm.s32 @!p4 $0x189A0;
	[sflag:s1] =	ssyncset.done @!p4 $0x0  }
0x1fc: {  	[sflag:s1] =	ssyncadd.s32 @!p4 $0xFFFFC000  }
0x1fd: {  	[spmem:s5] =	stream.indirect.scatter.add.f32 @!p4 [tilespmem:s7], [sflag:$0x5], $0x10, s25, s3, $0xb8;
	[tilespmem:$0x1F890] =	vst v63  }
0x1fe: {  	s3 =	simm.s32 @!p3 $0xC9A0;
	s7 =	sadd.s32 $0xFFFFFFFC, s21;
	_ =	swait.ge @!p4 [sflag:s1], $0x800  }
0x1ff: {  	s9 =	simm.s32 @!p3 $0x80;
	p2 =	sge.s32 s7, s18;
	[sflag:s1] =	ssyncset.done @!p4 $0x0  }
0x200: {  	s7 =	sadd.s32 @!p2 $0xFFFFFFFF, s21;
	[sflag:s1] =	ssyncadd.s32 @!p4 $0xFFFFF800;
	s1 =	simm.s32 @!p2 $0x3  }
0x201: {  	[tilespmem:s3], [sflag:$0x2] =	stream.indirect.gather @!p3 [hbm4b:s2+s9], $0x80, s20, s9, $0xb8;
	[tilespmem:$0x1F890] =	vst v63  }
0x202: {  	p3 =	sge.s32 @!p2 s7, s18;
	_ =	swait.ge @!p2 [sflag:s1], $0x4000  }
0x203: {  	s3 =	simm.s32 @!p2 $0x109A0;
	s7 =	simm.s32 @!p2 $0x5;
	[sflag:s1] =	ssyncset.done @!p2 $0x0  }
0x204: {  	s9 =	simm.s32 @!p2 $0x80;
	[sflag:s1] =	ssyncadd.s32 @!p2 $0xFFFFC000;
	s1 =	sadd.s32 @!p2 $0x80, s25  }
0x205: {  	[spmem:s4] =	stream.indirect.scatter.add.f32 @!p2 [tilespmem:s3], [sflag:$0x5], $0x80, s1, s9, $0xb8;
	[tilespmem:$0x1F890] =	vst v63  }
0x206: {  	p3 =	por p3, p2;
	_ =	swait.ge @!p2 [sflag:s7], $0x4000  }
0x207: {  	[sflag:s7] =	ssyncset.done @!p2 $0x0  }
0x208: {  	s3 =	simm.s32 @!p2 $0x189A0;
	[sflag:s7] =	ssyncadd.s32 @!p2 $0xFFFFC000  }
0x209: {  	[spmem:s5] =	stream.indirect.scatter.add.f32 @!p2 [tilespmem:s3], [sflag:$0x5], $0x10, s1, s9, $0xb8;
	[tilespmem:$0x1F890] =	vst v63  }
0x20a: {  	s1 =	simm.s32 @!p3 $0x80;
	_ =	swait.ge @!p2 [sflag:s7], $0x800  }
0x20b: {  	s3 =	simm.s32 @!p3 $0x109A0;
	s9 =	sadd.s32 $0xFFFFFFFD, s21;
	[sflag:s7] =	ssyncset.done @!p2 $0x0  }
0x20c: {  	[sflag:s7] =	ssyncadd.s32 @!p2 $0xFFFFF800;
	s7 =	sadd.s32 @!p3 $0x80, s20;
	p2 =	sge.s32 s9, s18  }
0x20d: {  	[tilespmem:s3], [sflag:$0x3] =	stream.indirect.gather @!p3 [hbm4b:s2+s1], $0x80, s7, s1, $0xb8;
	[tilespmem:$0x1F890] =	vst v63  }
0x20e: {  	s1 =	simm.s32 @!p2 $0x4;
	p3 =	sge.s32 @!p2 s21, s18  }
0x20f: {  	s3 =	simm.s32 @!p2 $0x149A0;
	p3 =	por p3, p2;
	_ =	swait.ge @!p2 [sflag:s1], $0x4000  }
0x210: {  	s9 =	sadd.s32 @!p2 $0x100, s25;
	s10 =	simm.s32 @!p2 $0x80;
	[sflag:s1] =	ssyncset.done @!p2 $0x0  }
0x211: {  	s20 =	sadd.s32 $0x180, s20;
	s30 =	simm.s32 @!p2 $0x5;
	[sflag:s1] =	ssyncadd.s32 @!p2 $0xFFFFC000  }
0x212: {  	[spmem:s4] =	stream.indirect.scatter.add.f32 @!p2 [tilespmem:s3], [sflag:$0x5], $0x80, s9, s10, $0xb8;
	[tilespmem:$0x1F890] =	vst v63  }
.Ltmp10:
0x213: {  	_ = 	snop;
	(pc) =	sbr.rel @p1 .LBB2_16-.Ltmp10, $4  }
0x214: {  	s25 =	sadd.s32 $0x180, s25;
	s21 =	sadd.s32 $0x3, s21;
	_ =	swait.ge @!p2 [sflag:s30], $0x4000  }
0x215: {  	s11 =	simm.s32 @!p2 $0x189A0;
	s7 =	sadd.s32 $0xFFFFFFFB, s21;
	[sflag:s30] =	ssyncset.done @!p2 $0x0  }
0x216: {  	s1 =	simm.s32 @!p3 $0x149A0;
	s3 =	simm.s32 @!p3 $0x80;
	[sflag:s30] =	ssyncadd.s32 @!p2 $0xFFFFC000  }
0x217: {  	[spmem:s5] =	stream.indirect.scatter.add.f32 @!p2 [tilespmem:s11], [sflag:$0x5], $0x10, s9, s10, $0xb8;
	[tilespmem:$0x1F890] =	vst v63  }
.Ltmp11:
0x218: {  	(pc) =	sbr.rel .LBB2_18-.Ltmp11, $2  }
0x219: {  	_ =	sdelay $0x2  }
0x21a: {  	s26 =	smov.u32 s29;
	s29 =	smov.u32 s20  }
.LBB2_15:
.Ltmp12:
0x21b: {  	(pc) =	sbr.rel .LBB2_18-.Ltmp12, $2  }
0x21c: {  	_ =	sdelay $0x2  }
0x21d: {  	s26 =	simm.s32 $0x7B20;
	s29 =	simm.s32 $0x7CA0  }
.LBB2_20:
0x21e: {  	_ =	sfence.sel $0x180000  }
0x21f: {  	[bflag:$0x0] =	sbarrier.arrive $0xFFFF  }
0x220: {  	_ =	strace $0x90000047  }
0x221: {  	s0 =	stileid.u32;
	[bflag:$0x2] =	sbarrier.arrive $0xFFFF  }
0x222: {  	p0 =	sne.s32 s0, $0x0;
	s0 =	rddreg [dreg:$0x6]  }
0x223: {  	s0 =	sadd.s32 @!p0 $0x100000, s0  }
0x224: {  	[sflag:s0] =	ssyncadd.tile.s32 @!p0 $0x1;
	_ =	shalt  }
.Lfunc_end2:
_tile_overlayer_lowered:
.L_overlay_start_2:
0x225: {  	(tag) =	ssettag $0x2  }
0x226: {  	s0 =	rddreg [dreg:$0x0];
	s2 =	stileid.u32  }
0x227: {  	s1 =	rddreg [dreg:$0x1];
	p0 =	sne.s32 s2, $0x0  }
0x228: {  	s3 =	rddreg [dreg:$0x2];
	[bflag:$0x3] =	sbarrier.arrive $0xFFFF;
	s2 =	simm.s32 @!p0 $0x1C05  }
0x229: {  	[timem:s3], [sflag:s2] =	dma.local @!p0 [hbm:s0], s1  }
0x22a: {  	s0 =	simm.s32 @!p0 $0x5  }
0x22b: {  	_ =	swait.ge @!p0 [sflag:s0], s1  }
0x22c: {  	s1 =	ssub.s32 @!p0 $0x0, s1;
	[sflag:s0] =	ssyncset.done @!p0 $0x0  }
0x22d: {  	[sflag:s0] =	ssyncadd.s32 @!p0 s1  }
0x22e: {  	[bflag:$0x3] =	sbarrier.arrive $0xFFFF  }
0x22f: {  	_ =	shalt  }

</sc_bundles>
